<compile_context>
chip_gen: v7x
topology: tpu7x:2x2x1
jax: 0.10.2.dev20260603
libtpu: 0.0.44.dev20260713+nightly
codegen_flags: <defaults>
</compile_context>

<pallas_src>
import functools

import jax
import jax.numpy as jnp
from jax import lax
from jax.experimental import pallas as pl
from jax.experimental.pallas import tpu as pltpu
from jax.experimental.pallas import tpu_sc as plsc

_N = 10000
_E = 160000
_H = 128
_G = 64
_EPS = 1e-6

_NC, _NS = 2, 16
_NW = _NC * _NS
_CHUNK = 128
_NCHUNKS = _E // _CHUNK
_RPS = 632
_RPS_LAST = _N - (_NS - 1) * _RPS

_S = 3
_NG = 13
_TAIL = _NCHUNKS - _NG * _S * _NW


@functools.cache
def _sc_kernels():
    mesh = plsc.VectorSubcoreMesh(
        core_axis_name="c", subcore_axis_name="s",
        num_cores=_NC, num_subcores=_NS,
    )

    @functools.partial(
        pl.kernel,
        out_type=jax.ShapeDtypeStruct((_NC, _N, _H), jnp.float32),
        mesh=mesh,
        scratch_types=[
            [pltpu.VMEM((_CHUNK,), jnp.int32) for _ in range(_S)],
            pltpu.VMEM((_CHUNK, _H), jnp.float32),
            pltpu.VMEM_SHARED((_N, _H), jnp.float32),
            [pltpu.SemaphoreType.DMA for _ in range(_S)],
            [pltpu.SemaphoreType.DMA for _ in range(_S)],
        ],
    )
    def deg_kernel(dst_hbm, ones_hbm, zeros_hbm, out_hbm,
                   dst_v, ones_v, acc_sh, isem, ssem):
        c = lax.axis_index("c")
        s = lax.axis_index("s")
        w = s * _NC + c

        def my_rows(fn):
            @pl.when(s < _NS - 1)
            def _():
                fn(pl.ds(s * _RPS, _RPS))

            @pl.when(s == _NS - 1)
            def _():
                fn(pl.ds((_NS - 1) * _RPS, _RPS_LAST))

        my_rows(lambda sl: pltpu.sync_copy(zeros_hbm.at[sl], acc_sh.at[sl]))
        pltpu.sync_copy(ones_hbm, ones_v)
        plsc.subcore_barrier()

        def drain_scatter(j):
            pltpu.make_async_copy(ones_v, acc_sh.at[dst_v[j]], ssem[j]).wait()

        @pl.loop(0, _NG)
        def _(g):
            idx = []
            for j in range(_S):
                @pl.when(g > 0)
                def _():
                    drain_scatter(j)
                base = (w + (g * _S + j) * _NW) * _CHUNK
                idx.append(pltpu.async_copy(
                    dst_hbm.at[pl.ds(base, _CHUNK)], dst_v[j], isem[j]))
            for j in range(_S):
                idx[j].wait()
                pltpu.async_copy(ones_v, acc_sh.at[dst_v[j]], ssem[j],
                                 add=True)

        for j in range(_S):
            drain_scatter(j)

        @pl.when(w < _TAIL)
        def _():
            base = (_NG * _S * _NW + w) * _CHUNK
            pltpu.sync_copy(dst_hbm.at[pl.ds(base, _CHUNK)], dst_v[0])
            pltpu.sync_copy(ones_v, acc_sh.at[dst_v[0]], add=True)

        plsc.subcore_barrier()
        my_rows(lambda sl: pltpu.sync_copy(acc_sh.at[sl], out_hbm.at[c, sl]))

    @functools.partial(
        pl.kernel,
        out_type=jax.ShapeDtypeStruct((_NC, _N, _H), jnp.float32),
        mesh=mesh,
        scratch_types=[
            [pltpu.VMEM((_CHUNK,), jnp.int32) for _ in range(2 * _S)],
            [pltpu.VMEM((_CHUNK,), jnp.int32) for _ in range(2 * _S)],
            [pltpu.VMEM((_CHUNK, _H), jnp.float32) for _ in range(_S)],
            pltpu.VMEM_SHARED((_N, _H), jnp.float32),
            [pltpu.SemaphoreType.DMA for _ in range(2 * _S)],
            [pltpu.SemaphoreType.DMA for _ in range(_S)],
            [pltpu.SemaphoreType.DMA for _ in range(_S)],
        ],
    )
    def edge_acc_kernel(hs_hbm, src_hbm, dst_hbm, zeros_hbm, out_hbm,
                        src_v, dst_v, rows_v, acc_sh, isem, gsem, ssem):
        c = lax.axis_index("c")
        s = lax.axis_index("s")
        w = s * _NC + c

        def my_rows(fn):
            @pl.when(s < _NS - 1)
            def _():
                fn(pl.ds(s * _RPS, _RPS))

            @pl.when(s == _NS - 1)
            def _():
                fn(pl.ds((_NS - 1) * _RPS, _RPS_LAST))

        my_rows(lambda sl: pltpu.sync_copy(zeros_hbm.at[sl], acc_sh.at[sl]))
        plsc.subcore_barrier()

        def drain_scatter(j):
            pltpu.make_async_copy(rows_v[j], acc_sh.at[dst_v[j]],
                                  ssem[j]).wait()

        def run_group(g, b, drain):
            sv = src_v[b * _S:(b + 1) * _S]
            dv = dst_v[b * _S:(b + 1) * _S]
            sm = isem[b * _S:(b + 1) * _S]
            idx = []
            for j in range(_S):
                base = (w + (g * _S + j) * _NW) * _CHUNK
                idx.append((
                    pltpu.async_copy(src_hbm.at[pl.ds(base, _CHUNK)],
                                     sv[j], sm[j]),
                    pltpu.async_copy(dst_hbm.at[pl.ds(base, _CHUNK)],
                                     dv[j], sm[j]),
                ))
            gathers = []
            for j in range(_S):
                idx[j][0].wait()
                idx[j][1].wait()
                drain(j)
                gathers.append(pltpu.async_copy(hs_hbm.at[sv[j]],
                                                rows_v[j], gsem[j]))
            for j in range(_S):
                gathers[j].wait()
                pltpu.async_copy(rows_v[j], acc_sh.at[dv[j]], ssem[j],
                                 add=True)

        @pl.loop(0, _NG // 2)
        def _(i):
            def drain_first(j):
                @pl.when(i > 0)
                def _():
                    drain_scatter(j)
            run_group(2 * i, 0, drain_first)
            run_group(2 * i + 1, 1, drain_scatter)

        run_group(_NG - 1, 0, drain_scatter)
        for j in range(_S):
            drain_scatter(j)

        @pl.when(w < _TAIL)
        def _():
            base = (_NG * _S * _NW + w) * _CHUNK
            pltpu.sync_copy(src_hbm.at[pl.ds(base, _CHUNK)], src_v[0])
            pltpu.sync_copy(dst_hbm.at[pl.ds(base, _CHUNK)], dst_v[0])
            pltpu.async_copy(hs_hbm.at[src_v[0]], rows_v[0], gsem[0]).wait()
            pltpu.sync_copy(rows_v[0], acc_sh.at[dst_v[0]], add=True)

        plsc.subcore_barrier()
        my_rows(lambda sl: pltpu.sync_copy(acc_sh.at[sl], out_hbm.at[c, sl]))

    return deg_kernel, edge_acc_kernel


def _matmul_body(x_ref, w1_ref, h_ref):
    h_ref[...] = jnp.dot(x_ref[...], w1_ref[...],
                         preferred_element_type=jnp.float32)


def _phase2_body(h_ref, dacc_ref, hs_ref, dinv_ref):
    deg = dacc_ref[0, :_N, 0:1] + dacc_ref[1, :_N, 0:1] + 1.0
    dinv = lax.rsqrt(deg)
    hs_ref[...] = h_ref[...] * dinv
    dinv_ref[...] = dinv


def _phase4_body(acc_ref, hs1_ref, dinv_ref, b1_ref, w2_ref, hs2_ref):
    dinv = dinv_ref[...]
    h = (acc_ref[0, :_N] + acc_ref[1, :_N] + hs1_ref[...]) * dinv + b1_ref[...]
    h = jnp.maximum(h, 0.0)
    hs2_ref[...] = jnp.dot(h, w2_ref[...], preferred_element_type=jnp.float32) * dinv


def _phase6_body(acc_ref, hs2_ref, dinv_ref, b2_ref, batch_ref, maskf_ref,
                 wout_ref, bout_ref, out_ref):
    dinv = dinv_ref[...]
    h = (acc_ref[0, :_N] + acc_ref[1, :_N] + hs2_ref[...]) * dinv + b2_ref[...]
    h = jnp.maximum(h, 0.0)
    gids = lax.broadcasted_iota(jnp.int32, (_G, _N), 0)
    in_g = (batch_ref[...] == gids).astype(jnp.float32)
    in_g_m = in_g * maskf_ref[...]
    ent_sum = jnp.dot(in_g_m, h, preferred_element_type=jnp.float32)
    pool_sum = jnp.dot(in_g, h, preferred_element_type=jnp.float32)
    ent_cnt = jnp.sum(in_g_m, axis=1, keepdims=True)
    node_cnt = jnp.sum(in_g, axis=1, keepdims=True)
    doc = jnp.where(ent_cnt < _EPS,
                    pool_sum / jnp.maximum(node_cnt, 1.0),
                    ent_sum / (ent_cnt + _EPS))
    logits = jnp.dot(doc, wout_ref[...], preferred_element_type=jnp.float32)
    logits = logits + bout_ref[...]
    zmax = jnp.max(logits, axis=1, keepdims=True)
    z = logits - zmax
    out_ref[...] = z - jnp.log(jnp.sum(jnp.exp(z), axis=1, keepdims=True))


def kernel(x_fp16, ei, batch, mask, W1, b1, W2, b2, Wout, bout):
    x_f32 = x_fp16.astype(jnp.float32)
    src = ei[0].astype(jnp.int32)
    dst = ei[1].astype(jnp.int32)
    batch_i = batch.astype(jnp.int32).reshape(1, _N)
    maskf = mask.astype(jnp.float32).reshape(1, _N)
    onesH = jnp.ones((_CHUNK, _H), jnp.float32)
    zerosH = jnp.zeros((_N, _H), jnp.float32)

    deg_kernel, edge_acc_kernel = _sc_kernels()
    dacc = deg_kernel(dst, onesH, zerosH)

    h1 = pl.pallas_call(
        _matmul_body,
        out_shape=jax.ShapeDtypeStruct((_N, _H), jnp.float32),
    )(x_f32, W1)

    hs1, dinv = pl.pallas_call(
        _phase2_body,
        out_shape=(
            jax.ShapeDtypeStruct((_N, _H), jnp.float32),
            jax.ShapeDtypeStruct((_N, 1), jnp.float32),
        ),
    )(h1, dacc)

    acc1 = edge_acc_kernel(hs1, src, dst, zerosH)

    hs2 = pl.pallas_call(
        _phase4_body,
        out_shape=jax.ShapeDtypeStruct((_N, _H), jnp.float32),
    )(acc1, hs1, dinv, b1.reshape(1, _H), W2)

    acc2 = edge_acc_kernel(hs2, src, dst, zerosH)

    out = pl.pallas_call(
        _phase6_body,
        out_shape=jax.ShapeDtypeStruct((_G, bout.shape[0]), jnp.float32),
    )(acc2, hs2, dinv, b2.reshape(1, _H), batch_i, maskf, Wout,
      bout.reshape(1, bout.shape[0]))
    return out

# --- scband reference (transcript-rebuilt; emitter-appended) ---
"""Pipeline reference for scband-ewgcn-50474455662617 (READ-ONLY COPY).

The authoritative reference and input builder live on the scoring server;
editing this copy changes nothing except your own understanding.
"""

import jax, jax.numpy as jnp
import numpy as np

N = 10000
E = 160000
EMBED_DIM = 300
HIDDEN = 128
N_CLS = 20
NUM_GRAPHS = 64
EPSILON = 1e-06


def setup_inputs(seed: int = 0) -> dict:
    key = jax.random.key(seed)
    ks = jax.random.split(key, 10)
    x_fp16 = jax.random.normal(ks[0], (N, EMBED_DIM), dtype=jnp.float16)
    ei = jax.random.randint(ks[1], (2, E), 0, N, dtype=jnp.int64)
    batch = jnp.sort(jax.random.randint(ks[2], (N,), 0, NUM_GRAPHS, dtype=jnp.int64))
    mask = jax.random.randint(ks[3], (N,), 0, 2).astype(jnp.bool_)
    s1 = 1.0 / np.sqrt(EMBED_DIM)
    s2 = 1.0 / np.sqrt(HIDDEN)
    W1 = jax.random.uniform(ks[4], (EMBED_DIM, HIDDEN), minval=-s1, maxval=s1, dtype=jnp.float32)
    b1 = jnp.zeros((HIDDEN,), dtype=jnp.float32)
    W2 = jax.random.uniform(ks[5], (HIDDEN, HIDDEN), minval=-s2, maxval=s2, dtype=jnp.float32)
    b2 = jnp.zeros((HIDDEN,), dtype=jnp.float32)
    Wout = jax.random.uniform(ks[6], (HIDDEN, N_CLS), minval=-s2, maxval=s2, dtype=jnp.float32)
    bout = jax.random.uniform(ks[7], (N_CLS,), minval=-s2, maxval=s2, dtype=jnp.float32)
    return {"x_fp16": x_fp16, "ei": ei, "batch": batch, "mask": mask,
            "W1": W1, "b1": b1, "W2": W2, "b2": b2, "Wout": Wout, "bout": bout}


def _gcn_conv(x, ei, W, b):
    n = x.shape[0]
    loop = jnp.arange(n, dtype=ei.dtype)
    src = jnp.concatenate([ei[0], loop])
    dst = jnp.concatenate([ei[1], loop])
    deg = jnp.zeros((n,), dtype=jnp.float32).at[dst].add(1.0)
    dinv = jnp.where(deg > 0, 1.0 / jnp.sqrt(deg), 0.0)
    norm = dinv[src] * dinv[dst]
    h = x @ W
    msg = h[src] * norm[:, None]
    out = jnp.zeros((n, W.shape[1]), dtype=jnp.float32).at[dst].add(msg)
    return out + b


def reference(x_fp16, ei, batch, mask, W1, b1, W2, b2, Wout, bout):
    x = x_fp16.astype(jnp.float32)
    h = jax.nn.relu(_gcn_conv(x, ei, W1, b1))
    h = jax.nn.relu(_gcn_conv(h, ei, W2, b2))
    m = mask.astype(jnp.float32)[:, None]
    ent_sum = jax.ops.segment_sum(h * m, batch, num_segments=NUM_GRAPHS)
    ent_cnt = jax.ops.segment_sum(m, batch, num_segments=NUM_GRAPHS)
    doc_vec = ent_sum / (ent_cnt + EPSILON)
    zero = ent_cnt[:, 0] < EPSILON
    node_cnt = jax.ops.segment_sum(jnp.ones((h.shape[0], 1), dtype=jnp.float32), batch, num_segments=NUM_GRAPHS)
    mean_pool = jax.ops.segment_sum(h, batch, num_segments=NUM_GRAPHS) / jnp.maximum(node_cnt, 1.0)
    doc_vec = jnp.where(zero[:, None], mean_pool, doc_vec)
    logits = doc_vec @ Wout + bout
    return jax.nn.log_softmax(logits, axis=1)

if __name__ == "__main__":
    import jax
    _d = setup_inputs()
    print(jax.jit(kernel)(*tuple(_d.values())))

</pallas_src>

<mosaic_0001>
#map = affine_map<(d0, d1) -> (0, 0)>
#map1 = affine_map<(d0, d1) -> (0)>
#map2 = affine_map<(d0, d1) -> (0, 0, 0)>
module attributes {stable_mosaic.version = 14 : i64} {
  func.func @edge_acc_kernel(%arg0: i32, %arg1: i32, %arg2: memref<10000x128xf32, #tpu.memory_space<hbm>>, %arg3: memref<160000xi32, #tpu.memory_space<hbm>>, %arg4: memref<160000xi32, #tpu.memory_space<hbm>>, %arg5: memref<10000x128xf32, #tpu.memory_space<hbm>>, %arg6: memref<2x10000x128xf32, #tpu.memory_space<hbm>>, %arg7: memref<128xi32, #tpu.memory_space<vmem>>, %arg8: memref<128xi32, #tpu.memory_space<vmem>>, %arg9: memref<128xi32, #tpu.memory_space<vmem>>, %arg10: memref<128xi32, #tpu.memory_space<vmem>>, %arg11: memref<128xi32, #tpu.memory_space<vmem>>, %arg12: memref<128xi32, #tpu.memory_space<vmem>>, %arg13: memref<128xi32, #tpu.memory_space<vmem>>, %arg14: memref<128xi32, #tpu.memory_space<vmem>>, %arg15: memref<128xi32, #tpu.memory_space<vmem>>, %arg16: memref<128xi32, #tpu.memory_space<vmem>>, %arg17: memref<128xi32, #tpu.memory_space<vmem>>, %arg18: memref<128xi32, #tpu.memory_space<vmem>>, %arg19: memref<128x128xf32, #tpu.memory_space<vmem>>, %arg20: memref<128x128xf32, #tpu.memory_space<vmem>>, %arg21: memref<128x128xf32, #tpu.memory_space<vmem>>, %arg22: memref<10000x128xf32, #tpu.memory_space<vmem_shared>>, %arg23: memref<!tpu.dma_semaphore, #tpu.memory_space<semaphore_mem>>, %arg24: memref<!tpu.dma_semaphore, #tpu.memory_space<semaphore_mem>>, %arg25: memref<!tpu.dma_semaphore, #tpu.memory_space<semaphore_mem>>, %arg26: memref<!tpu.dma_semaphore, #tpu.memory_space<semaphore_mem>>, %arg27: memref<!tpu.dma_semaphore, #tpu.memory_space<semaphore_mem>>, %arg28: memref<!tpu.dma_semaphore, #tpu.memory_space<semaphore_mem>>, %arg29: memref<!tpu.dma_semaphore, #tpu.memory_space<semaphore_mem>>, %arg30: memref<!tpu.dma_semaphore, #tpu.memory_space<semaphore_mem>>, %arg31: memref<!tpu.dma_semaphore, #tpu.memory_space<semaphore_mem>>, %arg32: memref<!tpu.dma_semaphore, #tpu.memory_space<semaphore_mem>>, %arg33: memref<!tpu.dma_semaphore, #tpu.memory_space<semaphore_mem>>, %arg34: memref<!tpu.dma_semaphore, #tpu.memory_space<semaphore_mem>>) attributes {dimension_semantics = [#tpu.dimension_semantics<core_parallel>, #tpu.dimension_semantics<subcore_parallel>], iteration_bounds = array<i64: 2, 16>, scalar_prefetch = 0 : i64, scratch_operands = 28 : i64, tpu.core_type = #tpu.core_type<sc_vector_subcore>, window_params = [{transform_indices = #map}, {transform_indices = #map1}, {transform_indices = #map1}, {transform_indices = #map}, {transform_indices = #map2}]} {
    %mul3A = arith.constant 2 : i32
    %mul3A_0 = arith.muli %arg1, %mul3A : i32
    %add3A = arith.addi %mul3A_0, %arg0 : i32
    %lt3A = arith.constant 15 : i32
    %lt3A_1 = arith.cmpi slt, %arg1, %lt3A : i32
    %convert_element_type3A = arith.extui %lt3A_1 : i1 to i32
    %cond3A = arith.constant 0 : i32
    %cond3A_2 = arith.cmpi ne, %convert_element_type3A, %cond3A : i32
    scf.if %cond3A_2 {
      %mul3A_106 = arith.constant 632 : i32
      %mul3A_107 = arith.muli %arg1, %mul3A_106 : i32
      "tpu.region"() ({
        %run_scoped3A = tpu.sem_alloc : memref<!tpu.dma_semaphore, #tpu.memory_space<semaphore_mem>>
        %dma_start3A_108 = arith.constant 0 : i32
        %dma_start3A_109 = tpu.memref_slice %arg22[%mul3A_107, %dma_start3A_108] : memref<10000x128xf32, #tpu.memory_space<vmem_shared>> -> memref<632x128xf32, #tpu.memory_space<vmem_shared>>
        %dma_start3A_110 = arith.constant 0 : i32
        %dma_start3A_111 = tpu.memref_slice %arg5[%mul3A_107, %dma_start3A_110] : memref<10000x128xf32, #tpu.memory_space<hbm>> -> memref<632x128xf32, #tpu.memory_space<hbm>>
        tpu.enqueue_dma source(%dma_start3A_111 : memref<632x128xf32, #tpu.memory_space<hbm>>) target(%dma_start3A_109 : memref<632x128xf32, #tpu.memory_space<vmem_shared>>) target_semaphore(%run_scoped3A : memref<!tpu.dma_semaphore, #tpu.memory_space<semaphore_mem>>)
        %dma_wait3A_112 = arith.constant 0 : i32
        %dma_wait3A_113 = tpu.memref_slice %arg22[%mul3A_107, %dma_wait3A_112] : memref<10000x128xf32, #tpu.memory_space<vmem_shared>> -> memref<632x128xf32, #tpu.memory_space<vmem_shared>>
        %dma_wait3A_114 = arith.constant 0 : i32
        %dma_wait3A_115 = tpu.memref_slice %arg5[%mul3A_107, %dma_wait3A_114] : memref<10000x128xf32, #tpu.memory_space<hbm>> -> memref<632x128xf32, #tpu.memory_space<hbm>>
        tpu.wait_dma2 semaphore(%run_scoped3A : memref<!tpu.dma_semaphore, #tpu.memory_space<semaphore_mem>>) src(%dma_wait3A_115 : memref<632x128xf32, #tpu.memory_space<hbm>>) dst(%dma_wait3A_113 : memref<632x128xf32, #tpu.memory_space<vmem_shared>>)
        tpu.yield
      }) : () -> ()
    } else {
    }
    %eq3A = arith.constant 15 : i32
    %eq3A_3 = arith.cmpi eq, %arg1, %eq3A : i32
    %convert_element_type3A_4 = arith.extui %eq3A_3 : i1 to i32
    %cond3A_5 = arith.constant 0 : i32
    %cond3A_6 = arith.cmpi ne, %convert_element_type3A_4, %cond3A_5 : i32
    scf.if %cond3A_6 {
      "tpu.region"() ({
        %run_scoped3A = tpu.sem_alloc : memref<!tpu.dma_semaphore, #tpu.memory_space<semaphore_mem>>
        %dma_start3A_106 = arith.constant 9480 : i32
        %dma_start3A_107 = arith.constant 0 : i32
        %dma_start3A_108 = tpu.memref_slice %arg22[%dma_start3A_106, %dma_start3A_107] : memref<10000x128xf32, #tpu.memory_space<vmem_shared>> -> memref<520x128xf32, #tpu.memory_space<vmem_shared>>
        %dma_start3A_109 = arith.constant 9480 : i32
        %dma_start3A_110 = arith.constant 0 : i32
        %dma_start3A_111 = tpu.memref_slice %arg5[%dma_start3A_109, %dma_start3A_110] : memref<10000x128xf32, #tpu.memory_space<hbm>> -> memref<520x128xf32, #tpu.memory_space<hbm>>
        tpu.enqueue_dma source(%dma_start3A_111 : memref<520x128xf32, #tpu.memory_space<hbm>>) target(%dma_start3A_108 : memref<520x128xf32, #tpu.memory_space<vmem_shared>>) target_semaphore(%run_scoped3A : memref<!tpu.dma_semaphore, #tpu.memory_space<semaphore_mem>>)
        %dma_wait3A_112 = arith.constant 9480 : i32
        %dma_wait3A_113 = arith.constant 0 : i32
        %dma_wait3A_114 = tpu.memref_slice %arg22[%dma_wait3A_112, %dma_wait3A_113] : memref<10000x128xf32, #tpu.memory_space<vmem_shared>> -> memref<520x128xf32, #tpu.memory_space<vmem_shared>>
        %dma_wait3A_115 = arith.constant 9480 : i32
        %dma_wait3A_116 = arith.constant 0 : i32
        %dma_wait3A_117 = tpu.memref_slice %arg5[%dma_wait3A_115, %dma_wait3A_116] : memref<10000x128xf32, #tpu.memory_space<hbm>> -> memref<520x128xf32, #tpu.memory_space<hbm>>
        tpu.wait_dma2 semaphore(%run_scoped3A : memref<!tpu.dma_semaphore, #tpu.memory_space<semaphore_mem>>) src(%dma_wait3A_117 : memref<520x128xf32, #tpu.memory_space<hbm>>) dst(%dma_wait3A_114 : memref<520x128xf32, #tpu.memory_space<vmem_shared>>)
        tpu.yield
      }) : () -> ()
    } else {
    }
    %barrier3A = arith.constant 0 : index
    tpu.barrier barrier_id(%barrier3A)
    %scan3A = arith.constant 0 : i32
    %scan3A_7 = arith.constant 6 : i32
    %scan3A_8 = arith.addi %scan3A, %scan3A_7 : i32
    %scan3A_9 = arith.constant 1 : i32
    scf.for %scan3A_106 = %scan3A to %scan3A_8 step %scan3A_9  : i32 {
      %mul3A_107 = arith.constant 1 : i32
      %mul3A_108 = arith.muli %scan3A_106, %mul3A_107 : i32
      %add3A_109 = arith.constant 0 : i32
      %add3A_110 = arith.addi %add3A_109, %mul3A_108 : i32
      %mul3A_111 = arith.constant 2 : i32
      %mul3A_112 = arith.muli %mul3A_111, %add3A_110 : i32
      %mul3A_113 = arith.constant 3 : i32
      %mul3A_114 = arith.muli %mul3A_112, %mul3A_113 : i32
      %add3A_115 = arith.constant 0 : i32
      %add3A_116 = arith.addi %mul3A_114, %add3A_115 : i32
      %mul3A_117 = arith.constant 32 : i32
      %mul3A_118 = arith.muli %add3A_116, %mul3A_117 : i32
      %add3A_119 = arith.addi %add3A, %mul3A_118 : i32
      %mul3A_120 = arith.constant 128 : i32
      %mul3A_121 = arith.muli %add3A_119, %mul3A_120 : i32
      %dma_start3A_122 = tpu.memref_slice %arg3[%mul3A_121] : memref<160000xi32, #tpu.memory_space<hbm>> -> memref<128xi32, #tpu.memory_space<hbm>>
      %dma_start3A_123 = tpu.memref_slice %arg3[%mul3A_121] : memref<160000xi32, #tpu.memory_space<hbm>> -> memref<128xi32, #tpu.memory_space<hbm>>
      tpu.enqueue_dma source(%dma_start3A_123 : memref<128xi32, #tpu.memory_space<hbm>>) target(%arg7 : memref<128xi32, #tpu.memory_space<vmem>>) target_semaphore(%arg23 : memref<!tpu.dma_semaphore, #tpu.memory_space<semaphore_mem>>)
      %dma_start3A_124 = tpu.memref_slice %arg4[%mul3A_121] : memref<160000xi32, #tpu.memory_space<hbm>> -> memref<128xi32, #tpu.memory_space<hbm>>
      %dma_start3A_125 = tpu.memref_slice %arg4[%mul3A_121] : memref<160000xi32, #tpu.memory_space<hbm>> -> memref<128xi32, #tpu.memory_space<hbm>>
      tpu.enqueue_dma source(%dma_start3A_125 : memref<128xi32, #tpu.memory_space<hbm>>) target(%arg13 : memref<128xi32, #tpu.memory_space<vmem>>) target_semaphore(%arg23 : memref<!tpu.dma_semaphore, #tpu.memory_space<semaphore_mem>>)
      %mul3A_126 = arith.constant 3 : i32
      %mul3A_127 = arith.muli %mul3A_112, %mul3A_126 : i32
      %add3A_128 = arith.constant 1 : i32
      %add3A_129 = arith.addi %mul3A_127, %add3A_128 : i32
      %mul3A_130 = arith.constant 32 : i32
      %mul3A_131 = arith.muli %add3A_129, %mul3A_130 : i32
      %add3A_132 = arith.addi %add3A, %mul3A_131 : i32
      %mul3A_133 = arith.constant 128 : i32
      %mul3A_134 = arith.muli %add3A_132, %mul3A_133 : i32
      %dma_start3A_135 = tpu.memref_slice %arg3[%mul3A_134] : memref<160000xi32, #tpu.memory_space<hbm>> -> memref<128xi32, #tpu.memory_space<hbm>>
      %dma_start3A_136 = tpu.memref_slice %arg3[%mul3A_134] : memref<160000xi32, #tpu.memory_space<hbm>> -> memref<128xi32, #tpu.memory_space<hbm>>
      tpu.enqueue_dma source(%dma_start3A_136 : memref<128xi32, #tpu.memory_space<hbm>>) target(%arg8 : memref<128xi32, #tpu.memory_space<vmem>>) target_semaphore(%arg24 : memref<!tpu.dma_semaphore, #tpu.memory_space<semaphore_mem>>)
      %dma_start3A_137 = tpu.memref_slice %arg4[%mul3A_134] : memref<160000xi32, #tpu.memory_space<hbm>> -> memref<128xi32, #tpu.memory_space<hbm>>
      %dma_start3A_138 = tpu.memref_slice %arg4[%mul3A_134] : memref<160000xi32, #tpu.memory_space<hbm>> -> memref<128xi32, #tpu.memory_space<hbm>>
      tpu.enqueue_dma source(%dma_start3A_138 : memref<128xi32, #tpu.memory_space<hbm>>) target(%arg14 : memref<128xi32, #tpu.memory_space<vmem>>) target_semaphore(%arg24 : memref<!tpu.dma_semaphore, #tpu.memory_space<semaphore_mem>>)
      %mul3A_139 = arith.constant 3 : i32
      %mul3A_140 = arith.muli %mul3A_112, %mul3A_139 : i32
      %add3A_141 = arith.constant 2 : i32
      %add3A_142 = arith.addi %mul3A_140, %add3A_141 : i32
      %mul3A_143 = arith.constant 32 : i32
      %mul3A_144 = arith.muli %add3A_142, %mul3A_143 : i32
      %add3A_145 = arith.addi %add3A, %mul3A_144 : i32
      %mul3A_146 = arith.constant 128 : i32
      %mul3A_147 = arith.muli %add3A_145, %mul3A_146 : i32
      %dma_start3A_148 = tpu.memref_slice %arg3[%mul3A_147] : memref<160000xi32, #tpu.memory_space<hbm>> -> memref<128xi32, #tpu.memory_space<hbm>>
      %dma_start3A_149 = tpu.memref_slice %arg3[%mul3A_147] : memref<160000xi32, #tpu.memory_space<hbm>> -> memref<128xi32, #tpu.memory_space<hbm>>
      tpu.enqueue_dma source(%dma_start3A_149 : memref<128xi32, #tpu.memory_space<hbm>>) target(%arg9 : memref<128xi32, #tpu.memory_space<vmem>>) target_semaphore(%arg25 : memref<!tpu.dma_semaphore, #tpu.memory_space<semaphore_mem>>)
      %dma_start3A_150 = tpu.memref_slice %arg4[%mul3A_147] : memref<160000xi32, #tpu.memory_space<hbm>> -> memref<128xi32, #tpu.memory_space<hbm>>
      %dma_start3A_151 = tpu.memref_slice %arg4[%mul3A_147] : memref<160000xi32, #tpu.memory_space<hbm>> -> memref<128xi32, #tpu.memory_space<hbm>>
      tpu.enqueue_dma source(%dma_start3A_151 : memref<128xi32, #tpu.memory_space<hbm>>) target(%arg15 : memref<128xi32, #tpu.memory_space<vmem>>) target_semaphore(%arg25 : memref<!tpu.dma_semaphore, #tpu.memory_space<semaphore_mem>>)
      %dma_wait3A_152 = tpu.memref_slice %arg3[%mul3A_121] : memref<160000xi32, #tpu.memory_space<hbm>> -> memref<128xi32, #tpu.memory_space<hbm>>
      %dma_wait3A_153 = tpu.memref_slice %arg3[%mul3A_121] : memref<160000xi32, #tpu.memory_space<hbm>> -> memref<128xi32, #tpu.memory_space<hbm>>
      tpu.wait_dma2 semaphore(%arg23 : memref<!tpu.dma_semaphore, #tpu.memory_space<semaphore_mem>>) src(%dma_wait3A_153 : memref<128xi32, #tpu.memory_space<hbm>>) dst(%arg7 : memref<128xi32, #tpu.memory_space<vmem>>)
      %dma_wait3A_154 = tpu.memref_slice %arg4[%mul3A_121] : memref<160000xi32, #tpu.memory_space<hbm>> -> memref<128xi32, #tpu.memory_space<hbm>>
      %dma_wait3A_155 = tpu.memref_slice %arg4[%mul3A_121] : memref<160000xi32, #tpu.memory_space<hbm>> -> memref<128xi32, #tpu.memory_space<hbm>>
      tpu.wait_dma2 semaphore(%arg23 : memref<!tpu.dma_semaphore, #tpu.memory_space<semaphore_mem>>) src(%dma_wait3A_155 : memref<128xi32, #tpu.memory_space<hbm>>) dst(%arg13 : memref<128xi32, #tpu.memory_space<vmem>>)
      %gt3A = arith.constant 0 : i32
      %gt3A_156 = arith.cmpi sgt, %add3A_110, %gt3A : i32
      %convert_element_type3A_157 = arith.extui %gt3A_156 : i1 to i32
      %cond3A_158 = arith.constant 0 : i32
      %cond3A_159 = arith.cmpi ne, %convert_element_type3A_157, %cond3A_158 : i32
      scf.if %cond3A_159 {
        %dma_wait3A_296 = arith.constant 0 : i32
        %dma_wait3A_297 = arith.constant 0 : i32
        %dma_wait3A_298 = tpu.memref_slice %arg22[%dma_wait3A_296, %dma_wait3A_297] : memref<10000x128xf32, #tpu.memory_space<vmem_shared>> -> memref<10000x128xf32, #tpu.memory_space<vmem_shared>>
        tpu.wait_indirect_dma semaphore(%arg32 : memref<!tpu.dma_semaphore, #tpu.memory_space<semaphore_mem>>) src(%arg19 : memref<128x128xf32, #tpu.memory_space<vmem>>) dst(%dma_wait3A_298 : memref<10000x128xf32, #tpu.memory_space<vmem_shared>>)
      } else {
      }
      %dma_start3A_160 = arith.constant 0 : i32
      %dma_start3A_161 = arith.constant 0 : i32
      %dma_start3A_162 = tpu.memref_slice %arg2[%dma_start3A_160, %dma_start3A_161] : memref<10000x128xf32, #tpu.memory_space<hbm>> -> memref<10000x128xf32, #tpu.memory_space<hbm>>
      tpu.enqueue_indirect_dma source(%dma_start3A_162 : memref<10000x128xf32, #tpu.memory_space<hbm>>) target(%arg19 : memref<128x128xf32, #tpu.memory_space<vmem>>) offsets(%arg7 : memref<128xi32, #tpu.memory_space<vmem>>) semaphore(%arg29 : memref<!tpu.dma_semaphore, #tpu.memory_space<semaphore_mem>>)
      %dma_wait3A_163 = tpu.memref_slice %arg3[%mul3A_134] : memref<160000xi32, #tpu.memory_space<hbm>> -> memref<128xi32, #tpu.memory_space<hbm>>
      %dma_wait3A_164 = tpu.memref_slice %arg3[%mul3A_134] : memref<160000xi32, #tpu.memory_space<hbm>> -> memref<128xi32, #tpu.memory_space<hbm>>
      tpu.wait_dma2 semaphore(%arg24 : memref<!tpu.dma_semaphore, #tpu.memory_space<semaphore_mem>>) src(%dma_wait3A_164 : memref<128xi32, #tpu.memory_space<hbm>>) dst(%arg8 : memref<128xi32, #tpu.memory_space<vmem>>)
      %dma_wait3A_165 = tpu.memref_slice %arg4[%mul3A_134] : memref<160000xi32, #tpu.memory_space<hbm>> -> memref<128xi32, #tpu.memory_space<hbm>>
      %dma_wait3A_166 = tpu.memref_slice %arg4[%mul3A_134] : memref<160000xi32, #tpu.memory_space<hbm>> -> memref<128xi32, #tpu.memory_space<hbm>>
      tpu.wait_dma2 semaphore(%arg24 : memref<!tpu.dma_semaphore, #tpu.memory_space<semaphore_mem>>) src(%dma_wait3A_166 : memref<128xi32, #tpu.memory_space<hbm>>) dst(%arg14 : memref<128xi32, #tpu.memory_space<vmem>>)
      %gt3A_167 = arith.constant 0 : i32
      %gt3A_168 = arith.cmpi sgt, %add3A_110, %gt3A_167 : i32
      %convert_element_type3A_169 = arith.extui %gt3A_168 : i1 to i32
      %cond3A_170 = arith.constant 0 : i32
      %cond3A_171 = arith.cmpi ne, %convert_element_type3A_169, %cond3A_170 : i32
      scf.if %cond3A_171 {
        %dma_wait3A_296 = arith.constant 0 : i32
        %dma_wait3A_297 = arith.constant 0 : i32
        %dma_wait3A_298 = tpu.memref_slice %arg22[%dma_wait3A_296, %dma_wait3A_297] : memref<10000x128xf32, #tpu.memory_space<vmem_shared>> -> memref<10000x128xf32, #tpu.memory_space<vmem_shared>>
        tpu.wait_indirect_dma semaphore(%arg33 : memref<!tpu.dma_semaphore, #tpu.memory_space<semaphore_mem>>) src(%arg20 : memref<128x128xf32, #tpu.memory_space<vmem>>) dst(%dma_wait3A_298 : memref<10000x128xf32, #tpu.memory_space<vmem_shared>>)
      } else {
      }
      %dma_start3A_172 = arith.constant 0 : i32
      %dma_start3A_173 = arith.constant 0 : i32
      %dma_start3A_174 = tpu.memref_slice %arg2[%dma_start3A_172, %dma_start3A_173] : memref<10000x128xf32, #tpu.memory_space<hbm>> -> memref<10000x128xf32, #tpu.memory_space<hbm>>
      tpu.enqueue_indirect_dma source(%dma_start3A_174 : memref<10000x128xf32, #tpu.memory_space<hbm>>) target(%arg20 : memref<128x128xf32, #tpu.memory_space<vmem>>) offsets(%arg8 : memref<128xi32, #tpu.memory_space<vmem>>) semaphore(%arg30 : memref<!tpu.dma_semaphore, #tpu.memory_space<semaphore_mem>>)
      %dma_wait3A_175 = tpu.memref_slice %arg3[%mul3A_147] : memref<160000xi32, #tpu.memory_space<hbm>> -> memref<128xi32, #tpu.memory_space<hbm>>
      %dma_wait3A_176 = tpu.memref_slice %arg3[%mul3A_147] : memref<160000xi32, #tpu.memory_space<hbm>> -> memref<128xi32, #tpu.memory_space<hbm>>
      tpu.wait_dma2 semaphore(%arg25 : memref<!tpu.dma_semaphore, #tpu.memory_space<semaphore_mem>>) src(%dma_wait3A_176 : memref<128xi32, #tpu.memory_space<hbm>>) dst(%arg9 : memref<128xi32, #tpu.memory_space<vmem>>)
      %dma_wait3A_177 = tpu.memref_slice %arg4[%mul3A_147] : memref<160000xi32, #tpu.memory_space<hbm>> -> memref<128xi32, #tpu.memory_space<hbm>>
      %dma_wait3A_178 = tpu.memref_slice %arg4[%mul3A_147] : memref<160000xi32, #tpu.memory_space<hbm>> -> memref<128xi32, #tpu.memory_space<hbm>>
      tpu.wait_dma2 semaphore(%arg25 : memref<!tpu.dma_semaphore, #tpu.memory_space<semaphore_mem>>) src(%dma_wait3A_178 : memref<128xi32, #tpu.memory_space<hbm>>) dst(%arg15 : memref<128xi32, #tpu.memory_space<vmem>>)
      %gt3A_179 = arith.constant 0 : i32
      %gt3A_180 = arith.cmpi sgt, %add3A_110, %gt3A_179 : i32
      %convert_element_type3A_181 = arith.extui %gt3A_180 : i1 to i32
      %cond3A_182 = arith.constant 0 : i32
      %cond3A_183 = arith.cmpi ne, %convert_element_type3A_181, %cond3A_182 : i32
      scf.if %cond3A_183 {
        %dma_wait3A_296 = arith.constant 0 : i32
        %dma_wait3A_297 = arith.constant 0 : i32
        %dma_wait3A_298 = tpu.memref_slice %arg22[%dma_wait3A_296, %dma_wait3A_297] : memref<10000x128xf32, #tpu.memory_space<vmem_shared>> -> memref<10000x128xf32, #tpu.memory_space<vmem_shared>>
        tpu.wait_indirect_dma semaphore(%arg34 : memref<!tpu.dma_semaphore, #tpu.memory_space<semaphore_mem>>) src(%arg21 : memref<128x128xf32, #tpu.memory_space<vmem>>) dst(%dma_wait3A_298 : memref<10000x128xf32, #tpu.memory_space<vmem_shared>>)
      } else {
      }
      %dma_start3A_184 = arith.constant 0 : i32
      %dma_start3A_185 = arith.constant 0 : i32
      %dma_start3A_186 = tpu.memref_slice %arg2[%dma_start3A_184, %dma_start3A_185] : memref<10000x128xf32, #tpu.memory_space<hbm>> -> memref<10000x128xf32, #tpu.memory_space<hbm>>
      tpu.enqueue_indirect_dma source(%dma_start3A_186 : memref<10000x128xf32, #tpu.memory_space<hbm>>) target(%arg21 : memref<128x128xf32, #tpu.memory_space<vmem>>) offsets(%arg9 : memref<128xi32, #tpu.memory_space<vmem>>) semaphore(%arg31 : memref<!tpu.dma_semaphore, #tpu.memory_space<semaphore_mem>>)
      %dma_wait3A_187 = arith.constant 0 : i32
      %dma_wait3A_188 = arith.constant 0 : i32
      %dma_wait3A_189 = tpu.memref_slice %arg2[%dma_wait3A_187, %dma_wait3A_188] : memref<10000x128xf32, #tpu.memory_space<hbm>> -> memref<10000x128xf32, #tpu.memory_space<hbm>>
      tpu.wait_indirect_dma semaphore(%arg29 : memref<!tpu.dma_semaphore, #tpu.memory_space<semaphore_mem>>) src(%dma_wait3A_189 : memref<10000x128xf32, #tpu.memory_space<hbm>>) dst(%arg19 : memref<128x128xf32, #tpu.memory_space<vmem>>)
      %dma_start3A_190 = arith.constant 0 : i32
      %dma_start3A_191 = arith.constant 0 : i32
      %dma_start3A_192 = tpu.memref_slice %arg22[%dma_start3A_190, %dma_start3A_191] : memref<10000x128xf32, #tpu.memory_space<vmem_shared>> -> memref<10000x128xf32, #tpu.memory_space<vmem_shared>>
      tpu.enqueue_indirect_dma source(%arg19 : memref<128x128xf32, #tpu.memory_space<vmem>>) target(%dma_start3A_192 : memref<10000x128xf32, #tpu.memory_space<vmem_shared>>) offsets(%arg13 : memref<128xi32, #tpu.memory_space<vmem>>) semaphore(%arg32 : memref<!tpu.dma_semaphore, #tpu.memory_space<semaphore_mem>>) {add = true}
      %dma_wait3A_193 = arith.constant 0 : i32
      %dma_wait3A_194 = arith.constant 0 : i32
      %dma_wait3A_195 = tpu.memref_slice %arg2[%dma_wait3A_193, %dma_wait3A_194] : memref<10000x128xf32, #tpu.memory_space<hbm>> -> memref<10000x128xf32, #tpu.memory_space<hbm>>
      tpu.wait_indirect_dma semaphore(%arg30 : memref<!tpu.dma_semaphore, #tpu.memory_space<semaphore_mem>>) src(%dma_wait3A_195 : memref<10000x128xf32, #tpu.memory_space<hbm>>) dst(%arg20 : memref<128x128xf32, #tpu.memory_space<vmem>>)
      %dma_start3A_196 = arith.constant 0 : i32
      %dma_start3A_197 = arith.constant 0 : i32
      %dma_start3A_198 = tpu.memref_slice %arg22[%dma_start3A_196, %dma_start3A_197] : memref<10000x128xf32, #tpu.memory_space<vmem_shared>> -> memref<10000x128xf32, #tpu.memory_space<vmem_shared>>
      tpu.enqueue_indirect_dma source(%arg20 : memref<128x128xf32, #tpu.memory_space<vmem>>) target(%dma_start3A_198 : memref<10000x128xf32, #tpu.memory_space<vmem_shared>>) offsets(%arg14 : memref<128xi32, #tpu.memory_space<vmem>>) semaphore(%arg33 : memref<!tpu.dma_semaphore, #tpu.memory_space<semaphore_mem>>) {add = true}
      %dma_wait3A_199 = arith.constant 0 : i32
      %dma_wait3A_200 = arith.constant 0 : i32
      %dma_wait3A_201 = tpu.memref_slice %arg2[%dma_wait3A_199, %dma_wait3A_200] : memref<10000x128xf32, #tpu.memory_space<hbm>> -> memref<10000x128xf32, #tpu.memory_space<hbm>>
      tpu.wait_indirect_dma semaphore(%arg31 : memref<!tpu.dma_semaphore, #tpu.memory_space<semaphore_mem>>) src(%dma_wait3A_201 : memref<10000x128xf32, #tpu.memory_space<hbm>>) dst(%arg21 : memref<128x128xf32, #tpu.memory_space<vmem>>)
      %dma_start3A_202 = arith.constant 0 : i32
      %dma_start3A_203 = arith.constant 0 : i32
      %dma_start3A_204 = tpu.memref_slice %arg22[%dma_start3A_202, %dma_start3A_203] : memref<10000x128xf32, #tpu.memory_space<vmem_shared>> -> memref<10000x128xf32, #tpu.memory_space<vmem_shared>>
      tpu.enqueue_indirect_dma source(%arg21 : memref<128x128xf32, #tpu.memory_space<vmem>>) target(%dma_start3A_204 : memref<10000x128xf32, #tpu.memory_space<vmem_shared>>) offsets(%arg15 : memref<128xi32, #tpu.memory_space<vmem>>) semaphore(%arg34 : memref<!tpu.dma_semaphore, #tpu.memory_space<semaphore_mem>>) {add = true}
      %mul3A_205 = arith.constant 2 : i32
      %mul3A_206 = arith.muli %mul3A_205, %add3A_110 : i32
      %add3A_207 = arith.constant 1 : i32
      %add3A_208 = arith.addi %mul3A_206, %add3A_207 : i32
      %mul3A_209 = arith.constant 3 : i32
      %mul3A_210 = arith.muli %add3A_208, %mul3A_209 : i32
      %add3A_211 = arith.constant 0 : i32
      %add3A_212 = arith.addi %mul3A_210, %add3A_211 : i32
      %mul3A_213 = arith.constant 32 : i32
      %mul3A_214 = arith.muli %add3A_212, %mul3A_213 : i32
      %add3A_215 = arith.addi %add3A, %mul3A_214 : i32
      %mul3A_216 = arith.constant 128 : i32
      %mul3A_217 = arith.muli %add3A_215, %mul3A_216 : i32
      %dma_start3A_218 = tpu.memref_slice %arg3[%mul3A_217] : memref<160000xi32, #tpu.memory_space<hbm>> -> memref<128xi32, #tpu.memory_space<hbm>>
      %dma_start3A_219 = tpu.memref_slice %arg3[%mul3A_217] : memref<160000xi32, #tpu.memory_space<hbm>> -> memref<128xi32, #tpu.memory_space<hbm>>
      tpu.enqueue_dma source(%dma_start3A_219 : memref<128xi32, #tpu.memory_space<hbm>>) target(%arg10 : memref<128xi32, #tpu.memory_space<vmem>>) target_semaphore(%arg26 : memref<!tpu.dma_semaphore, #tpu.memory_space<semaphore_mem>>)
      %dma_start3A_220 = tpu.memref_slice %arg4[%mul3A_217] : memref<160000xi32, #tpu.memory_space<hbm>> -> memref<128xi32, #tpu.memory_space<hbm>>
      %dma_start3A_221 = tpu.memref_slice %arg4[%mul3A_217] : memref<160000xi32, #tpu.memory_space<hbm>> -> memref<128xi32, #tpu.memory_space<hbm>>
      tpu.enqueue_dma source(%dma_start3A_221 : memref<128xi32, #tpu.memory_space<hbm>>) target(%arg16 : memref<128xi32, #tpu.memory_space<vmem>>) target_semaphore(%arg26 : memref<!tpu.dma_semaphore, #tpu.memory_space<semaphore_mem>>)
      %mul3A_222 = arith.constant 3 : i32
      %mul3A_223 = arith.muli %add3A_208, %mul3A_222 : i32
      %add3A_224 = arith.constant 1 : i32
      %add3A_225 = arith.addi %mul3A_223, %add3A_224 : i32
      %mul3A_226 = arith.constant 32 : i32
      %mul3A_227 = arith.muli %add3A_225, %mul3A_226 : i32
      %add3A_228 = arith.addi %add3A, %mul3A_227 : i32
      %mul3A_229 = arith.constant 128 : i32
      %mul3A_230 = arith.muli %add3A_228, %mul3A_229 : i32
      %dma_start3A_231 = tpu.memref_slice %arg3[%mul3A_230] : memref<160000xi32, #tpu.memory_space<hbm>> -> memref<128xi32, #tpu.memory_space<hbm>>
      %dma_start3A_232 = tpu.memref_slice %arg3[%mul3A_230] : memref<160000xi32, #tpu.memory_space<hbm>> -> memref<128xi32, #tpu.memory_space<hbm>>
      tpu.enqueue_dma source(%dma_start3A_232 : memref<128xi32, #tpu.memory_space<hbm>>) target(%arg11 : memref<128xi32, #tpu.memory_space<vmem>>) target_semaphore(%arg27 : memref<!tpu.dma_semaphore, #tpu.memory_space<semaphore_mem>>)
      %dma_start3A_233 = tpu.memref_slice %arg4[%mul3A_230] : memref<160000xi32, #tpu.memory_space<hbm>> -> memref<128xi32, #tpu.memory_space<hbm>>
      %dma_start3A_234 = tpu.memref_slice %arg4[%mul3A_230] : memref<160000xi32, #tpu.memory_space<hbm>> -> memref<128xi32, #tpu.memory_space<hbm>>
      tpu.enqueue_dma source(%dma_start3A_234 : memref<128xi32, #tpu.memory_space<hbm>>) target(%arg17 : memref<128xi32, #tpu.memory_space<vmem>>) target_semaphore(%arg27 : memref<!tpu.dma_semaphore, #tpu.memory_space<semaphore_mem>>)
      %mul3A_235 = arith.constant 3 : i32
      %mul3A_236 = arith.muli %add3A_208, %mul3A_235 : i32
      %add3A_237 = arith.constant 2 : i32
      %add3A_238 = arith.addi %mul3A_236, %add3A_237 : i32
      %mul3A_239 = arith.constant 32 : i32
      %mul3A_240 = arith.muli %add3A_238, %mul3A_239 : i32
      %add3A_241 = arith.addi %add3A, %mul3A_240 : i32
      %mul3A_242 = arith.constant 128 : i32
      %mul3A_243 = arith.muli %add3A_241, %mul3A_242 : i32
      %dma_start3A_244 = tpu.memref_slice %arg3[%mul3A_243] : memref<160000xi32, #tpu.memory_space<hbm>> -> memref<128xi32, #tpu.memory_space<hbm>>
      %dma_start3A_245 = tpu.memref_slice %arg3[%mul3A_243] : memref<160000xi32, #tpu.memory_space<hbm>> -> memref<128xi32, #tpu.memory_space<hbm>>
      tpu.enqueue_dma source(%dma_start3A_245 : memref<128xi32, #tpu.memory_space<hbm>>) target(%arg12 : memref<128xi32, #tpu.memory_space<vmem>>) target_semaphore(%arg28 : memref<!tpu.dma_semaphore, #tpu.memory_space<semaphore_mem>>)
      %dma_start3A_246 = tpu.memref_slice %arg4[%mul3A_243] : memref<160000xi32, #tpu.memory_space<hbm>> -> memref<128xi32, #tpu.memory_space<hbm>>
      %dma_start3A_247 = tpu.memref_slice %arg4[%mul3A_243] : memref<160000xi32, #tpu.memory_space<hbm>> -> memref<128xi32, #tpu.memory_space<hbm>>
      tpu.enqueue_dma source(%dma_start3A_247 : memref<128xi32, #tpu.memory_space<hbm>>) target(%arg18 : memref<128xi32, #tpu.memory_space<vmem>>) target_semaphore(%arg28 : memref<!tpu.dma_semaphore, #tpu.memory_space<semaphore_mem>>)
      %dma_wait3A_248 = tpu.memref_slice %arg3[%mul3A_217] : memref<160000xi32, #tpu.memory_space<hbm>> -> memref<128xi32, #tpu.memory_space<hbm>>
      %dma_wait3A_249 = tpu.memref_slice %arg3[%mul3A_217] : memref<160000xi32, #tpu.memory_space<hbm>> -> memref<128xi32, #tpu.memory_space<hbm>>
      tpu.wait_dma2 semaphore(%arg26 : memref<!tpu.dma_semaphore, #tpu.memory_space<semaphore_mem>>) src(%dma_wait3A_249 : memref<128xi32, #tpu.memory_space<hbm>>) dst(%arg10 : memref<128xi32, #tpu.memory_space<vmem>>)
      %dma_wait3A_250 = tpu.memref_slice %arg4[%mul3A_217] : memref<160000xi32, #tpu.memory_space<hbm>> -> memref<128xi32, #tpu.memory_space<hbm>>
      %dma_wait3A_251 = tpu.memref_slice %arg4[%mul3A_217] : memref<160000xi32, #tpu.memory_space<hbm>> -> memref<128xi32, #tpu.memory_space<hbm>>
      tpu.wait_dma2 semaphore(%arg26 : memref<!tpu.dma_semaphore, #tpu.memory_space<semaphore_mem>>) src(%dma_wait3A_251 : memref<128xi32, #tpu.memory_space<hbm>>) dst(%arg16 : memref<128xi32, #tpu.memory_space<vmem>>)
      %dma_wait3A_252 = arith.constant 0 : i32
      %dma_wait3A_253 = arith.constant 0 : i32
      %dma_wait3A_254 = tpu.memref_slice %arg22[%dma_wait3A_252, %dma_wait3A_253] : memref<10000x128xf32, #tpu.memory_space<vmem_shared>> -> memref<10000x128xf32, #tpu.memory_space<vmem_shared>>
      tpu.wait_indirect_dma semaphore(%arg32 : memref<!tpu.dma_semaphore, #tpu.memory_space<semaphore_mem>>) src(%arg19 : memref<128x128xf32, #tpu.memory_space<vmem>>) dst(%dma_wait3A_254 : memref<10000x128xf32, #tpu.memory_space<vmem_shared>>)
      %dma_start3A_255 = arith.constant 0 : i32
      %dma_start3A_256 = arith.constant 0 : i32
      %dma_start3A_257 = tpu.memref_slice %arg2[%dma_start3A_255, %dma_start3A_256] : memref<10000x128xf32, #tpu.memory_space<hbm>> -> memref<10000x128xf32, #tpu.memory_space<hbm>>
      tpu.enqueue_indirect_dma source(%dma_start3A_257 : memref<10000x128xf32, #tpu.memory_space<hbm>>) target(%arg19 : memref<128x128xf32, #tpu.memory_space<vmem>>) offsets(%arg10 : memref<128xi32, #tpu.memory_space<vmem>>) semaphore(%arg29 : memref<!tpu.dma_semaphore, #tpu.memory_space<semaphore_mem>>)
      %dma_wait3A_258 = tpu.memref_slice %arg3[%mul3A_230] : memref<160000xi32, #tpu.memory_space<hbm>> -> memref<128xi32, #tpu.memory_space<hbm>>
      %dma_wait3A_259 = tpu.memref_slice %arg3[%mul3A_230] : memref<160000xi32, #tpu.memory_space<hbm>> -> memref<128xi32, #tpu.memory_space<hbm>>
      tpu.wait_dma2 semaphore(%arg27 : memref<!tpu.dma_semaphore, #tpu.memory_space<semaphore_mem>>) src(%dma_wait3A_259 : memref<128xi32, #tpu.memory_space<hbm>>) dst(%arg11 : memref<128xi32, #tpu.memory_space<vmem>>)
      %dma_wait3A_260 = tpu.memref_slice %arg4[%mul3A_230] : memref<160000xi32, #tpu.memory_space<hbm>> -> memref<128xi32, #tpu.memory_space<hbm>>
      %dma_wait3A_261 = tpu.memref_slice %arg4[%mul3A_230] : memref<160000xi32, #tpu.memory_space<hbm>> -> memref<128xi32, #tpu.memory_space<hbm>>
      tpu.wait_dma2 semaphore(%arg27 : memref<!tpu.dma_semaphore, #tpu.memory_space<semaphore_mem>>) src(%dma_wait3A_261 : memref<128xi32, #tpu.memory_space<hbm>>) dst(%arg17 : memref<128xi32, #tpu.memory_space<vmem>>)
      %dma_wait3A_262 = arith.constant 0 : i32
      %dma_wait3A_263 = arith.constant 0 : i32
      %dma_wait3A_264 = tpu.memref_slice %arg22[%dma_wait3A_262, %dma_wait3A_263] : memref<10000x128xf32, #tpu.memory_space<vmem_shared>> -> memref<10000x128xf32, #tpu.memory_space<vmem_shared>>
      tpu.wait_indirect_dma semaphore(%arg33 : memref<!tpu.dma_semaphore, #tpu.memory_space<semaphore_mem>>) src(%arg20 : memref<128x128xf32, #tpu.memory_space<vmem>>) dst(%dma_wait3A_264 : memref<10000x128xf32, #tpu.memory_space<vmem_shared>>)
      %dma_start3A_265 = arith.constant 0 : i32
      %dma_start3A_266 = arith.constant 0 : i32
      %dma_start3A_267 = tpu.memref_slice %arg2[%dma_start3A_265, %dma_start3A_266] : memref<10000x128xf32, #tpu.memory_space<hbm>> -> memref<10000x128xf32, #tpu.memory_space<hbm>>
      tpu.enqueue_indirect_dma source(%dma_start3A_267 : memref<10000x128xf32, #tpu.memory_space<hbm>>) target(%arg20 : memref<128x128xf32, #tpu.memory_space<vmem>>) offsets(%arg11 : memref<128xi32, #tpu.memory_space<vmem>>) semaphore(%arg30 : memref<!tpu.dma_semaphore, #tpu.memory_space<semaphore_mem>>)
      %dma_wait3A_268 = tpu.memref_slice %arg3[%mul3A_243] : memref<160000xi32, #tpu.memory_space<hbm>> -> memref<128xi32, #tpu.memory_space<hbm>>
      %dma_wait3A_269 = tpu.memref_slice %arg3[%mul3A_243] : memref<160000xi32, #tpu.memory_space<hbm>> -> memref<128xi32, #tpu.memory_space<hbm>>
      tpu.wait_dma2 semaphore(%arg28 : memref<!tpu.dma_semaphore, #tpu.memory_space<semaphore_mem>>) src(%dma_wait3A_269 : memref<128xi32, #tpu.memory_space<hbm>>) dst(%arg12 : memref<128xi32, #tpu.memory_space<vmem>>)
      %dma_wait3A_270 = tpu.memref_slice %arg4[%mul3A_243] : memref<160000xi32, #tpu.memory_space<hbm>> -> memref<128xi32, #tpu.memory_space<hbm>>
      %dma_wait3A_271 = tpu.memref_slice %arg4[%mul3A_243] : memref<160000xi32, #tpu.memory_space<hbm>> -> memref<128xi32, #tpu.memory_space<hbm>>
      tpu.wait_dma2 semaphore(%arg28 : memref<!tpu.dma_semaphore, #tpu.memory_space<semaphore_mem>>) src(%dma_wait3A_271 : memref<128xi32, #tpu.memory_space<hbm>>) dst(%arg18 : memref<128xi32, #tpu.memory_space<vmem>>)
      %dma_wait3A_272 = arith.constant 0 : i32
      %dma_wait3A_273 = arith.constant 0 : i32
      %dma_wait3A_274 = tpu.memref_slice %arg22[%dma_wait3A_272, %dma_wait3A_273] : memref<10000x128xf32, #tpu.memory_space<vmem_shared>> -> memref<10000x128xf32, #tpu.memory_space<vmem_shared>>
      tpu.wait_indirect_dma semaphore(%arg34 : memref<!tpu.dma_semaphore, #tpu.memory_space<semaphore_mem>>) src(%arg21 : memref<128x128xf32, #tpu.memory_space<vmem>>) dst(%dma_wait3A_274 : memref<10000x128xf32, #tpu.memory_space<vmem_shared>>)
      %dma_start3A_275 = arith.constant 0 : i32
      %dma_start3A_276 = arith.constant 0 : i32
      %dma_start3A_277 = tpu.memref_slice %arg2[%dma_start3A_275, %dma_start3A_276] : memref<10000x128xf32, #tpu.memory_space<hbm>> -> memref<10000x128xf32, #tpu.memory_space<hbm>>
      tpu.enqueue_indirect_dma source(%dma_start3A_277 : memref<10000x128xf32, #tpu.memory_space<hbm>>) target(%arg21 : memref<128x128xf32, #tpu.memory_space<vmem>>) offsets(%arg12 : memref<128xi32, #tpu.memory_space<vmem>>) semaphore(%arg31 : memref<!tpu.dma_semaphore, #tpu.memory_space<semaphore_mem>>)
      %dma_wait3A_278 = arith.constant 0 : i32
      %dma_wait3A_279 = arith.constant 0 : i32
      %dma_wait3A_280 = tpu.memref_slice %arg2[%dma_wait3A_278, %dma_wait3A_279] : memref<10000x128xf32, #tpu.memory_space<hbm>> -> memref<10000x128xf32, #tpu.memory_space<hbm>>
      tpu.wait_indirect_dma semaphore(%arg29 : memref<!tpu.dma_semaphore, #tpu.memory_space<semaphore_mem>>) src(%dma_wait3A_280 : memref<10000x128xf32, #tpu.memory_space<hbm>>) dst(%arg19 : memref<128x128xf32, #tpu.memory_space<vmem>>)
      %dma_start3A_281 = arith.constant 0 : i32
      %dma_start3A_282 = arith.constant 0 : i32
      %dma_start3A_283 = tpu.memref_slice %arg22[%dma_start3A_281, %dma_start3A_282] : memref<10000x128xf32, #tpu.memory_space<vmem_shared>> -> memref<10000x128xf32, #tpu.memory_space<vmem_shared>>
      tpu.enqueue_indirect_dma source(%arg19 : memref<128x128xf32, #tpu.memory_space<vmem>>) target(%dma_start3A_283 : memref<10000x128xf32, #tpu.memory_space<vmem_shared>>) offsets(%arg16 : memref<128xi32, #tpu.memory_space<vmem>>) semaphore(%arg32 : memref<!tpu.dma_semaphore, #tpu.memory_space<semaphore_mem>>) {add = true}
      %dma_wait3A_284 = arith.constant 0 : i32
      %dma_wait3A_285 = arith.constant 0 : i32
      %dma_wait3A_286 = tpu.memref_slice %arg2[%dma_wait3A_284, %dma_wait3A_285] : memref<10000x128xf32, #tpu.memory_space<hbm>> -> memref<10000x128xf32, #tpu.memory_space<hbm>>
      tpu.wait_indirect_dma semaphore(%arg30 : memref<!tpu.dma_semaphore, #tpu.memory_space<semaphore_mem>>) src(%dma_wait3A_286 : memref<10000x128xf32, #tpu.memory_space<hbm>>) dst(%arg20 : memref<128x128xf32, #tpu.memory_space<vmem>>)
      %dma_start3A_287 = arith.constant 0 : i32
      %dma_start3A_288 = arith.constant 0 : i32
      %dma_start3A_289 = tpu.memref_slice %arg22[%dma_start3A_287, %dma_start3A_288] : memref<10000x128xf32, #tpu.memory_space<vmem_shared>> -> memref<10000x128xf32, #tpu.memory_space<vmem_shared>>
      tpu.enqueue_indirect_dma source(%arg20 : memref<128x128xf32, #tpu.memory_space<vmem>>) target(%dma_start3A_289 : memref<10000x128xf32, #tpu.memory_space<vmem_shared>>) offsets(%arg17 : memref<128xi32, #tpu.memory_space<vmem>>) semaphore(%arg33 : memref<!tpu.dma_semaphore, #tpu.memory_space<semaphore_mem>>) {add = true}
      %dma_wait3A_290 = arith.constant 0 : i32
      %dma_wait3A_291 = arith.constant 0 : i32
      %dma_wait3A_292 = tpu.memref_slice %arg2[%dma_wait3A_290, %dma_wait3A_291] : memref<10000x128xf32, #tpu.memory_space<hbm>> -> memref<10000x128xf32, #tpu.memory_space<hbm>>
      tpu.wait_indirect_dma semaphore(%arg31 : memref<!tpu.dma_semaphore, #tpu.memory_space<semaphore_mem>>) src(%dma_wait3A_292 : memref<10000x128xf32, #tpu.memory_space<hbm>>) dst(%arg21 : memref<128x128xf32, #tpu.memory_space<vmem>>)
      %dma_start3A_293 = arith.constant 0 : i32
      %dma_start3A_294 = arith.constant 0 : i32
      %dma_start3A_295 = tpu.memref_slice %arg22[%dma_start3A_293, %dma_start3A_294] : memref<10000x128xf32, #tpu.memory_space<vmem_shared>> -> memref<10000x128xf32, #tpu.memory_space<vmem_shared>>
      tpu.enqueue_indirect_dma source(%arg21 : memref<128x128xf32, #tpu.memory_space<vmem>>) target(%dma_start3A_295 : memref<10000x128xf32, #tpu.memory_space<vmem_shared>>) offsets(%arg18 : memref<128xi32, #tpu.memory_space<vmem>>) semaphore(%arg34 : memref<!tpu.dma_semaphore, #tpu.memory_space<semaphore_mem>>) {add = true}
    }
    %scan3A_10 = arith.constant 6 : i32
    %add3A_11 = arith.constant 1152 : i32
    %add3A_12 = arith.addi %add3A, %add3A_11 : i32
    %mul3A_13 = arith.constant 128 : i32
    %mul3A_14 = arith.muli %add3A_12, %mul3A_13 : i32
    %dma_start3A = tpu.memref_slice %arg3[%mul3A_14] : memref<160000xi32, #tpu.memory_space<hbm>> -> memref<128xi32, #tpu.memory_space<hbm>>
    %dma_start3A_15 = tpu.memref_slice %arg3[%mul3A_14] : memref<160000xi32, #tpu.memory_space<hbm>> -> memref<128xi32, #tpu.memory_space<hbm>>
    tpu.enqueue_dma source(%dma_start3A_15 : memref<128xi32, #tpu.memory_space<hbm>>) target(%arg7 : memref<128xi32, #tpu.memory_space<vmem>>) target_semaphore(%arg23 : memref<!tpu.dma_semaphore, #tpu.memory_space<semaphore_mem>>)
    %dma_start3A_16 = tpu.memref_slice %arg4[%mul3A_14] : memref<160000xi32, #tpu.memory_space<hbm>> -> memref<128xi32, #tpu.memory_space<hbm>>
    %dma_start3A_17 = tpu.memref_slice %arg4[%mul3A_14] : memref<160000xi32, #tpu.memory_space<hbm>> -> memref<128xi32, #tpu.memory_space<hbm>>
    tpu.enqueue_dma source(%dma_start3A_17 : memref<128xi32, #tpu.memory_space<hbm>>) target(%arg13 : memref<128xi32, #tpu.memory_space<vmem>>) target_semaphore(%arg23 : memref<!tpu.dma_semaphore, #tpu.memory_space<semaphore_mem>>)
    %add3A_18 = arith.constant 1184 : i32
    %add3A_19 = arith.addi %add3A, %add3A_18 : i32
    %mul3A_20 = arith.constant 128 : i32
    %mul3A_21 = arith.muli %add3A_19, %mul3A_20 : i32
    %dma_start3A_22 = tpu.memref_slice %arg3[%mul3A_21] : memref<160000xi32, #tpu.memory_space<hbm>> -> memref<128xi32, #tpu.memory_space<hbm>>
    %dma_start3A_23 = tpu.memref_slice %arg3[%mul3A_21] : memref<160000xi32, #tpu.memory_space<hbm>> -> memref<128xi32, #tpu.memory_space<hbm>>
    tpu.enqueue_dma source(%dma_start3A_23 : memref<128xi32, #tpu.memory_space<hbm>>) target(%arg8 : memref<128xi32, #tpu.memory_space<vmem>>) target_semaphore(%arg24 : memref<!tpu.dma_semaphore, #tpu.memory_space<semaphore_mem>>)
    %dma_start3A_24 = tpu.memref_slice %arg4[%mul3A_21] : memref<160000xi32, #tpu.memory_space<hbm>> -> memref<128xi32, #tpu.memory_space<hbm>>
    %dma_start3A_25 = tpu.memref_slice %arg4[%mul3A_21] : memref<160000xi32, #tpu.memory_space<hbm>> -> memref<128xi32, #tpu.memory_space<hbm>>
    tpu.enqueue_dma source(%dma_start3A_25 : memref<128xi32, #tpu.memory_space<hbm>>) target(%arg14 : memref<128xi32, #tpu.memory_space<vmem>>) target_semaphore(%arg24 : memref<!tpu.dma_semaphore, #tpu.memory_space<semaphore_mem>>)
    %add3A_26 = arith.constant 1216 : i32
    %add3A_27 = arith.addi %add3A, %add3A_26 : i32
    %mul3A_28 = arith.constant 128 : i32
    %mul3A_29 = arith.muli %add3A_27, %mul3A_28 : i32
    %dma_start3A_30 = tpu.memref_slice %arg3[%mul3A_29] : memref<160000xi32, #tpu.memory_space<hbm>> -> memref<128xi32, #tpu.memory_space<hbm>>
    %dma_start3A_31 = tpu.memref_slice %arg3[%mul3A_29] : memref<160000xi32, #tpu.memory_space<hbm>> -> memref<128xi32, #tpu.memory_space<hbm>>
    tpu.enqueue_dma source(%dma_start3A_31 : memref<128xi32, #tpu.memory_space<hbm>>) target(%arg9 : memref<128xi32, #tpu.memory_space<vmem>>) target_semaphore(%arg25 : memref<!tpu.dma_semaphore, #tpu.memory_space<semaphore_mem>>)
    %dma_start3A_32 = tpu.memref_slice %arg4[%mul3A_29] : memref<160000xi32, #tpu.memory_space<hbm>> -> memref<128xi32, #tpu.memory_space<hbm>>
    %dma_start3A_33 = tpu.memref_slice %arg4[%mul3A_29] : memref<160000xi32, #tpu.memory_space<hbm>> -> memref<128xi32, #tpu.memory_space<hbm>>
    tpu.enqueue_dma source(%dma_start3A_33 : memref<128xi32, #tpu.memory_space<hbm>>) target(%arg15 : memref<128xi32, #tpu.memory_space<vmem>>) target_semaphore(%arg25 : memref<!tpu.dma_semaphore, #tpu.memory_space<semaphore_mem>>)
    %dma_wait3A = tpu.memref_slice %arg3[%mul3A_14] : memref<160000xi32, #tpu.memory_space<hbm>> -> memref<128xi32, #tpu.memory_space<hbm>>
    %dma_wait3A_34 = tpu.memref_slice %arg3[%mul3A_14] : memref<160000xi32, #tpu.memory_space<hbm>> -> memref<128xi32, #tpu.memory_space<hbm>>
    tpu.wait_dma2 semaphore(%arg23 : memref<!tpu.dma_semaphore, #tpu.memory_space<semaphore_mem>>) src(%dma_wait3A_34 : memref<128xi32, #tpu.memory_space<hbm>>) dst(%arg7 : memref<128xi32, #tpu.memory_space<vmem>>)
    %dma_wait3A_35 = tpu.memref_slice %arg4[%mul3A_14] : memref<160000xi32, #tpu.memory_space<hbm>> -> memref<128xi32, #tpu.memory_space<hbm>>
    %dma_wait3A_36 = tpu.memref_slice %arg4[%mul3A_14] : memref<160000xi32, #tpu.memory_space<hbm>> -> memref<128xi32, #tpu.memory_space<hbm>>
    tpu.wait_dma2 semaphore(%arg23 : memref<!tpu.dma_semaphore, #tpu.memory_space<semaphore_mem>>) src(%dma_wait3A_36 : memref<128xi32, #tpu.memory_space<hbm>>) dst(%arg13 : memref<128xi32, #tpu.memory_space<vmem>>)
    %dma_wait3A_37 = arith.constant 0 : i32
    %dma_wait3A_38 = arith.constant 0 : i32
    %dma_wait3A_39 = tpu.memref_slice %arg22[%dma_wait3A_37, %dma_wait3A_38] : memref<10000x128xf32, #tpu.memory_space<vmem_shared>> -> memref<10000x128xf32, #tpu.memory_space<vmem_shared>>
    tpu.wait_indirect_dma semaphore(%arg32 : memref<!tpu.dma_semaphore, #tpu.memory_space<semaphore_mem>>) src(%arg19 : memref<128x128xf32, #tpu.memory_space<vmem>>) dst(%dma_wait3A_39 : memref<10000x128xf32, #tpu.memory_space<vmem_shared>>)
    %dma_start3A_40 = arith.constant 0 : i32
    %dma_start3A_41 = arith.constant 0 : i32
    %dma_start3A_42 = tpu.memref_slice %arg2[%dma_start3A_40, %dma_start3A_41] : memref<10000x128xf32, #tpu.memory_space<hbm>> -> memref<10000x128xf32, #tpu.memory_space<hbm>>
    tpu.enqueue_indirect_dma source(%dma_start3A_42 : memref<10000x128xf32, #tpu.memory_space<hbm>>) target(%arg19 : memref<128x128xf32, #tpu.memory_space<vmem>>) offsets(%arg7 : memref<128xi32, #tpu.memory_space<vmem>>) semaphore(%arg29 : memref<!tpu.dma_semaphore, #tpu.memory_space<semaphore_mem>>)
    %dma_wait3A_43 = tpu.memref_slice %arg3[%mul3A_21] : memref<160000xi32, #tpu.memory_space<hbm>> -> memref<128xi32, #tpu.memory_space<hbm>>
    %dma_wait3A_44 = tpu.memref_slice %arg3[%mul3A_21] : memref<160000xi32, #tpu.memory_space<hbm>> -> memref<128xi32, #tpu.memory_space<hbm>>
    tpu.wait_dma2 semaphore(%arg24 : memref<!tpu.dma_semaphore, #tpu.memory_space<semaphore_mem>>) src(%dma_wait3A_44 : memref<128xi32, #tpu.memory_space<hbm>>) dst(%arg8 : memref<128xi32, #tpu.memory_space<vmem>>)
    %dma_wait3A_45 = tpu.memref_slice %arg4[%mul3A_21] : memref<160000xi32, #tpu.memory_space<hbm>> -> memref<128xi32, #tpu.memory_space<hbm>>
    %dma_wait3A_46 = tpu.memref_slice %arg4[%mul3A_21] : memref<160000xi32, #tpu.memory_space<hbm>> -> memref<128xi32, #tpu.memory_space<hbm>>
    tpu.wait_dma2 semaphore(%arg24 : memref<!tpu.dma_semaphore, #tpu.memory_space<semaphore_mem>>) src(%dma_wait3A_46 : memref<128xi32, #tpu.memory_space<hbm>>) dst(%arg14 : memref<128xi32, #tpu.memory_space<vmem>>)
    %dma_wait3A_47 = arith.constant 0 : i32
    %dma_wait3A_48 = arith.constant 0 : i32
    %dma_wait3A_49 = tpu.memref_slice %arg22[%dma_wait3A_47, %dma_wait3A_48] : memref<10000x128xf32, #tpu.memory_space<vmem_shared>> -> memref<10000x128xf32, #tpu.memory_space<vmem_shared>>
    tpu.wait_indirect_dma semaphore(%arg33 : memref<!tpu.dma_semaphore, #tpu.memory_space<semaphore_mem>>) src(%arg20 : memref<128x128xf32, #tpu.memory_space<vmem>>) dst(%dma_wait3A_49 : memref<10000x128xf32, #tpu.memory_space<vmem_shared>>)
    %dma_start3A_50 = arith.constant 0 : i32
    %dma_start3A_51 = arith.constant 0 : i32
    %dma_start3A_52 = tpu.memref_slice %arg2[%dma_start3A_50, %dma_start3A_51] : memref<10000x128xf32, #tpu.memory_space<hbm>> -> memref<10000x128xf32, #tpu.memory_space<hbm>>
    tpu.enqueue_indirect_dma source(%dma_start3A_52 : memref<10000x128xf32, #tpu.memory_space<hbm>>) target(%arg20 : memref<128x128xf32, #tpu.memory_space<vmem>>) offsets(%arg8 : memref<128xi32, #tpu.memory_space<vmem>>) semaphore(%arg30 : memref<!tpu.dma_semaphore, #tpu.memory_space<semaphore_mem>>)
    %dma_wait3A_53 = tpu.memref_slice %arg3[%mul3A_29] : memref<160000xi32, #tpu.memory_space<hbm>> -> memref<128xi32, #tpu.memory_space<hbm>>
    %dma_wait3A_54 = tpu.memref_slice %arg3[%mul3A_29] : memref<160000xi32, #tpu.memory_space<hbm>> -> memref<128xi32, #tpu.memory_space<hbm>>
    tpu.wait_dma2 semaphore(%arg25 : memref<!tpu.dma_semaphore, #tpu.memory_space<semaphore_mem>>) src(%dma_wait3A_54 : memref<128xi32, #tpu.memory_space<hbm>>) dst(%arg9 : memref<128xi32, #tpu.memory_space<vmem>>)
    %dma_wait3A_55 = tpu.memref_slice %arg4[%mul3A_29] : memref<160000xi32, #tpu.memory_space<hbm>> -> memref<128xi32, #tpu.memory_space<hbm>>
    %dma_wait3A_56 = tpu.memref_slice %arg4[%mul3A_29] : memref<160000xi32, #tpu.memory_space<hbm>> -> memref<128xi32, #tpu.memory_space<hbm>>
    tpu.wait_dma2 semaphore(%arg25 : memref<!tpu.dma_semaphore, #tpu.memory_space<semaphore_mem>>) src(%dma_wait3A_56 : memref<128xi32, #tpu.memory_space<hbm>>) dst(%arg15 : memref<128xi32, #tpu.memory_space<vmem>>)
    %dma_wait3A_57 = arith.constant 0 : i32
    %dma_wait3A_58 = arith.constant 0 : i32
    %dma_wait3A_59 = tpu.memref_slice %arg22[%dma_wait3A_57, %dma_wait3A_58] : memref<10000x128xf32, #tpu.memory_space<vmem_shared>> -> memref<10000x128xf32, #tpu.memory_space<vmem_shared>>
    tpu.wait_indirect_dma semaphore(%arg34 : memref<!tpu.dma_semaphore, #tpu.memory_space<semaphore_mem>>) src(%arg21 : memref<128x128xf32, #tpu.memory_space<vmem>>) dst(%dma_wait3A_59 : memref<10000x128xf32, #tpu.memory_space<vmem_shared>>)
    %dma_start3A_60 = arith.constant 0 : i32
    %dma_start3A_61 = arith.constant 0 : i32
    %dma_start3A_62 = tpu.memref_slice %arg2[%dma_start3A_60, %dma_start3A_61] : memref<10000x128xf32, #tpu.memory_space<hbm>> -> memref<10000x128xf32, #tpu.memory_space<hbm>>
    tpu.enqueue_indirect_dma source(%dma_start3A_62 : memref<10000x128xf32, #tpu.memory_space<hbm>>) target(%arg21 : memref<128x128xf32, #tpu.memory_space<vmem>>) offsets(%arg9 : memref<128xi32, #tpu.memory_space<vmem>>) semaphore(%arg31 : memref<!tpu.dma_semaphore, #tpu.memory_space<semaphore_mem>>)
    %dma_wait3A_63 = arith.constant 0 : i32
    %dma_wait3A_64 = arith.constant 0 : i32
    %dma_wait3A_65 = tpu.memref_slice %arg2[%dma_wait3A_63, %dma_wait3A_64] : memref<10000x128xf32, #tpu.memory_space<hbm>> -> memref<10000x128xf32, #tpu.memory_space<hbm>>
    tpu.wait_indirect_dma semaphore(%arg29 : memref<!tpu.dma_semaphore, #tpu.memory_space<semaphore_mem>>) src(%dma_wait3A_65 : memref<10000x128xf32, #tpu.memory_space<hbm>>) dst(%arg19 : memref<128x128xf32, #tpu.memory_space<vmem>>)
    %dma_start3A_66 = arith.constant 0 : i32
    %dma_start3A_67 = arith.constant 0 : i32
    %dma_start3A_68 = tpu.memref_slice %arg22[%dma_start3A_66, %dma_start3A_67] : memref<10000x128xf32, #tpu.memory_space<vmem_shared>> -> memref<10000x128xf32, #tpu.memory_space<vmem_shared>>
    tpu.enqueue_indirect_dma source(%arg19 : memref<128x128xf32, #tpu.memory_space<vmem>>) target(%dma_start3A_68 : memref<10000x128xf32, #tpu.memory_space<vmem_shared>>) offsets(%arg13 : memref<128xi32, #tpu.memory_space<vmem>>) semaphore(%arg32 : memref<!tpu.dma_semaphore, #tpu.memory_space<semaphore_mem>>) {add = true}
    %dma_wait3A_69 = arith.constant 0 : i32
    %dma_wait3A_70 = arith.constant 0 : i32
    %dma_wait3A_71 = tpu.memref_slice %arg2[%dma_wait3A_69, %dma_wait3A_70] : memref<10000x128xf32, #tpu.memory_space<hbm>> -> memref<10000x128xf32, #tpu.memory_space<hbm>>
    tpu.wait_indirect_dma semaphore(%arg30 : memref<!tpu.dma_semaphore, #tpu.memory_space<semaphore_mem>>) src(%dma_wait3A_71 : memref<10000x128xf32, #tpu.memory_space<hbm>>) dst(%arg20 : memref<128x128xf32, #tpu.memory_space<vmem>>)
    %dma_start3A_72 = arith.constant 0 : i32
    %dma_start3A_73 = arith.constant 0 : i32
    %dma_start3A_74 = tpu.memref_slice %arg22[%dma_start3A_72, %dma_start3A_73] : memref<10000x128xf32, #tpu.memory_space<vmem_shared>> -> memref<10000x128xf32, #tpu.memory_space<vmem_shared>>
    tpu.enqueue_indirect_dma source(%arg20 : memref<128x128xf32, #tpu.memory_space<vmem>>) target(%dma_start3A_74 : memref<10000x128xf32, #tpu.memory_space<vmem_shared>>) offsets(%arg14 : memref<128xi32, #tpu.memory_space<vmem>>) semaphore(%arg33 : memref<!tpu.dma_semaphore, #tpu.memory_space<semaphore_mem>>) {add = true}
    %dma_wait3A_75 = arith.constant 0 : i32
    %dma_wait3A_76 = arith.constant 0 : i32
    %dma_wait3A_77 = tpu.memref_slice %arg2[%dma_wait3A_75, %dma_wait3A_76] : memref<10000x128xf32, #tpu.memory_space<hbm>> -> memref<10000x128xf32, #tpu.memory_space<hbm>>
    tpu.wait_indirect_dma semaphore(%arg31 : memref<!tpu.dma_semaphore, #tpu.memory_space<semaphore_mem>>) src(%dma_wait3A_77 : memref<10000x128xf32, #tpu.memory_space<hbm>>) dst(%arg21 : memref<128x128xf32, #tpu.memory_space<vmem>>)
    %dma_start3A_78 = arith.constant 0 : i32
    %dma_start3A_79 = arith.constant 0 : i32
    %dma_start3A_80 = tpu.memref_slice %arg22[%dma_start3A_78, %dma_start3A_79] : memref<10000x128xf32, #tpu.memory_space<vmem_shared>> -> memref<10000x128xf32, #tpu.memory_space<vmem_shared>>
    tpu.enqueue_indirect_dma source(%arg21 : memref<128x128xf32, #tpu.memory_space<vmem>>) target(%dma_start3A_80 : memref<10000x128xf32, #tpu.memory_space<vmem_shared>>) offsets(%arg15 : memref<128xi32, #tpu.memory_space<vmem>>) semaphore(%arg34 : memref<!tpu.dma_semaphore, #tpu.memory_space<semaphore_mem>>) {add = true}
    %dma_wait3A_81 = arith.constant 0 : i32
    %dma_wait3A_82 = arith.constant 0 : i32
    %dma_wait3A_83 = tpu.memref_slice %arg22[%dma_wait3A_81, %dma_wait3A_82] : memref<10000x128xf32, #tpu.memory_space<vmem_shared>> -> memref<10000x128xf32, #tpu.memory_space<vmem_shared>>
    tpu.wait_indirect_dma semaphore(%arg32 : memref<!tpu.dma_semaphore, #tpu.memory_space<semaphore_mem>>) src(%arg19 : memref<128x128xf32, #tpu.memory_space<vmem>>) dst(%dma_wait3A_83 : memref<10000x128xf32, #tpu.memory_space<vmem_shared>>)
    %dma_wait3A_84 = arith.constant 0 : i32
    %dma_wait3A_85 = arith.constant 0 : i32
    %dma_wait3A_86 = tpu.memref_slice %arg22[%dma_wait3A_84, %dma_wait3A_85] : memref<10000x128xf32, #tpu.memory_space<vmem_shared>> -> memref<10000x128xf32, #tpu.memory_space<vmem_shared>>
    tpu.wait_indirect_dma semaphore(%arg33 : memref<!tpu.dma_semaphore, #tpu.memory_space<semaphore_mem>>) src(%arg20 : memref<128x128xf32, #tpu.memory_space<vmem>>) dst(%dma_wait3A_86 : memref<10000x128xf32, #tpu.memory_space<vmem_shared>>)
    %dma_wait3A_87 = arith.constant 0 : i32
    %dma_wait3A_88 = arith.constant 0 : i32
    %dma_wait3A_89 = tpu.memref_slice %arg22[%dma_wait3A_87, %dma_wait3A_88] : memref<10000x128xf32, #tpu.memory_space<vmem_shared>> -> memref<10000x128xf32, #tpu.memory_space<vmem_shared>>
    tpu.wait_indirect_dma semaphore(%arg34 : memref<!tpu.dma_semaphore, #tpu.memory_space<semaphore_mem>>) src(%arg21 : memref<128x128xf32, #tpu.memory_space<vmem>>) dst(%dma_wait3A_89 : memref<10000x128xf32, #tpu.memory_space<vmem_shared>>)
    %lt3A_90 = arith.constant 2 : i32
    %lt3A_91 = arith.cmpi slt, %add3A, %lt3A_90 : i32
    %convert_element_type3A_92 = arith.extui %lt3A_91 : i1 to i32
    %cond3A_93 = arith.constant 0 : i32
    %cond3A_94 = arith.cmpi ne, %convert_element_type3A_92, %cond3A_93 : i32
    scf.if %cond3A_94 {
      %add3A_106 = arith.constant 1248 : i32
      %add3A_107 = arith.addi %add3A_106, %add3A : i32
      %mul3A_108 = arith.constant 128 : i32
      %mul3A_109 = arith.muli %add3A_107, %mul3A_108 : i32
      "tpu.region"() ({
        %run_scoped3A = tpu.sem_alloc : memref<!tpu.dma_semaphore, #tpu.memory_space<semaphore_mem>>
        %dma_start3A_116 = tpu.memref_slice %arg3[%mul3A_109] : memref<160000xi32, #tpu.memory_space<hbm>> -> memref<128xi32, #tpu.memory_space<hbm>>
        %dma_start3A_117 = tpu.memref_slice %arg3[%mul3A_109] : memref<160000xi32, #tpu.memory_space<hbm>> -> memref<128xi32, #tpu.memory_space<hbm>>
        tpu.enqueue_dma source(%dma_start3A_117 : memref<128xi32, #tpu.memory_space<hbm>>) target(%arg7 : memref<128xi32, #tpu.memory_space<vmem>>) target_semaphore(%run_scoped3A : memref<!tpu.dma_semaphore, #tpu.memory_space<semaphore_mem>>)
        %dma_wait3A_118 = tpu.memref_slice %arg3[%mul3A_109] : memref<160000xi32, #tpu.memory_space<hbm>> -> memref<128xi32, #tpu.memory_space<hbm>>
        %dma_wait3A_119 = tpu.memref_slice %arg3[%mul3A_109] : memref<160000xi32, #tpu.memory_space<hbm>> -> memref<128xi32, #tpu.memory_space<hbm>>
        tpu.wait_dma2 semaphore(%run_scoped3A : memref<!tpu.dma_semaphore, #tpu.memory_space<semaphore_mem>>) src(%dma_wait3A_119 : memref<128xi32, #tpu.memory_space<hbm>>) dst(%arg7 : memref<128xi32, #tpu.memory_space<vmem>>)
        tpu.yield
      }) : () -> ()
      "tpu.region"() ({
        %run_scoped3A = tpu.sem_alloc : memref<!tpu.dma_semaphore, #tpu.memory_space<semaphore_mem>>
        %dma_start3A_116 = tpu.memref_slice %arg4[%mul3A_109] : memref<160000xi32, #tpu.memory_space<hbm>> -> memref<128xi32, #tpu.memory_space<hbm>>
        %dma_start3A_117 = tpu.memref_slice %arg4[%mul3A_109] : memref<160000xi32, #tpu.memory_space<hbm>> -> memref<128xi32, #tpu.memory_space<hbm>>
        tpu.enqueue_dma source(%dma_start3A_117 : memref<128xi32, #tpu.memory_space<hbm>>) target(%arg13 : memref<128xi32, #tpu.memory_space<vmem>>) target_semaphore(%run_scoped3A : memref<!tpu.dma_semaphore, #tpu.memory_space<semaphore_mem>>)
        %dma_wait3A_118 = tpu.memref_slice %arg4[%mul3A_109] : memref<160000xi32, #tpu.memory_space<hbm>> -> memref<128xi32, #tpu.memory_space<hbm>>
        %dma_wait3A_119 = tpu.memref_slice %arg4[%mul3A_109] : memref<160000xi32, #tpu.memory_space<hbm>> -> memref<128xi32, #tpu.memory_space<hbm>>
        tpu.wait_dma2 semaphore(%run_scoped3A : memref<!tpu.dma_semaphore, #tpu.memory_space<semaphore_mem>>) src(%dma_wait3A_119 : memref<128xi32, #tpu.memory_space<hbm>>) dst(%arg13 : memref<128xi32, #tpu.memory_space<vmem>>)
        tpu.yield
      }) : () -> ()
      %dma_start3A_110 = arith.constant 0 : i32
      %dma_start3A_111 = arith.constant 0 : i32
      %dma_start3A_112 = tpu.memref_slice %arg2[%dma_start3A_110, %dma_start3A_111] : memref<10000x128xf32, #tpu.memory_space<hbm>> -> memref<10000x128xf32, #tpu.memory_space<hbm>>
      tpu.enqueue_indirect_dma source(%dma_start3A_112 : memref<10000x128xf32, #tpu.memory_space<hbm>>) target(%arg19 : memref<128x128xf32, #tpu.memory_space<vmem>>) offsets(%arg7 : memref<128xi32, #tpu.memory_space<vmem>>) semaphore(%arg29 : memref<!tpu.dma_semaphore, #tpu.memory_space<semaphore_mem>>)
      %dma_wait3A_113 = arith.constant 0 : i32
      %dma_wait3A_114 = arith.constant 0 : i32
      %dma_wait3A_115 = tpu.memref_slice %arg2[%dma_wait3A_113, %dma_wait3A_114] : memref<10000x128xf32, #tpu.memory_space<hbm>> -> memref<10000x128xf32, #tpu.memory_space<hbm>>
      tpu.wait_indirect_dma semaphore(%arg29 : memref<!tpu.dma_semaphore, #tpu.memory_space<semaphore_mem>>) src(%dma_wait3A_115 : memref<10000x128xf32, #tpu.memory_space<hbm>>) dst(%arg19 : memref<128x128xf32, #tpu.memory_space<vmem>>)
      "tpu.region"() ({
        %run_scoped3A = tpu.sem_alloc : memref<!tpu.dma_semaphore, #tpu.memory_space<semaphore_mem>>
        %dma_start3A_116 = arith.constant 0 : i32
        %dma_start3A_117 = arith.constant 0 : i32
        %dma_start3A_118 = tpu.memref_slice %arg22[%dma_start3A_116, %dma_start3A_117] : memref<10000x128xf32, #tpu.memory_space<vmem_shared>> -> memref<10000x128xf32, #tpu.memory_space<vmem_shared>>
        tpu.enqueue_indirect_dma source(%arg19 : memref<128x128xf32, #tpu.memory_space<vmem>>) target(%dma_start3A_118 : memref<10000x128xf32, #tpu.memory_space<vmem_shared>>) offsets(%arg13 : memref<128xi32, #tpu.memory_space<vmem>>) semaphore(%run_scoped3A : memref<!tpu.dma_semaphore, #tpu.memory_space<semaphore_mem>>) {add = true}
        %dma_wait3A_119 = arith.constant 0 : i32
        %dma_wait3A_120 = arith.constant 0 : i32
        %dma_wait3A_121 = tpu.memref_slice %arg22[%dma_wait3A_119, %dma_wait3A_120] : memref<10000x128xf32, #tpu.memory_space<vmem_shared>> -> memref<10000x128xf32, #tpu.memory_space<vmem_shared>>
        tpu.wait_indirect_dma semaphore(%run_scoped3A : memref<!tpu.dma_semaphore, #tpu.memory_space<semaphore_mem>>) src(%arg19 : memref<128x128xf32, #tpu.memory_space<vmem>>) dst(%dma_wait3A_121 : memref<10000x128xf32, #tpu.memory_space<vmem_shared>>)
        tpu.yield
      }) : () -> ()
    } else {
    }
    %barrier3A_95 = arith.constant 0 : index
    tpu.barrier barrier_id(%barrier3A_95)
    %lt3A_96 = arith.constant 15 : i32
    %lt3A_97 = arith.cmpi slt, %arg1, %lt3A_96 : i32
    %convert_element_type3A_98 = arith.extui %lt3A_97 : i1 to i32
    %cond3A_99 = arith.constant 0 : i32
    %cond3A_100 = arith.cmpi ne, %convert_element_type3A_98, %cond3A_99 : i32
    scf.if %cond3A_100 {
      %mul3A_106 = arith.constant 632 : i32
      %mul3A_107 = arith.muli %arg1, %mul3A_106 : i32
      "tpu.region"() ({
        %run_scoped3A = tpu.sem_alloc : memref<!tpu.dma_semaphore, #tpu.memory_space<semaphore_mem>>
        %dma_start3A_108 = arith.constant 0 : i32
        %dma_start3A_109 = tpu.memref_slice %arg6[%arg0, %mul3A_107, %dma_start3A_108] : memref<2x10000x128xf32, #tpu.memory_space<hbm>> -> memref<1x632x128xf32, #tpu.memory_space<hbm>>
        %dma_start3A_110 = tpu.memref_squeeze %dma_start3A_109 : memref<1x632x128xf32, #tpu.memory_space<hbm>> -> memref<632x128xf32, #tpu.memory_space<hbm>>
        %dma_start3A_111 = arith.constant 0 : i32
        %dma_start3A_112 = tpu.memref_slice %arg22[%mul3A_107, %dma_start3A_111] : memref<10000x128xf32, #tpu.memory_space<vmem_shared>> -> memref<632x128xf32, #tpu.memory_space<vmem_shared>>
        tpu.enqueue_dma source(%dma_start3A_112 : memref<632x128xf32, #tpu.memory_space<vmem_shared>>) target(%dma_start3A_110 : memref<632x128xf32, #tpu.memory_space<hbm>>) target_semaphore(%run_scoped3A : memref<!tpu.dma_semaphore, #tpu.memory_space<semaphore_mem>>)
        %dma_wait3A_113 = arith.constant 0 : i32
        %dma_wait3A_114 = tpu.memref_slice %arg6[%arg0, %mul3A_107, %dma_wait3A_113] : memref<2x10000x128xf32, #tpu.memory_space<hbm>> -> memref<1x632x128xf32, #tpu.memory_space<hbm>>
        %dma_wait3A_115 = tpu.memref_squeeze %dma_wait3A_114 : memref<1x632x128xf32, #tpu.memory_space<hbm>> -> memref<632x128xf32, #tpu.memory_space<hbm>>
        %dma_wait3A_116 = arith.constant 0 : i32
        %dma_wait3A_117 = tpu.memref_slice %arg22[%mul3A_107, %dma_wait3A_116] : memref<10000x128xf32, #tpu.memory_space<vmem_shared>> -> memref<632x128xf32, #tpu.memory_space<vmem_shared>>
        tpu.wait_dma2 semaphore(%run_scoped3A : memref<!tpu.dma_semaphore, #tpu.memory_space<semaphore_mem>>) src(%dma_wait3A_117 : memref<632x128xf32, #tpu.memory_space<vmem_shared>>) dst(%dma_wait3A_115 : memref<632x128xf32, #tpu.memory_space<hbm>>)
        tpu.yield
      }) : () -> ()
    } else {
    }
    %eq3A_101 = arith.constant 15 : i32
    %eq3A_102 = arith.cmpi eq, %arg1, %eq3A_101 : i32
    %convert_element_type3A_103 = arith.extui %eq3A_102 : i1 to i32
    %cond3A_104 = arith.constant 0 : i32
    %cond3A_105 = arith.cmpi ne, %convert_element_type3A_103, %cond3A_104 : i32
    scf.if %cond3A_105 {
      "tpu.region"() ({
        %run_scoped3A = tpu.sem_alloc : memref<!tpu.dma_semaphore, #tpu.memory_space<semaphore_mem>>
        %dma_start3A_106 = arith.constant 9480 : i32
        %dma_start3A_107 = arith.constant 0 : i32
        %dma_start3A_108 = tpu.memref_slice %arg6[%arg0, %dma_start3A_106, %dma_start3A_107] : memref<2x10000x128xf32, #tpu.memory_space<hbm>> -> memref<1x520x128xf32, #tpu.memory_space<hbm>>
        %dma_start3A_109 = tpu.memref_squeeze %dma_start3A_108 : memref<1x520x128xf32, #tpu.memory_space<hbm>> -> memref<520x128xf32, #tpu.memory_space<hbm>>
        %dma_start3A_110 = arith.constant 9480 : i32
        %dma_start3A_111 = arith.constant 0 : i32
        %dma_start3A_112 = tpu.memref_slice %arg22[%dma_start3A_110, %dma_start3A_111] : memref<10000x128xf32, #tpu.memory_space<vmem_shared>> -> memref<520x128xf32, #tpu.memory_space<vmem_shared>>
        tpu.enqueue_dma source(%dma_start3A_112 : memref<520x128xf32, #tpu.memory_space<vmem_shared>>) target(%dma_start3A_109 : memref<520x128xf32, #tpu.memory_space<hbm>>) target_semaphore(%run_scoped3A : memref<!tpu.dma_semaphore, #tpu.memory_space<semaphore_mem>>)
        %dma_wait3A_113 = arith.constant 9480 : i32
        %dma_wait3A_114 = arith.constant 0 : i32
        %dma_wait3A_115 = tpu.memref_slice %arg6[%arg0, %dma_wait3A_113, %dma_wait3A_114] : memref<2x10000x128xf32, #tpu.memory_space<hbm>> -> memref<1x520x128xf32, #tpu.memory_space<hbm>>
        %dma_wait3A_116 = tpu.memref_squeeze %dma_wait3A_115 : memref<1x520x128xf32, #tpu.memory_space<hbm>> -> memref<520x128xf32, #tpu.memory_space<hbm>>
        %dma_wait3A_117 = arith.constant 9480 : i32
        %dma_wait3A_118 = arith.constant 0 : i32
        %dma_wait3A_119 = tpu.memref_slice %arg22[%dma_wait3A_117, %dma_wait3A_118] : memref<10000x128xf32, #tpu.memory_space<vmem_shared>> -> memref<520x128xf32, #tpu.memory_space<vmem_shared>>
        tpu.wait_dma2 semaphore(%run_scoped3A : memref<!tpu.dma_semaphore, #tpu.memory_space<semaphore_mem>>) src(%dma_wait3A_119 : memref<520x128xf32, #tpu.memory_space<vmem_shared>>) dst(%dma_wait3A_116 : memref<520x128xf32, #tpu.memory_space<hbm>>)
        tpu.yield
      }) : () -> ()
    } else {
    }
    return
  }
}

#map = affine_map<(d0, d1) -> (0, 0)>
#map1 = affine_map<(d0, d1) -> (0)>
#map2 = affine_map<(d0, d1) -> (0, 0, 0)>
module attributes {stable_mosaic.version = 14 : i64} {
  func.func @edge_acc_kernel(%arg0: i32, %arg1: i32, %arg2: memref<10000x128xf32, #tpu.memory_space<hbm>>, %arg3: memref<160000xi32, #tpu.memory_space<hbm>>, %arg4: memref<160000xi32, #tpu.memory_space<hbm>>, %arg5: memref<10000x128xf32, #tpu.memory_space<hbm>>, %arg6: memref<2x10000x128xf32, #tpu.memory_space<hbm>>, %arg7: memref<128xi32, #tpu.memory_space<vmem>>, %arg8: memref<128xi32, #tpu.memory_space<vmem>>, %arg9: memref<128xi32, #tpu.memory_space<vmem>>, %arg10: memref<128xi32, #tpu.memory_space<vmem>>, %arg11: memref<128xi32, #tpu.memory_space<vmem>>, %arg12: memref<128xi32, #tpu.memory_space<vmem>>, %arg13: memref<128xi32, #tpu.memory_space<vmem>>, %arg14: memref<128xi32, #tpu.memory_space<vmem>>, %arg15: memref<128xi32, #tpu.memory_space<vmem>>, %arg16: memref<128xi32, #tpu.memory_space<vmem>>, %arg17: memref<128xi32, #tpu.memory_space<vmem>>, %arg18: memref<128xi32, #tpu.memory_space<vmem>>, %arg19: memref<128x128xf32, #tpu.memory_space<vmem>>, %arg20: memref<128x128xf32, #tpu.memory_space<vmem>>, %arg21: memref<128x128xf32, #tpu.memory_space<vmem>>, %arg22: memref<10000x128xf32, #tpu.memory_space<vmem_shared>>, %arg23: memref<!tpu.dma_semaphore, #tpu.memory_space<semaphore_mem>>, %arg24: memref<!tpu.dma_semaphore, #tpu.memory_space<semaphore_mem>>, %arg25: memref<!tpu.dma_semaphore, #tpu.memory_space<semaphore_mem>>, %arg26: memref<!tpu.dma_semaphore, #tpu.memory_space<semaphore_mem>>, %arg27: memref<!tpu.dma_semaphore, #tpu.memory_space<semaphore_mem>>, %arg28: memref<!tpu.dma_semaphore, #tpu.memory_space<semaphore_mem>>, %arg29: memref<!tpu.dma_semaphore, #tpu.memory_space<semaphore_mem>>, %arg30: memref<!tpu.dma_semaphore, #tpu.memory_space<semaphore_mem>>, %arg31: memref<!tpu.dma_semaphore, #tpu.memory_space<semaphore_mem>>, %arg32: memref<!tpu.dma_semaphore, #tpu.memory_space<semaphore_mem>>, %arg33: memref<!tpu.dma_semaphore, #tpu.memory_space<semaphore_mem>>, %arg34: memref<!tpu.dma_semaphore, #tpu.memory_space<semaphore_mem>>) attributes {dimension_semantics = [#tpu.dimension_semantics<core_parallel>, #tpu.dimension_semantics<subcore_parallel>], iteration_bounds = array<i64: 2, 16>, scalar_prefetch = 0 : i64, scratch_operands = 28 : i64, tpu.core_type = #tpu.core_type<sc_vector_subcore>, window_params = [{transform_indices = #map}, {transform_indices = #map1}, {transform_indices = #map1}, {transform_indices = #map}, {transform_indices = #map2}]} {
    %mul3A = arith.constant 2 : i32
    %mul3A_0 = arith.muli %arg1, %mul3A : i32
    %add3A = arith.addi %mul3A_0, %arg0 : i32
    %lt3A = arith.constant 15 : i32
    %lt3A_1 = arith.cmpi slt, %arg1, %lt3A : i32
    %convert_element_type3A = arith.extui %lt3A_1 : i1 to i32
    %cond3A = arith.constant 0 : i32
    %cond3A_2 = arith.cmpi ne, %convert_element_type3A, %cond3A : i32
    scf.if %cond3A_2 {
      %mul3A_106 = arith.constant 632 : i32
      %mul3A_107 = arith.muli %arg1, %mul3A_106 : i32
      "tpu.region"() ({
        %run_scoped3A = tpu.sem_alloc : memref<!tpu.dma_semaphore, #tpu.memory_space<semaphore_mem>>
        %dma_start3A_108 = arith.constant 0 : i32
        %dma_start3A_109 = tpu.memref_slice %arg22[%mul3A_107, %dma_start3A_108] : memref<10000x128xf32, #tpu.memory_space<vmem_shared>> -> memref<632x128xf32, #tpu.memory_space<vmem_shared>>
        %dma_start3A_110 = arith.constant 0 : i32
        %dma_start3A_111 = tpu.memref_slice %arg5[%mul3A_107, %dma_start3A_110] : memref<10000x128xf32, #tpu.memory_space<hbm>> -> memref<632x128xf32, #tpu.memory_space<hbm>>
        tpu.enqueue_dma source(%dma_start3A_111 : memref<632x128xf32, #tpu.memory_space<hbm>>) target(%dma_start3A_109 : memref<632x128xf32, #tpu.memory_space<vmem_shared>>) target_semaphore(%run_scoped3A : memref<!tpu.dma_semaphore, #tpu.memory_space<semaphore_mem>>)
        %dma_wait3A_112 = arith.constant 0 : i32
        %dma_wait3A_113 = tpu.memref_slice %arg22[%mul3A_107, %dma_wait3A_112] : memref<10000x128xf32, #tpu.memory_space<vmem_shared>> -> memref<632x128xf32, #tpu.memory_space<vmem_shared>>
        %dma_wait3A_114 = arith.constant 0 : i32
        %dma_wait3A_115 = tpu.memref_slice %arg5[%mul3A_107, %dma_wait3A_114] : memref<10000x128xf32, #tpu.memory_space<hbm>> -> memref<632x128xf32, #tpu.memory_space<hbm>>
        tpu.wait_dma2 semaphore(%run_scoped3A : memref<!tpu.dma_semaphore, #tpu.memory_space<semaphore_mem>>) src(%dma_wait3A_115 : memref<632x128xf32, #tpu.memory_space<hbm>>) dst(%dma_wait3A_113 : memref<632x128xf32, #tpu.memory_space<vmem_shared>>)
        tpu.yield
      }) : () -> ()
    } else {
    }
    %eq3A = arith.constant 15 : i32
    %eq3A_3 = arith.cmpi eq, %arg1, %eq3A : i32
    %convert_element_type3A_4 = arith.extui %eq3A_3 : i1 to i32
    %cond3A_5 = arith.constant 0 : i32
    %cond3A_6 = arith.cmpi ne, %convert_element_type3A_4, %cond3A_5 : i32
    scf.if %cond3A_6 {
      "tpu.region"() ({
        %run_scoped3A = tpu.sem_alloc : memref<!tpu.dma_semaphore, #tpu.memory_space<semaphore_mem>>
        %dma_start3A_106 = arith.constant 9480 : i32
        %dma_start3A_107 = arith.constant 0 : i32
        %dma_start3A_108 = tpu.memref_slice %arg22[%dma_start3A_106, %dma_start3A_107] : memref<10000x128xf32, #tpu.memory_space<vmem_shared>> -> memref<520x128xf32, #tpu.memory_space<vmem_shared>>
        %dma_start3A_109 = arith.constant 9480 : i32
        %dma_start3A_110 = arith.constant 0 : i32
        %dma_start3A_111 = tpu.memref_slice %arg5[%dma_start3A_109, %dma_start3A_110] : memref<10000x128xf32, #tpu.memory_space<hbm>> -> memref<520x128xf32, #tpu.memory_space<hbm>>
        tpu.enqueue_dma source(%dma_start3A_111 : memref<520x128xf32, #tpu.memory_space<hbm>>) target(%dma_start3A_108 : memref<520x128xf32, #tpu.memory_space<vmem_shared>>) target_semaphore(%run_scoped3A : memref<!tpu.dma_semaphore, #tpu.memory_space<semaphore_mem>>)
        %dma_wait3A_112 = arith.constant 9480 : i32
        %dma_wait3A_113 = arith.constant 0 : i32
        %dma_wait3A_114 = tpu.memref_slice %arg22[%dma_wait3A_112, %dma_wait3A_113] : memref<10000x128xf32, #tpu.memory_space<vmem_shared>> -> memref<520x128xf32, #tpu.memory_space<vmem_shared>>
        %dma_wait3A_115 = arith.constant 9480 : i32
        %dma_wait3A_116 = arith.constant 0 : i32
        %dma_wait3A_117 = tpu.memref_slice %arg5[%dma_wait3A_115, %dma_wait3A_116] : memref<10000x128xf32, #tpu.memory_space<hbm>> -> memref<520x128xf32, #tpu.memory_space<hbm>>
        tpu.wait_dma2 semaphore(%run_scoped3A : memref<!tpu.dma_semaphore, #tpu.memory_space<semaphore_mem>>) src(%dma_wait3A_117 : memref<520x128xf32, #tpu.memory_space<hbm>>) dst(%dma_wait3A_114 : memref<520x128xf32, #tpu.memory_space<vmem_shared>>)
        tpu.yield
      }) : () -> ()
    } else {
    }
    %barrier3A = arith.constant 0 : index
    tpu.barrier barrier_id(%barrier3A)
    %scan3A = arith.constant 0 : i32
    %scan3A_7 = arith.constant 6 : i32
    %scan3A_8 = arith.addi %scan3A, %scan3A_7 : i32
    %scan3A_9 = arith.constant 1 : i32
    scf.for %scan3A_106 = %scan3A to %scan3A_8 step %scan3A_9  : i32 {
      %mul3A_107 = arith.constant 1 : i32
      %mul3A_108 = arith.muli %scan3A_106, %mul3A_107 : i32
      %add3A_109 = arith.constant 0 : i32
      %add3A_110 = arith.addi %add3A_109, %mul3A_108 : i32
      %mul3A_111 = arith.constant 2 : i32
      %mul3A_112 = arith.muli %mul3A_111, %add3A_110 : i32
      %mul3A_113 = arith.constant 3 : i32
      %mul3A_114 = arith.muli %mul3A_112, %mul3A_113 : i32
      %add3A_115 = arith.constant 0 : i32
      %add3A_116 = arith.addi %mul3A_114, %add3A_115 : i32
      %mul3A_117 = arith.constant 32 : i32
      %mul3A_118 = arith.muli %add3A_116, %mul3A_117 : i32
      %add3A_119 = arith.addi %add3A, %mul3A_118 : i32
      %mul3A_120 = arith.constant 128 : i32
      %mul3A_121 = arith.muli %add3A_119, %mul3A_120 : i32
      %dma_start3A_122 = tpu.memref_slice %arg3[%mul3A_121] : memref<160000xi32, #tpu.memory_space<hbm>> -> memref<128xi32, #tpu.memory_space<hbm>>
      %dma_start3A_123 = tpu.memref_slice %arg3[%mul3A_121] : memref<160000xi32, #tpu.memory_space<hbm>> -> memref<128xi32, #tpu.memory_space<hbm>>
      tpu.enqueue_dma source(%dma_start3A_123 : memref<128xi32, #tpu.memory_space<hbm>>) target(%arg7 : memref<128xi32, #tpu.memory_space<vmem>>) target_semaphore(%arg23 : memref<!tpu.dma_semaphore, #tpu.memory_space<semaphore_mem>>)
      %dma_start3A_124 = tpu.memref_slice %arg4[%mul3A_121] : memref<160000xi32, #tpu.memory_space<hbm>> -> memref<128xi32, #tpu.memory_space<hbm>>
      %dma_start3A_125 = tpu.memref_slice %arg4[%mul3A_121] : memref<160000xi32, #tpu.memory_space<hbm>> -> memref<128xi32, #tpu.memory_space<hbm>>
      tpu.enqueue_dma source(%dma_start3A_125 : memref<128xi32, #tpu.memory_space<hbm>>) target(%arg13 : memref<128xi32, #tpu.memory_space<vmem>>) target_semaphore(%arg23 : memref<!tpu.dma_semaphore, #tpu.memory_space<semaphore_mem>>)
      %mul3A_126 = arith.constant 3 : i32
      %mul3A_127 = arith.muli %mul3A_112, %mul3A_126 : i32
      %add3A_128 = arith.constant 1 : i32
      %add3A_129 = arith.addi %mul3A_127, %add3A_128 : i32
      %mul3A_130 = arith.constant 32 : i32
      %mul3A_131 = arith.muli %add3A_129, %mul3A_130 : i32
      %add3A_132 = arith.addi %add3A, %mul3A_131 : i32
      %mul3A_133 = arith.constant 128 : i32
      %mul3A_134 = arith.muli %add3A_132, %mul3A_133 : i32
      %dma_start3A_135 = tpu.memref_slice %arg3[%mul3A_134] : memref<160000xi32, #tpu.memory_space<hbm>> -> memref<128xi32, #tpu.memory_space<hbm>>
      %dma_start3A_136 = tpu.memref_slice %arg3[%mul3A_134] : memref<160000xi32, #tpu.memory_space<hbm>> -> memref<128xi32, #tpu.memory_space<hbm>>
      tpu.enqueue_dma source(%dma_start3A_136 : memref<128xi32, #tpu.memory_space<hbm>>) target(%arg8 : memref<128xi32, #tpu.memory_space<vmem>>) target_semaphore(%arg24 : memref<!tpu.dma_semaphore, #tpu.memory_space<semaphore_mem>>)
      %dma_start3A_137 = tpu.memref_slice %arg4[%mul3A_134] : memref<160000xi32, #tpu.memory_space<hbm>> -> memref<128xi32, #tpu.memory_space<hbm>>
      %dma_start3A_138 = tpu.memref_slice %arg4[%mul3A_134] : memref<160000xi32, #tpu.memory_space<hbm>> -> memref<128xi32, #tpu.memory_space<hbm>>
      tpu.enqueue_dma source(%dma_start3A_138 : memref<128xi32, #tpu.memory_space<hbm>>) target(%arg14 : memref<128xi32, #tpu.memory_space<vmem>>) target_semaphore(%arg24 : memref<!tpu.dma_semaphore, #tpu.memory_space<semaphore_mem>>)
      %mul3A_139 = arith.constant 3 : i32
      %mul3A_140 = arith.muli %mul3A_112, %mul3A_139 : i32
      %add3A_141 = arith.constant 2 : i32
      %add3A_142 = arith.addi %mul3A_140, %add3A_141 : i32
      %mul3A_143 = arith.constant 32 : i32
      %mul3A_144 = arith.muli %add3A_142, %mul3A_143 : i32
      %add3A_145 = arith.addi %add3A, %mul3A_144 : i32
      %mul3A_146 = arith.constant 128 : i32
      %mul3A_147 = arith.muli %add3A_145, %mul3A_146 : i32
      %dma_start3A_148 = tpu.memref_slice %arg3[%mul3A_147] : memref<160000xi32, #tpu.memory_space<hbm>> -> memref<128xi32, #tpu.memory_space<hbm>>
      %dma_start3A_149 = tpu.memref_slice %arg3[%mul3A_147] : memref<160000xi32, #tpu.memory_space<hbm>> -> memref<128xi32, #tpu.memory_space<hbm>>
      tpu.enqueue_dma source(%dma_start3A_149 : memref<128xi32, #tpu.memory_space<hbm>>) target(%arg9 : memref<128xi32, #tpu.memory_space<vmem>>) target_semaphore(%arg25 : memref<!tpu.dma_semaphore, #tpu.memory_space<semaphore_mem>>)
      %dma_start3A_150 = tpu.memref_slice %arg4[%mul3A_147] : memref<160000xi32, #tpu.memory_space<hbm>> -> memref<128xi32, #tpu.memory_space<hbm>>
      %dma_start3A_151 = tpu.memref_slice %arg4[%mul3A_147] : memref<160000xi32, #tpu.memory_space<hbm>> -> memref<128xi32, #tpu.memory_space<hbm>>
      tpu.enqueue_dma source(%dma_start3A_151 : memref<128xi32, #tpu.memory_space<hbm>>) target(%arg15 : memref<128xi32, #tpu.memory_space<vmem>>) target_semaphore(%arg25 : memref<!tpu.dma_semaphore, #tpu.memory_space<semaphore_mem>>)
      %dma_wait3A_152 = tpu.memref_slice %arg3[%mul3A_121] : memref<160000xi32, #tpu.memory_space<hbm>> -> memref<128xi32, #tpu.memory_space<hbm>>
      %dma_wait3A_153 = tpu.memref_slice %arg3[%mul3A_121] : memref<160000xi32, #tpu.memory_space<hbm>> -> memref<128xi32, #tpu.memory_space<hbm>>
      tpu.wait_dma2 semaphore(%arg23 : memref<!tpu.dma_semaphore, #tpu.memory_space<semaphore_mem>>) src(%dma_wait3A_153 : memref<128xi32, #tpu.memory_space<hbm>>) dst(%arg7 : memref<128xi32, #tpu.memory_space<vmem>>)
      %dma_wait3A_154 = tpu.memref_slice %arg4[%mul3A_121] : memref<160000xi32, #tpu.memory_space<hbm>> -> memref<128xi32, #tpu.memory_space<hbm>>
      %dma_wait3A_155 = tpu.memref_slice %arg4[%mul3A_121] : memref<160000xi32, #tpu.memory_space<hbm>> -> memref<128xi32, #tpu.memory_space<hbm>>
      tpu.wait_dma2 semaphore(%arg23 : memref<!tpu.dma_semaphore, #tpu.memory_space<semaphore_mem>>) src(%dma_wait3A_155 : memref<128xi32, #tpu.memory_space<hbm>>) dst(%arg13 : memref<128xi32, #tpu.memory_space<vmem>>)
      %gt3A = arith.constant 0 : i32
      %gt3A_156 = arith.cmpi sgt, %add3A_110, %gt3A : i32
      %convert_element_type3A_157 = arith.extui %gt3A_156 : i1 to i32
      %cond3A_158 = arith.constant 0 : i32
      %cond3A_159 = arith.cmpi ne, %convert_element_type3A_157, %cond3A_158 : i32
      scf.if %cond3A_159 {
        %dma_wait3A_296 = arith.constant 0 : i32
        %dma_wait3A_297 = arith.constant 0 : i32
        %dma_wait3A_298 = tpu.memref_slice %arg22[%dma_wait3A_296, %dma_wait3A_297] : memref<10000x128xf32, #tpu.memory_space<vmem_shared>> -> memref<10000x128xf32, #tpu.memory_space<vmem_shared>>
        tpu.wait_indirect_dma semaphore(%arg32 : memref<!tpu.dma_semaphore, #tpu.memory_space<semaphore_mem>>) src(%arg19 : memref<128x128xf32, #tpu.memory_space<vmem>>) dst(%dma_wait3A_298 : memref<10000x128xf32, #tpu.memory_space<vmem_shared>>)
      } else {
      }
      %dma_start3A_160 = arith.constant 0 : i32
      %dma_start3A_161 = arith.constant 0 : i32
      %dma_start3A_162 = tpu.memref_slice %arg2[%dma_start3A_160, %dma_start3A_161] : memref<10000x128xf32, #tpu.memory_space<hbm>> -> memref<10000x128xf32, #tpu.memory_space<hbm>>
      tpu.enqueue_indirect_dma source(%dma_start3A_162 : memref<10000x128xf32, #tpu.memory_space<hbm>>) target(%arg19 : memref<128x128xf32, #tpu.memory_space<vmem>>) offsets(%arg7 : memref<128xi32, #tpu.memory_space<vmem>>) semaphore(%arg29 : memref<!tpu.dma_semaphore, #tpu.memory_space<semaphore_mem>>)
      %dma_wait3A_163 = tpu.memref_slice %arg3[%mul3A_134] : memref<160000xi32, #tpu.memory_space<hbm>> -> memref<128xi32, #tpu.memory_space<hbm>>
      %dma_wait3A_164 = tpu.memref_slice %arg3[%mul3A_134] : memref<160000xi32, #tpu.memory_space<hbm>> -> memref<128xi32, #tpu.memory_space<hbm>>
      tpu.wait_dma2 semaphore(%arg24 : memref<!tpu.dma_semaphore, #tpu.memory_space<semaphore_mem>>) src(%dma_wait3A_164 : memref<128xi32, #tpu.memory_space<hbm>>) dst(%arg8 : memref<128xi32, #tpu.memory_space<vmem>>)
      %dma_wait3A_165 = tpu.memref_slice %arg4[%mul3A_134] : memref<160000xi32, #tpu.memory_space<hbm>> -> memref<128xi32, #tpu.memory_space<hbm>>
      %dma_wait3A_166 = tpu.memref_slice %arg4[%mul3A_134] : memref<160000xi32, #tpu.memory_space<hbm>> -> memref<128xi32, #tpu.memory_space<hbm>>
      tpu.wait_dma2 semaphore(%arg24 : memref<!tpu.dma_semaphore, #tpu.memory_space<semaphore_mem>>) src(%dma_wait3A_166 : memref<128xi32, #tpu.memory_space<hbm>>) dst(%arg14 : memref<128xi32, #tpu.memory_space<vmem>>)
      %gt3A_167 = arith.constant 0 : i32
      %gt3A_168 = arith.cmpi sgt, %add3A_110, %gt3A_167 : i32
      %convert_element_type3A_169 = arith.extui %gt3A_168 : i1 to i32
      %cond3A_170 = arith.constant 0 : i32
      %cond3A_171 = arith.cmpi ne, %convert_element_type3A_169, %cond3A_170 : i32
      scf.if %cond3A_171 {
        %dma_wait3A_296 = arith.constant 0 : i32
        %dma_wait3A_297 = arith.constant 0 : i32
        %dma_wait3A_298 = tpu.memref_slice %arg22[%dma_wait3A_296, %dma_wait3A_297] : memref<10000x128xf32, #tpu.memory_space<vmem_shared>> -> memref<10000x128xf32, #tpu.memory_space<vmem_shared>>
        tpu.wait_indirect_dma semaphore(%arg33 : memref<!tpu.dma_semaphore, #tpu.memory_space<semaphore_mem>>) src(%arg20 : memref<128x128xf32, #tpu.memory_space<vmem>>) dst(%dma_wait3A_298 : memref<10000x128xf32, #tpu.memory_space<vmem_shared>>)
      } else {
      }
      %dma_start3A_172 = arith.constant 0 : i32
      %dma_start3A_173 = arith.constant 0 : i32
      %dma_start3A_174 = tpu.memref_slice %arg2[%dma_start3A_172, %dma_start3A_173] : memref<10000x128xf32, #tpu.memory_space<hbm>> -> memref<10000x128xf32, #tpu.memory_space<hbm>>
      tpu.enqueue_indirect_dma source(%dma_start3A_174 : memref<10000x128xf32, #tpu.memory_space<hbm>>) target(%arg20 : memref<128x128xf32, #tpu.memory_space<vmem>>) offsets(%arg8 : memref<128xi32, #tpu.memory_space<vmem>>) semaphore(%arg30 : memref<!tpu.dma_semaphore, #tpu.memory_space<semaphore_mem>>)
      %dma_wait3A_175 = tpu.memref_slice %arg3[%mul3A_147] : memref<160000xi32, #tpu.memory_space<hbm>> -> memref<128xi32, #tpu.memory_space<hbm>>
      %dma_wait3A_176 = tpu.memref_slice %arg3[%mul3A_147] : memref<160000xi32, #tpu.memory_space<hbm>> -> memref<128xi32, #tpu.memory_space<hbm>>
      tpu.wait_dma2 semaphore(%arg25 : memref<!tpu.dma_semaphore, #tpu.memory_space<semaphore_mem>>) src(%dma_wait3A_176 : memref<128xi32, #tpu.memory_space<hbm>>) dst(%arg9 : memref<128xi32, #tpu.memory_space<vmem>>)
      %dma_wait3A_177 = tpu.memref_slice %arg4[%mul3A_147] : memref<160000xi32, #tpu.memory_space<hbm>> -> memref<128xi32, #tpu.memory_space<hbm>>
      %dma_wait3A_178 = tpu.memref_slice %arg4[%mul3A_147] : memref<160000xi32, #tpu.memory_space<hbm>> -> memref<128xi32, #tpu.memory_space<hbm>>
      tpu.wait_dma2 semaphore(%arg25 : memref<!tpu.dma_semaphore, #tpu.memory_space<semaphore_mem>>) src(%dma_wait3A_178 : memref<128xi32, #tpu.memory_space<hbm>>) dst(%arg15 : memref<128xi32, #tpu.memory_space<vmem>>)
      %gt3A_179 = arith.constant 0 : i32
      %gt3A_180 = arith.cmpi sgt, %add3A_110, %gt3A_179 : i32
      %convert_element_type3A_181 = arith.extui %gt3A_180 : i1 to i32
      %cond3A_182 = arith.constant 0 : i32
      %cond3A_183 = arith.cmpi ne, %convert_element_type3A_181, %cond3A_182 : i32
      scf.if %cond3A_183 {
        %dma_wait3A_296 = arith.constant 0 : i32
        %dma_wait3A_297 = arith.constant 0 : i32
        %dma_wait3A_298 = tpu.memref_slice %arg22[%dma_wait3A_296, %dma_wait3A_297] : memref<10000x128xf32, #tpu.memory_space<vmem_shared>> -> memref<10000x128xf32, #tpu.memory_space<vmem_shared>>
        tpu.wait_indirect_dma semaphore(%arg34 : memref<!tpu.dma_semaphore, #tpu.memory_space<semaphore_mem>>) src(%arg21 : memref<128x128xf32, #tpu.memory_space<vmem>>) dst(%dma_wait3A_298 : memref<10000x128xf32, #tpu.memory_space<vmem_shared>>)
      } else {
      }
      %dma_start3A_184 = arith.constant 0 : i32
      %dma_start3A_185 = arith.constant 0 : i32
      %dma_start3A_186 = tpu.memref_slice %arg2[%dma_start3A_184, %dma_start3A_185] : memref<10000x128xf32, #tpu.memory_space<hbm>> -> memref<10000x128xf32, #tpu.memory_space<hbm>>
      tpu.enqueue_indirect_dma source(%dma_start3A_186 : memref<10000x128xf32, #tpu.memory_space<hbm>>) target(%arg21 : memref<128x128xf32, #tpu.memory_space<vmem>>) offsets(%arg9 : memref<128xi32, #tpu.memory_space<vmem>>) semaphore(%arg31 : memref<!tpu.dma_semaphore, #tpu.memory_space<semaphore_mem>>)
      %dma_wait3A_187 = arith.constant 0 : i32
      %dma_wait3A_188 = arith.constant 0 : i32
      %dma_wait3A_189 = tpu.memref_slice %arg2[%dma_wait3A_187, %dma_wait3A_188] : memref<10000x128xf32, #tpu.memory_space<hbm>> -> memref<10000x128xf32, #tpu.memory_space<hbm>>
      tpu.wait_indirect_dma semaphore(%arg29 : memref<!tpu.dma_semaphore, #tpu.memory_space<semaphore_mem>>) src(%dma_wait3A_189 : memref<10000x128xf32, #tpu.memory_space<hbm>>) dst(%arg19 : memref<128x128xf32, #tpu.memory_space<vmem>>)
      %dma_start3A_190 = arith.constant 0 : i32
      %dma_start3A_191 = arith.constant 0 : i32
      %dma_start3A_192 = tpu.memref_slice %arg22[%dma_start3A_190, %dma_start3A_191] : memref<10000x128xf32, #tpu.memory_space<vmem_shared>> -> memref<10000x128xf32, #tpu.memory_space<vmem_shared>>
      tpu.enqueue_indirect_dma source(%arg19 : memref<128x128xf32, #tpu.memory_space<vmem>>) target(%dma_start3A_192 : memref<10000x128xf32, #tpu.memory_space<vmem_shared>>) offsets(%arg13 : memref<128xi32, #tpu.memory_space<vmem>>) semaphore(%arg32 : memref<!tpu.dma_semaphore, #tpu.memory_space<semaphore_mem>>) {add = true}
      %dma_wait3A_193 = arith.constant 0 : i32
      %dma_wait3A_194 = arith.constant 0 : i32
      %dma_wait3A_195 = tpu.memref_slice %arg2[%dma_wait3A_193, %dma_wait3A_194] : memref<10000x128xf32, #tpu.memory_space<hbm>> -> memref<10000x128xf32, #tpu.memory_space<hbm>>
      tpu.wait_indirect_dma semaphore(%arg30 : memref<!tpu.dma_semaphore, #tpu.memory_space<semaphore_mem>>) src(%dma_wait3A_195 : memref<10000x128xf32, #tpu.memory_space<hbm>>) dst(%arg20 : memref<128x128xf32, #tpu.memory_space<vmem>>)
      %dma_start3A_196 = arith.constant 0 : i32
      %dma_start3A_197 = arith.constant 0 : i32
      %dma_start3A_198 = tpu.memref_slice %arg22[%dma_start3A_196, %dma_start3A_197] : memref<10000x128xf32, #tpu.memory_space<vmem_shared>> -> memref<10000x128xf32, #tpu.memory_space<vmem_shared>>
      tpu.enqueue_indirect_dma source(%arg20 : memref<128x128xf32, #tpu.memory_space<vmem>>) target(%dma_start3A_198 : memref<10000x128xf32, #tpu.memory_space<vmem_shared>>) offsets(%arg14 : memref<128xi32, #tpu.memory_space<vmem>>) semaphore(%arg33 : memref<!tpu.dma_semaphore, #tpu.memory_space<semaphore_mem>>) {add = true}
      %dma_wait3A_199 = arith.constant 0 : i32
      %dma_wait3A_200 = arith.constant 0 : i32
      %dma_wait3A_201 = tpu.memref_slice %arg2[%dma_wait3A_199, %dma_wait3A_200] : memref<10000x128xf32, #tpu.memory_space<hbm>> -> memref<10000x128xf32, #tpu.memory_space<hbm>>
      tpu.wait_indirect_dma semaphore(%arg31 : memref<!tpu.dma_semaphore, #tpu.memory_space<semaphore_mem>>) src(%dma_wait3A_201 : memref<10000x128xf32, #tpu.memory_space<hbm>>) dst(%arg21 : memref<128x128xf32, #tpu.memory_space<vmem>>)
      %dma_start3A_202 = arith.constant 0 : i32
      %dma_start3A_203 = arith.constant 0 : i32
      %dma_start3A_204 = tpu.memref_slice %arg22[%dma_start3A_202, %dma_start3A_203] : memref<10000x128xf32, #tpu.memory_space<vmem_shared>> -> memref<10000x128xf32, #tpu.memory_space<vmem_shared>>
      tpu.enqueue_indirect_dma source(%arg21 : memref<128x128xf32, #tpu.memory_space<vmem>>) target(%dma_start3A_204 : memref<10000x128xf32, #tpu.memory_space<vmem_shared>>) offsets(%arg15 : memref<128xi32, #tpu.memory_space<vmem>>) semaphore(%arg34 : memref<!tpu.dma_semaphore, #tpu.memory_space<semaphore_mem>>) {add = true}
      %mul3A_205 = arith.constant 2 : i32
      %mul3A_206 = arith.muli %mul3A_205, %add3A_110 : i32
      %add3A_207 = arith.constant 1 : i32
      %add3A_208 = arith.addi %mul3A_206, %add3A_207 : i32
      %mul3A_209 = arith.constant 3 : i32
      %mul3A_210 = arith.muli %add3A_208, %mul3A_209 : i32
      %add3A_211 = arith.constant 0 : i32
      %add3A_212 = arith.addi %mul3A_210, %add3A_211 : i32
      %mul3A_213 = arith.constant 32 : i32
      %mul3A_214 = arith.muli %add3A_212, %mul3A_213 : i32
      %add3A_215 = arith.addi %add3A, %mul3A_214 : i32
      %mul3A_216 = arith.constant 128 : i32
      %mul3A_217 = arith.muli %add3A_215, %mul3A_216 : i32
      %dma_start3A_218 = tpu.memref_slice %arg3[%mul3A_217] : memref<160000xi32, #tpu.memory_space<hbm>> -> memref<128xi32, #tpu.memory_space<hbm>>
      %dma_start3A_219 = tpu.memref_slice %arg3[%mul3A_217] : memref<160000xi32, #tpu.memory_space<hbm>> -> memref<128xi32, #tpu.memory_space<hbm>>
      tpu.enqueue_dma source(%dma_start3A_219 : memref<128xi32, #tpu.memory_space<hbm>>) target(%arg10 : memref<128xi32, #tpu.memory_space<vmem>>) target_semaphore(%arg26 : memref<!tpu.dma_semaphore, #tpu.memory_space<semaphore_mem>>)
      %dma_start3A_220 = tpu.memref_slice %arg4[%mul3A_217] : memref<160000xi32, #tpu.memory_space<hbm>> -> memref<128xi32, #tpu.memory_space<hbm>>
      %dma_start3A_221 = tpu.memref_slice %arg4[%mul3A_217] : memref<160000xi32, #tpu.memory_space<hbm>> -> memref<128xi32, #tpu.memory_space<hbm>>
      tpu.enqueue_dma source(%dma_start3A_221 : memref<128xi32, #tpu.memory_space<hbm>>) target(%arg16 : memref<128xi32, #tpu.memory_space<vmem>>) target_semaphore(%arg26 : memref<!tpu.dma_semaphore, #tpu.memory_space<semaphore_mem>>)
      %mul3A_222 = arith.constant 3 : i32
      %mul3A_223 = arith.muli %add3A_208, %mul3A_222 : i32
      %add3A_224 = arith.constant 1 : i32
      %add3A_225 = arith.addi %mul3A_223, %add3A_224 : i32
      %mul3A_226 = arith.constant 32 : i32
      %mul3A_227 = arith.muli %add3A_225, %mul3A_226 : i32
      %add3A_228 = arith.addi %add3A, %mul3A_227 : i32
      %mul3A_229 = arith.constant 128 : i32
      %mul3A_230 = arith.muli %add3A_228, %mul3A_229 : i32
      %dma_start3A_231 = tpu.memref_slice %arg3[%mul3A_230] : memref<160000xi32, #tpu.memory_space<hbm>> -> memref<128xi32, #tpu.memory_space<hbm>>
      %dma_start3A_232 = tpu.memref_slice %arg3[%mul3A_230] : memref<160000xi32, #tpu.memory_space<hbm>> -> memref<128xi32, #tpu.memory_space<hbm>>
      tpu.enqueue_dma source(%dma_start3A_232 : memref<128xi32, #tpu.memory_space<hbm>>) target(%arg11 : memref<128xi32, #tpu.memory_space<vmem>>) target_semaphore(%arg27 : memref<!tpu.dma_semaphore, #tpu.memory_space<semaphore_mem>>)
      %dma_start3A_233 = tpu.memref_slice %arg4[%mul3A_230] : memref<160000xi32, #tpu.memory_space<hbm>> -> memref<128xi32, #tpu.memory_space<hbm>>
      %dma_start3A_234 = tpu.memref_slice %arg4[%mul3A_230] : memref<160000xi32, #tpu.memory_space<hbm>> -> memref<128xi32, #tpu.memory_space<hbm>>
      tpu.enqueue_dma source(%dma_start3A_234 : memref<128xi32, #tpu.memory_space<hbm>>) target(%arg17 : memref<128xi32, #tpu.memory_space<vmem>>) target_semaphore(%arg27 : memref<!tpu.dma_semaphore, #tpu.memory_space<semaphore_mem>>)
      %mul3A_235 = arith.constant 3 : i32
      %mul3A_236 = arith.muli %add3A_208, %mul3A_235 : i32
      %add3A_237 = arith.constant 2 : i32
      %add3A_238 = arith.addi %mul3A_236, %add3A_237 : i32
      %mul3A_239 = arith.constant 32 : i32
      %mul3A_240 = arith.muli %add3A_238, %mul3A_239 : i32
      %add3A_241 = arith.addi %add3A, %mul3A_240 : i32
      %mul3A_242 = arith.constant 128 : i32
      %mul3A_243 = arith.muli %add3A_241, %mul3A_242 : i32
      %dma_start3A_244 = tpu.memref_slice %arg3[%mul3A_243] : memref<160000xi32, #tpu.memory_space<hbm>> -> memref<128xi32, #tpu.memory_space<hbm>>
      %dma_start3A_245 = tpu.memref_slice %arg3[%mul3A_243] : memref<160000xi32, #tpu.memory_space<hbm>> -> memref<128xi32, #tpu.memory_space<hbm>>
      tpu.enqueue_dma source(%dma_start3A_245 : memref<128xi32, #tpu.memory_space<hbm>>) target(%arg12 : memref<128xi32, #tpu.memory_space<vmem>>) target_semaphore(%arg28 : memref<!tpu.dma_semaphore, #tpu.memory_space<semaphore_mem>>)
      %dma_start3A_246 = tpu.memref_slice %arg4[%mul3A_243] : memref<160000xi32, #tpu.memory_space<hbm>> -> memref<128xi32, #tpu.memory_space<hbm>>
      %dma_start3A_247 = tpu.memref_slice %arg4[%mul3A_243] : memref<160000xi32, #tpu.memory_space<hbm>> -> memref<128xi32, #tpu.memory_space<hbm>>
      tpu.enqueue_dma source(%dma_start3A_247 : memref<128xi32, #tpu.memory_space<hbm>>) target(%arg18 : memref<128xi32, #tpu.memory_space<vmem>>) target_semaphore(%arg28 : memref<!tpu.dma_semaphore, #tpu.memory_space<semaphore_mem>>)
      %dma_wait3A_248 = tpu.memref_slice %arg3[%mul3A_217] : memref<160000xi32, #tpu.memory_space<hbm>> -> memref<128xi32, #tpu.memory_space<hbm>>
      %dma_wait3A_249 = tpu.memref_slice %arg3[%mul3A_217] : memref<160000xi32, #tpu.memory_space<hbm>> -> memref<128xi32, #tpu.memory_space<hbm>>
      tpu.wait_dma2 semaphore(%arg26 : memref<!tpu.dma_semaphore, #tpu.memory_space<semaphore_mem>>) src(%dma_wait3A_249 : memref<128xi32, #tpu.memory_space<hbm>>) dst(%arg10 : memref<128xi32, #tpu.memory_space<vmem>>)
      %dma_wait3A_250 = tpu.memref_slice %arg4[%mul3A_217] : memref<160000xi32, #tpu.memory_space<hbm>> -> memref<128xi32, #tpu.memory_space<hbm>>
      %dma_wait3A_251 = tpu.memref_slice %arg4[%mul3A_217] : memref<160000xi32, #tpu.memory_space<hbm>> -> memref<128xi32, #tpu.memory_space<hbm>>
      tpu.wait_dma2 semaphore(%arg26 : memref<!tpu.dma_semaphore, #tpu.memory_space<semaphore_mem>>) src(%dma_wait3A_251 : memref<128xi32, #tpu.memory_space<hbm>>) dst(%arg16 : memref<128xi32, #tpu.memory_space<vmem>>)
      %dma_wait3A_252 = arith.constant 0 : i32
      %dma_wait3A_253 = arith.constant 0 : i32
      %dma_wait3A_254 = tpu.memref_slice %arg22[%dma_wait3A_252, %dma_wait3A_253] : memref<10000x128xf32, #tpu.memory_space<vmem_shared>> -> memref<10000x128xf32, #tpu.memory_space<vmem_shared>>
      tpu.wait_indirect_dma semaphore(%arg32 : memref<!tpu.dma_semaphore, #tpu.memory_space<semaphore_mem>>) src(%arg19 : memref<128x128xf32, #tpu.memory_space<vmem>>) dst(%dma_wait3A_254 : memref<10000x128xf32, #tpu.memory_space<vmem_shared>>)
      %dma_start3A_255 = arith.constant 0 : i32
      %dma_start3A_256 = arith.constant 0 : i32
      %dma_start3A_257 = tpu.memref_slice %arg2[%dma_start3A_255, %dma_start3A_256] : memref<10000x128xf32, #tpu.memory_space<hbm>> -> memref<10000x128xf32, #tpu.memory_space<hbm>>
      tpu.enqueue_indirect_dma source(%dma_start3A_257 : memref<10000x128xf32, #tpu.memory_space<hbm>>) target(%arg19 : memref<128x128xf32, #tpu.memory_space<vmem>>) offsets(%arg10 : memref<128xi32, #tpu.memory_space<vmem>>) semaphore(%arg29 : memref<!tpu.dma_semaphore, #tpu.memory_space<semaphore_mem>>)
      %dma_wait3A_258 = tpu.memref_slice %arg3[%mul3A_230] : memref<160000xi32, #tpu.memory_space<hbm>> -> memref<128xi32, #tpu.memory_space<hbm>>
      %dma_wait3A_259 = tpu.memref_slice %arg3[%mul3A_230] : memref<160000xi32, #tpu.memory_space<hbm>> -> memref<128xi32, #tpu.memory_space<hbm>>
      tpu.wait_dma2 semaphore(%arg27 : memref<!tpu.dma_semaphore, #tpu.memory_space<semaphore_mem>>) src(%dma_wait3A_259 : memref<128xi32, #tpu.memory_space<hbm>>) dst(%arg11 : memref<128xi32, #tpu.memory_space<vmem>>)
      %dma_wait3A_260 = tpu.memref_slice %arg4[%mul3A_230] : memref<160000xi32, #tpu.memory_space<hbm>> -> memref<128xi32, #tpu.memory_space<hbm>>
      %dma_wait3A_261 = tpu.memref_slice %arg4[%mul3A_230] : memref<160000xi32, #tpu.memory_space<hbm>> -> memref<128xi32, #tpu.memory_space<hbm>>
      tpu.wait_dma2 semaphore(%arg27 : memref<!tpu.dma_semaphore, #tpu.memory_space<semaphore_mem>>) src(%dma_wait3A_261 : memref<128xi32, #tpu.memory_space<hbm>>) dst(%arg17 : memref<128xi32, #tpu.memory_space<vmem>>)
      %dma_wait3A_262 = arith.constant 0 : i32
      %dma_wait3A_263 = arith.constant 0 : i32
      %dma_wait3A_264 = tpu.memref_slice %arg22[%dma_wait3A_262, %dma_wait3A_263] : memref<10000x128xf32, #tpu.memory_space<vmem_shared>> -> memref<10000x128xf32, #tpu.memory_space<vmem_shared>>
      tpu.wait_indirect_dma semaphore(%arg33 : memref<!tpu.dma_semaphore, #tpu.memory_space<semaphore_mem>>) src(%arg20 : memref<128x128xf32, #tpu.memory_space<vmem>>) dst(%dma_wait3A_264 : memref<10000x128xf32, #tpu.memory_space<vmem_shared>>)
      %dma_start3A_265 = arith.constant 0 : i32
      %dma_start3A_266 = arith.constant 0 : i32
      %dma_start3A_267 = tpu.memref_slice %arg2[%dma_start3A_265, %dma_start3A_266] : memref<10000x128xf32, #tpu.memory_space<hbm>> -> memref<10000x128xf32, #tpu.memory_space<hbm>>
      tpu.enqueue_indirect_dma source(%dma_start3A_267 : memref<10000x128xf32, #tpu.memory_space<hbm>>) target(%arg20 : memref<128x128xf32, #tpu.memory_space<vmem>>) offsets(%arg11 : memref<128xi32, #tpu.memory_space<vmem>>) semaphore(%arg30 : memref<!tpu.dma_semaphore, #tpu.memory_space<semaphore_mem>>)
      %dma_wait3A_268 = tpu.memref_slice %arg3[%mul3A_243] : memref<160000xi32, #tpu.memory_space<hbm>> -> memref<128xi32, #tpu.memory_space<hbm>>
      %dma_wait3A_269 = tpu.memref_slice %arg3[%mul3A_243] : memref<160000xi32, #tpu.memory_space<hbm>> -> memref<128xi32, #tpu.memory_space<hbm>>
      tpu.wait_dma2 semaphore(%arg28 : memref<!tpu.dma_semaphore, #tpu.memory_space<semaphore_mem>>) src(%dma_wait3A_269 : memref<128xi32, #tpu.memory_space<hbm>>) dst(%arg12 : memref<128xi32, #tpu.memory_space<vmem>>)
      %dma_wait3A_270 = tpu.memref_slice %arg4[%mul3A_243] : memref<160000xi32, #tpu.memory_space<hbm>> -> memref<128xi32, #tpu.memory_space<hbm>>
      %dma_wait3A_271 = tpu.memref_slice %arg4[%mul3A_243] : memref<160000xi32, #tpu.memory_space<hbm>> -> memref<128xi32, #tpu.memory_space<hbm>>
      tpu.wait_dma2 semaphore(%arg28 : memref<!tpu.dma_semaphore, #tpu.memory_space<semaphore_mem>>) src(%dma_wait3A_271 : memref<128xi32, #tpu.memory_space<hbm>>) dst(%arg18 : memref<128xi32, #tpu.memory_space<vmem>>)
      %dma_wait3A_272 = arith.constant 0 : i32
      %dma_wait3A_273 = arith.constant 0 : i32
      %dma_wait3A_274 = tpu.memref_slice %arg22[%dma_wait3A_272, %dma_wait3A_273] : memref<10000x128xf32, #tpu.memory_space<vmem_shared>> -> memref<10000x128xf32, #tpu.memory_space<vmem_shared>>
      tpu.wait_indirect_dma semaphore(%arg34 : memref<!tpu.dma_semaphore, #tpu.memory_space<semaphore_mem>>) src(%arg21 : memref<128x128xf32, #tpu.memory_space<vmem>>) dst(%dma_wait3A_274 : memref<10000x128xf32, #tpu.memory_space<vmem_shared>>)
      %dma_start3A_275 = arith.constant 0 : i32
      %dma_start3A_276 = arith.constant 0 : i32
      %dma_start3A_277 = tpu.memref_slice %arg2[%dma_start3A_275, %dma_start3A_276] : memref<10000x128xf32, #tpu.memory_space<hbm>> -> memref<10000x128xf32, #tpu.memory_space<hbm>>
      tpu.enqueue_indirect_dma source(%dma_start3A_277 : memref<10000x128xf32, #tpu.memory_space<hbm>>) target(%arg21 : memref<128x128xf32, #tpu.memory_space<vmem>>) offsets(%arg12 : memref<128xi32, #tpu.memory_space<vmem>>) semaphore(%arg31 : memref<!tpu.dma_semaphore, #tpu.memory_space<semaphore_mem>>)
      %dma_wait3A_278 = arith.constant 0 : i32
      %dma_wait3A_279 = arith.constant 0 : i32
      %dma_wait3A_280 = tpu.memref_slice %arg2[%dma_wait3A_278, %dma_wait3A_279] : memref<10000x128xf32, #tpu.memory_space<hbm>> -> memref<10000x128xf32, #tpu.memory_space<hbm>>
      tpu.wait_indirect_dma semaphore(%arg29 : memref<!tpu.dma_semaphore, #tpu.memory_space<semaphore_mem>>) src(%dma_wait3A_280 : memref<10000x128xf32, #tpu.memory_space<hbm>>) dst(%arg19 : memref<128x128xf32, #tpu.memory_space<vmem>>)
      %dma_start3A_281 = arith.constant 0 : i32
      %dma_start3A_282 = arith.constant 0 : i32
      %dma_start3A_283 = tpu.memref_slice %arg22[%dma_start3A_281, %dma_start3A_282] : memref<10000x128xf32, #tpu.memory_space<vmem_shared>> -> memref<10000x128xf32, #tpu.memory_space<vmem_shared>>
      tpu.enqueue_indirect_dma source(%arg19 : memref<128x128xf32, #tpu.memory_space<vmem>>) target(%dma_start3A_283 : memref<10000x128xf32, #tpu.memory_space<vmem_shared>>) offsets(%arg16 : memref<128xi32, #tpu.memory_space<vmem>>) semaphore(%arg32 : memref<!tpu.dma_semaphore, #tpu.memory_space<semaphore_mem>>) {add = true}
      %dma_wait3A_284 = arith.constant 0 : i32
      %dma_wait3A_285 = arith.constant 0 : i32
      %dma_wait3A_286 = tpu.memref_slice %arg2[%dma_wait3A_284, %dma_wait3A_285] : memref<10000x128xf32, #tpu.memory_space<hbm>> -> memref<10000x128xf32, #tpu.memory_space<hbm>>
      tpu.wait_indirect_dma semaphore(%arg30 : memref<!tpu.dma_semaphore, #tpu.memory_space<semaphore_mem>>) src(%dma_wait3A_286 : memref<10000x128xf32, #tpu.memory_space<hbm>>) dst(%arg20 : memref<128x128xf32, #tpu.memory_space<vmem>>)
      %dma_start3A_287 = arith.constant 0 : i32
      %dma_start3A_288 = arith.constant 0 : i32
      %dma_start3A_289 = tpu.memref_slice %arg22[%dma_start3A_287, %dma_start3A_288] : memref<10000x128xf32, #tpu.memory_space<vmem_shared>> -> memref<10000x128xf32, #tpu.memory_space<vmem_shared>>
      tpu.enqueue_indirect_dma source(%arg20 : memref<128x128xf32, #tpu.memory_space<vmem>>) target(%dma_start3A_289 : memref<10000x128xf32, #tpu.memory_space<vmem_shared>>) offsets(%arg17 : memref<128xi32, #tpu.memory_space<vmem>>) semaphore(%arg33 : memref<!tpu.dma_semaphore, #tpu.memory_space<semaphore_mem>>) {add = true}
      %dma_wait3A_290 = arith.constant 0 : i32
      %dma_wait3A_291 = arith.constant 0 : i32
      %dma_wait3A_292 = tpu.memref_slice %arg2[%dma_wait3A_290, %dma_wait3A_291] : memref<10000x128xf32, #tpu.memory_space<hbm>> -> memref<10000x128xf32, #tpu.memory_space<hbm>>
      tpu.wait_indirect_dma semaphore(%arg31 : memref<!tpu.dma_semaphore, #tpu.memory_space<semaphore_mem>>) src(%dma_wait3A_292 : memref<10000x128xf32, #tpu.memory_space<hbm>>) dst(%arg21 : memref<128x128xf32, #tpu.memory_space<vmem>>)
      %dma_start3A_293 = arith.constant 0 : i32
      %dma_start3A_294 = arith.constant 0 : i32
      %dma_start3A_295 = tpu.memref_slice %arg22[%dma_start3A_293, %dma_start3A_294] : memref<10000x128xf32, #tpu.memory_space<vmem_shared>> -> memref<10000x128xf32, #tpu.memory_space<vmem_shared>>
      tpu.enqueue_indirect_dma source(%arg21 : memref<128x128xf32, #tpu.memory_space<vmem>>) target(%dma_start3A_295 : memref<10000x128xf32, #tpu.memory_space<vmem_shared>>) offsets(%arg18 : memref<128xi32, #tpu.memory_space<vmem>>) semaphore(%arg34 : memref<!tpu.dma_semaphore, #tpu.memory_space<semaphore_mem>>) {add = true}
    }
    %scan3A_10 = arith.constant 6 : i32
    %add3A_11 = arith.constant 1152 : i32
    %add3A_12 = arith.addi %add3A, %add3A_11 : i32
    %mul3A_13 = arith.constant 128 : i32
    %mul3A_14 = arith.muli %add3A_12, %mul3A_13 : i32
    %dma_start3A = tpu.memref_slice %arg3[%mul3A_14] : memref<160000xi32, #tpu.memory_space<hbm>> -> memref<128xi32, #tpu.memory_space<hbm>>
    %dma_start3A_15 = tpu.memref_slice %arg3[%mul3A_14] : memref<160000xi32, #tpu.memory_space<hbm>> -> memref<128xi32, #tpu.memory_space<hbm>>
    tpu.enqueue_dma source(%dma_start3A_15 : memref<128xi32, #tpu.memory_space<hbm>>) target(%arg7 : memref<128xi32, #tpu.memory_space<vmem>>) target_semaphore(%arg23 : memref<!tpu.dma_semaphore, #tpu.memory_space<semaphore_mem>>)
    %dma_start3A_16 = tpu.memref_slice %arg4[%mul3A_14] : memref<160000xi32, #tpu.memory_space<hbm>> -> memref<128xi32, #tpu.memory_space<hbm>>
    %dma_start3A_17 = tpu.memref_slice %arg4[%mul3A_14] : memref<160000xi32, #tpu.memory_space<hbm>> -> memref<128xi32, #tpu.memory_space<hbm>>
    tpu.enqueue_dma source(%dma_start3A_17 : memref<128xi32, #tpu.memory_space<hbm>>) target(%arg13 : memref<128xi32, #tpu.memory_space<vmem>>) target_semaphore(%arg23 : memref<!tpu.dma_semaphore, #tpu.memory_space<semaphore_mem>>)
    %add3A_18 = arith.constant 1184 : i32
    %add3A_19 = arith.addi %add3A, %add3A_18 : i32
    %mul3A_20 = arith.constant 128 : i32
    %mul3A_21 = arith.muli %add3A_19, %mul3A_20 : i32
    %dma_start3A_22 = tpu.memref_slice %arg3[%mul3A_21] : memref<160000xi32, #tpu.memory_space<hbm>> -> memref<128xi32, #tpu.memory_space<hbm>>
    %dma_start3A_23 = tpu.memref_slice %arg3[%mul3A_21] : memref<160000xi32, #tpu.memory_space<hbm>> -> memref<128xi32, #tpu.memory_space<hbm>>
    tpu.enqueue_dma source(%dma_start3A_23 : memref<128xi32, #tpu.memory_space<hbm>>) target(%arg8 : memref<128xi32, #tpu.memory_space<vmem>>) target_semaphore(%arg24 : memref<!tpu.dma_semaphore, #tpu.memory_space<semaphore_mem>>)
    %dma_start3A_24 = tpu.memref_slice %arg4[%mul3A_21] : memref<160000xi32, #tpu.memory_space<hbm>> -> memref<128xi32, #tpu.memory_space<hbm>>
    %dma_start3A_25 = tpu.memref_slice %arg4[%mul3A_21] : memref<160000xi32, #tpu.memory_space<hbm>> -> memref<128xi32, #tpu.memory_space<hbm>>
    tpu.enqueue_dma source(%dma_start3A_25 : memref<128xi32, #tpu.memory_space<hbm>>) target(%arg14 : memref<128xi32, #tpu.memory_space<vmem>>) target_semaphore(%arg24 : memref<!tpu.dma_semaphore, #tpu.memory_space<semaphore_mem>>)
    %add3A_26 = arith.constant 1216 : i32
    %add3A_27 = arith.addi %add3A, %add3A_26 : i32
    %mul3A_28 = arith.constant 128 : i32
    %mul3A_29 = arith.muli %add3A_27, %mul3A_28 : i32
    %dma_start3A_30 = tpu.memref_slice %arg3[%mul3A_29] : memref<160000xi32, #tpu.memory_space<hbm>> -> memref<128xi32, #tpu.memory_space<hbm>>
    %dma_start3A_31 = tpu.memref_slice %arg3[%mul3A_29] : memref<160000xi32, #tpu.memory_space<hbm>> -> memref<128xi32, #tpu.memory_space<hbm>>
    tpu.enqueue_dma source(%dma_start3A_31 : memref<128xi32, #tpu.memory_space<hbm>>) target(%arg9 : memref<128xi32, #tpu.memory_space<vmem>>) target_semaphore(%arg25 : memref<!tpu.dma_semaphore, #tpu.memory_space<semaphore_mem>>)
    %dma_start3A_32 = tpu.memref_slice %arg4[%mul3A_29] : memref<160000xi32, #tpu.memory_space<hbm>> -> memref<128xi32, #tpu.memory_space<hbm>>
    %dma_start3A_33 = tpu.memref_slice %arg4[%mul3A_29] : memref<160000xi32, #tpu.memory_space<hbm>> -> memref<128xi32, #tpu.memory_space<hbm>>
    tpu.enqueue_dma source(%dma_start3A_33 : memref<128xi32, #tpu.memory_space<hbm>>) target(%arg15 : memref<128xi32, #tpu.memory_space<vmem>>) target_semaphore(%arg25 : memref<!tpu.dma_semaphore, #tpu.memory_space<semaphore_mem>>)
    %dma_wait3A = tpu.memref_slice %arg3[%mul3A_14] : memref<160000xi32, #tpu.memory_space<hbm>> -> memref<128xi32, #tpu.memory_space<hbm>>
    %dma_wait3A_34 = tpu.memref_slice %arg3[%mul3A_14] : memref<160000xi32, #tpu.memory_space<hbm>> -> memref<128xi32, #tpu.memory_space<hbm>>
    tpu.wait_dma2 semaphore(%arg23 : memref<!tpu.dma_semaphore, #tpu.memory_space<semaphore_mem>>) src(%dma_wait3A_34 : memref<128xi32, #tpu.memory_space<hbm>>) dst(%arg7 : memref<128xi32, #tpu.memory_space<vmem>>)
    %dma_wait3A_35 = tpu.memref_slice %arg4[%mul3A_14] : memref<160000xi32, #tpu.memory_space<hbm>> -> memref<128xi32, #tpu.memory_space<hbm>>
    %dma_wait3A_36 = tpu.memref_slice %arg4[%mul3A_14] : memref<160000xi32, #tpu.memory_space<hbm>> -> memref<128xi32, #tpu.memory_space<hbm>>
    tpu.wait_dma2 semaphore(%arg23 : memref<!tpu.dma_semaphore, #tpu.memory_space<semaphore_mem>>) src(%dma_wait3A_36 : memref<128xi32, #tpu.memory_space<hbm>>) dst(%arg13 : memref<128xi32, #tpu.memory_space<vmem>>)
    %dma_wait3A_37 = arith.constant 0 : i32
    %dma_wait3A_38 = arith.constant 0 : i32
    %dma_wait3A_39 = tpu.memref_slice %arg22[%dma_wait3A_37, %dma_wait3A_38] : memref<10000x128xf32, #tpu.memory_space<vmem_shared>> -> memref<10000x128xf32, #tpu.memory_space<vmem_shared>>
    tpu.wait_indirect_dma semaphore(%arg32 : memref<!tpu.dma_semaphore, #tpu.memory_space<semaphore_mem>>) src(%arg19 : memref<128x128xf32, #tpu.memory_space<vmem>>) dst(%dma_wait3A_39 : memref<10000x128xf32, #tpu.memory_space<vmem_shared>>)
    %dma_start3A_40 = arith.constant 0 : i32
    %dma_start3A_41 = arith.constant 0 : i32
    %dma_start3A_42 = tpu.memref_slice %arg2[%dma_start3A_40, %dma_start3A_41] : memref<10000x128xf32, #tpu.memory_space<hbm>> -> memref<10000x128xf32, #tpu.memory_space<hbm>>
    tpu.enqueue_indirect_dma source(%dma_start3A_42 : memref<10000x128xf32, #tpu.memory_space<hbm>>) target(%arg19 : memref<128x128xf32, #tpu.memory_space<vmem>>) offsets(%arg7 : memref<128xi32, #tpu.memory_space<vmem>>) semaphore(%arg29 : memref<!tpu.dma_semaphore, #tpu.memory_space<semaphore_mem>>)
    %dma_wait3A_43 = tpu.memref_slice %arg3[%mul3A_21] : memref<160000xi32, #tpu.memory_space<hbm>> -> memref<128xi32, #tpu.memory_space<hbm>>
    %dma_wait3A_44 = tpu.memref_slice %arg3[%mul3A_21] : memref<160000xi32, #tpu.memory_space<hbm>> -> memref<128xi32, #tpu.memory_space<hbm>>
    tpu.wait_dma2 semaphore(%arg24 : memref<!tpu.dma_semaphore, #tpu.memory_space<semaphore_mem>>) src(%dma_wait3A_44 : memref<128xi32, #tpu.memory_space<hbm>>) dst(%arg8 : memref<128xi32, #tpu.memory_space<vmem>>)
    %dma_wait3A_45 = tpu.memref_slice %arg4[%mul3A_21] : memref<160000xi32, #tpu.memory_space<hbm>> -> memref<128xi32, #tpu.memory_space<hbm>>
    %dma_wait3A_46 = tpu.memref_slice %arg4[%mul3A_21] : memref<160000xi32, #tpu.memory_space<hbm>> -> memref<128xi32, #tpu.memory_space<hbm>>
    tpu.wait_dma2 semaphore(%arg24 : memref<!tpu.dma_semaphore, #tpu.memory_space<semaphore_mem>>) src(%dma_wait3A_46 : memref<128xi32, #tpu.memory_space<hbm>>) dst(%arg14 : memref<128xi32, #tpu.memory_space<vmem>>)
    %dma_wait3A_47 = arith.constant 0 : i32
    %dma_wait3A_48 = arith.constant 0 : i32
    %dma_wait3A_49 = tpu.memref_slice %arg22[%dma_wait3A_47, %dma_wait3A_48] : memref<10000x128xf32, #tpu.memory_space<vmem_shared>> -> memref<10000x128xf32, #tpu.memory_space<vmem_shared>>
    tpu.wait_indirect_dma semaphore(%arg33 : memref<!tpu.dma_semaphore, #tpu.memory_space<semaphore_mem>>) src(%arg20 : memref<128x128xf32, #tpu.memory_space<vmem>>) dst(%dma_wait3A_49 : memref<10000x128xf32, #tpu.memory_space<vmem_shared>>)
    %dma_start3A_50 = arith.constant 0 : i32
    %dma_start3A_51 = arith.constant 0 : i32
    %dma_start3A_52 = tpu.memref_slice %arg2[%dma_start3A_50, %dma_start3A_51] : memref<10000x128xf32, #tpu.memory_space<hbm>> -> memref<10000x128xf32, #tpu.memory_space<hbm>>
    tpu.enqueue_indirect_dma source(%dma_start3A_52 : memref<10000x128xf32, #tpu.memory_space<hbm>>) target(%arg20 : memref<128x128xf32, #tpu.memory_space<vmem>>) offsets(%arg8 : memref<128xi32, #tpu.memory_space<vmem>>) semaphore(%arg30 : memref<!tpu.dma_semaphore, #tpu.memory_space<semaphore_mem>>)
    %dma_wait3A_53 = tpu.memref_slice %arg3[%mul3A_29] : memref<160000xi32, #tpu.memory_space<hbm>> -> memref<128xi32, #tpu.memory_space<hbm>>
    %dma_wait3A_54 = tpu.memref_slice %arg3[%mul3A_29] : memref<160000xi32, #tpu.memory_space<hbm>> -> memref<128xi32, #tpu.memory_space<hbm>>
    tpu.wait_dma2 semaphore(%arg25 : memref<!tpu.dma_semaphore, #tpu.memory_space<semaphore_mem>>) src(%dma_wait3A_54 : memref<128xi32, #tpu.memory_space<hbm>>) dst(%arg9 : memref<128xi32, #tpu.memory_space<vmem>>)
    %dma_wait3A_55 = tpu.memref_slice %arg4[%mul3A_29] : memref<160000xi32, #tpu.memory_space<hbm>> -> memref<128xi32, #tpu.memory_space<hbm>>
    %dma_wait3A_56 = tpu.memref_slice %arg4[%mul3A_29] : memref<160000xi32, #tpu.memory_space<hbm>> -> memref<128xi32, #tpu.memory_space<hbm>>
    tpu.wait_dma2 semaphore(%arg25 : memref<!tpu.dma_semaphore, #tpu.memory_space<semaphore_mem>>) src(%dma_wait3A_56 : memref<128xi32, #tpu.memory_space<hbm>>) dst(%arg15 : memref<128xi32, #tpu.memory_space<vmem>>)
    %dma_wait3A_57 = arith.constant 0 : i32
    %dma_wait3A_58 = arith.constant 0 : i32
    %dma_wait3A_59 = tpu.memref_slice %arg22[%dma_wait3A_57, %dma_wait3A_58] : memref<10000x128xf32, #tpu.memory_space<vmem_shared>> -> memref<10000x128xf32, #tpu.memory_space<vmem_shared>>
    tpu.wait_indirect_dma semaphore(%arg34 : memref<!tpu.dma_semaphore, #tpu.memory_space<semaphore_mem>>) src(%arg21 : memref<128x128xf32, #tpu.memory_space<vmem>>) dst(%dma_wait3A_59 : memref<10000x128xf32, #tpu.memory_space<vmem_shared>>)
    %dma_start3A_60 = arith.constant 0 : i32
    %dma_start3A_61 = arith.constant 0 : i32
    %dma_start3A_62 = tpu.memref_slice %arg2[%dma_start3A_60, %dma_start3A_61] : memref<10000x128xf32, #tpu.memory_space<hbm>> -> memref<10000x128xf32, #tpu.memory_space<hbm>>
    tpu.enqueue_indirect_dma source(%dma_start3A_62 : memref<10000x128xf32, #tpu.memory_space<hbm>>) target(%arg21 : memref<128x128xf32, #tpu.memory_space<vmem>>) offsets(%arg9 : memref<128xi32, #tpu.memory_space<vmem>>) semaphore(%arg31 : memref<!tpu.dma_semaphore, #tpu.memory_space<semaphore_mem>>)
    %dma_wait3A_63 = arith.constant 0 : i32
    %dma_wait3A_64 = arith.constant 0 : i32
    %dma_wait3A_65 = tpu.memref_slice %arg2[%dma_wait3A_63, %dma_wait3A_64] : memref<10000x128xf32, #tpu.memory_space<hbm>> -> memref<10000x128xf32, #tpu.memory_space<hbm>>
    tpu.wait_indirect_dma semaphore(%arg29 : memref<!tpu.dma_semaphore, #tpu.memory_space<semaphore_mem>>) src(%dma_wait3A_65 : memref<10000x128xf32, #tpu.memory_space<hbm>>) dst(%arg19 : memref<128x128xf32, #tpu.memory_space<vmem>>)
    %dma_start3A_66 = arith.constant 0 : i32
    %dma_start3A_67 = arith.constant 0 : i32
    %dma_start3A_68 = tpu.memref_slice %arg22[%dma_start3A_66, %dma_start3A_67] : memref<10000x128xf32, #tpu.memory_space<vmem_shared>> -> memref<10000x128xf32, #tpu.memory_space<vmem_shared>>
    tpu.enqueue_indirect_dma source(%arg19 : memref<128x128xf32, #tpu.memory_space<vmem>>) target(%dma_start3A_68 : memref<10000x128xf32, #tpu.memory_space<vmem_shared>>) offsets(%arg13 : memref<128xi32, #tpu.memory_space<vmem>>) semaphore(%arg32 : memref<!tpu.dma_semaphore, #tpu.memory_space<semaphore_mem>>) {add = true}
    %dma_wait3A_69 = arith.constant 0 : i32
    %dma_wait3A_70 = arith.constant 0 : i32
    %dma_wait3A_71 = tpu.memref_slice %arg2[%dma_wait3A_69, %dma_wait3A_70] : memref<10000x128xf32, #tpu.memory_space<hbm>> -> memref<10000x128xf32, #tpu.memory_space<hbm>>
    tpu.wait_indirect_dma semaphore(%arg30 : memref<!tpu.dma_semaphore, #tpu.memory_space<semaphore_mem>>) src(%dma_wait3A_71 : memref<10000x128xf32, #tpu.memory_space<hbm>>) dst(%arg20 : memref<128x128xf32, #tpu.memory_space<vmem>>)
    %dma_start3A_72 = arith.constant 0 : i32
    %dma_start3A_73 = arith.constant 0 : i32
    %dma_start3A_74 = tpu.memref_slice %arg22[%dma_start3A_72, %dma_start3A_73] : memref<10000x128xf32, #tpu.memory_space<vmem_shared>> -> memref<10000x128xf32, #tpu.memory_space<vmem_shared>>
    tpu.enqueue_indirect_dma source(%arg20 : memref<128x128xf32, #tpu.memory_space<vmem>>) target(%dma_start3A_74 : memref<10000x128xf32, #tpu.memory_space<vmem_shared>>) offsets(%arg14 : memref<128xi32, #tpu.memory_space<vmem>>) semaphore(%arg33 : memref<!tpu.dma_semaphore, #tpu.memory_space<semaphore_mem>>) {add = true}
    %dma_wait3A_75 = arith.constant 0 : i32
    %dma_wait3A_76 = arith.constant 0 : i32
    %dma_wait3A_77 = tpu.memref_slice %arg2[%dma_wait3A_75, %dma_wait3A_76] : memref<10000x128xf32, #tpu.memory_space<hbm>> -> memref<10000x128xf32, #tpu.memory_space<hbm>>
    tpu.wait_indirect_dma semaphore(%arg31 : memref<!tpu.dma_semaphore, #tpu.memory_space<semaphore_mem>>) src(%dma_wait3A_77 : memref<10000x128xf32, #tpu.memory_space<hbm>>) dst(%arg21 : memref<128x128xf32, #tpu.memory_space<vmem>>)
    %dma_start3A_78 = arith.constant 0 : i32
    %dma_start3A_79 = arith.constant 0 : i32
    %dma_start3A_80 = tpu.memref_slice %arg22[%dma_start3A_78, %dma_start3A_79] : memref<10000x128xf32, #tpu.memory_space<vmem_shared>> -> memref<10000x128xf32, #tpu.memory_space<vmem_shared>>
    tpu.enqueue_indirect_dma source(%arg21 : memref<128x128xf32, #tpu.memory_space<vmem>>) target(%dma_start3A_80 : memref<10000x128xf32, #tpu.memory_space<vmem_shared>>) offsets(%arg15 : memref<128xi32, #tpu.memory_space<vmem>>) semaphore(%arg34 : memref<!tpu.dma_semaphore, #tpu.memory_space<semaphore_mem>>) {add = true}
    %dma_wait3A_81 = arith.constant 0 : i32
    %dma_wait3A_82 = arith.constant 0 : i32
    %dma_wait3A_83 = tpu.memref_slice %arg22[%dma_wait3A_81, %dma_wait3A_82] : memref<10000x128xf32, #tpu.memory_space<vmem_shared>> -> memref<10000x128xf32, #tpu.memory_space<vmem_shared>>
    tpu.wait_indirect_dma semaphore(%arg32 : memref<!tpu.dma_semaphore, #tpu.memory_space<semaphore_mem>>) src(%arg19 : memref<128x128xf32, #tpu.memory_space<vmem>>) dst(%dma_wait3A_83 : memref<10000x128xf32, #tpu.memory_space<vmem_shared>>)
    %dma_wait3A_84 = arith.constant 0 : i32
    %dma_wait3A_85 = arith.constant 0 : i32
    %dma_wait3A_86 = tpu.memref_slice %arg22[%dma_wait3A_84, %dma_wait3A_85] : memref<10000x128xf32, #tpu.memory_space<vmem_shared>> -> memref<10000x128xf32, #tpu.memory_space<vmem_shared>>
    tpu.wait_indirect_dma semaphore(%arg33 : memref<!tpu.dma_semaphore, #tpu.memory_space<semaphore_mem>>) src(%arg20 : memref<128x128xf32, #tpu.memory_space<vmem>>) dst(%dma_wait3A_86 : memref<10000x128xf32, #tpu.memory_space<vmem_shared>>)
    %dma_wait3A_87 = arith.constant 0 : i32
    %dma_wait3A_88 = arith.constant 0 : i32
    %dma_wait3A_89 = tpu.memref_slice %arg22[%dma_wait3A_87, %dma_wait3A_88] : memref<10000x128xf32, #tpu.memory_space<vmem_shared>> -> memref<10000x128xf32, #tpu.memory_space<vmem_shared>>
    tpu.wait_indirect_dma semaphore(%arg34 : memref<!tpu.dma_semaphore, #tpu.memory_space<semaphore_mem>>) src(%arg21 : memref<128x128xf32, #tpu.memory_space<vmem>>) dst(%dma_wait3A_89 : memref<10000x128xf32, #tpu.memory_space<vmem_shared>>)
    %lt3A_90 = arith.constant 2 : i32
    %lt3A_91 = arith.cmpi slt, %add3A, %lt3A_90 : i32
    %convert_element_type3A_92 = arith.extui %lt3A_91 : i1 to i32
    %cond3A_93 = arith.constant 0 : i32
    %cond3A_94 = arith.cmpi ne, %convert_element_type3A_92, %cond3A_93 : i32
    scf.if %cond3A_94 {
      %add3A_106 = arith.constant 1248 : i32
      %add3A_107 = arith.addi %add3A_106, %add3A : i32
      %mul3A_108 = arith.constant 128 : i32
      %mul3A_109 = arith.muli %add3A_107, %mul3A_108 : i32
      "tpu.region"() ({
        %run_scoped3A = tpu.sem_alloc : memref<!tpu.dma_semaphore, #tpu.memory_space<semaphore_mem>>
        %dma_start3A_116 = tpu.memref_slice %arg3[%mul3A_109] : memref<160000xi32, #tpu.memory_space<hbm>> -> memref<128xi32, #tpu.memory_space<hbm>>
        %dma_start3A_117 = tpu.memref_slice %arg3[%mul3A_109] : memref<160000xi32, #tpu.memory_space<hbm>> -> memref<128xi32, #tpu.memory_space<hbm>>
        tpu.enqueue_dma source(%dma_start3A_117 : memref<128xi32, #tpu.memory_space<hbm>>) target(%arg7 : memref<128xi32, #tpu.memory_space<vmem>>) target_semaphore(%run_scoped3A : memref<!tpu.dma_semaphore, #tpu.memory_space<semaphore_mem>>)
        %dma_wait3A_118 = tpu.memref_slice %arg3[%mul3A_109] : memref<160000xi32, #tpu.memory_space<hbm>> -> memref<128xi32, #tpu.memory_space<hbm>>
        %dma_wait3A_119 = tpu.memref_slice %arg3[%mul3A_109] : memref<160000xi32, #tpu.memory_space<hbm>> -> memref<128xi32, #tpu.memory_space<hbm>>
        tpu.wait_dma2 semaphore(%run_scoped3A : memref<!tpu.dma_semaphore, #tpu.memory_space<semaphore_mem>>) src(%dma_wait3A_119 : memref<128xi32, #tpu.memory_space<hbm>>) dst(%arg7 : memref<128xi32, #tpu.memory_space<vmem>>)
        tpu.yield
      }) : () -> ()
      "tpu.region"() ({
        %run_scoped3A = tpu.sem_alloc : memref<!tpu.dma_semaphore, #tpu.memory_space<semaphore_mem>>
        %dma_start3A_116 = tpu.memref_slice %arg4[%mul3A_109] : memref<160000xi32, #tpu.memory_space<hbm>> -> memref<128xi32, #tpu.memory_space<hbm>>
        %dma_start3A_117 = tpu.memref_slice %arg4[%mul3A_109] : memref<160000xi32, #tpu.memory_space<hbm>> -> memref<128xi32, #tpu.memory_space<hbm>>
        tpu.enqueue_dma source(%dma_start3A_117 : memref<128xi32, #tpu.memory_space<hbm>>) target(%arg13 : memref<128xi32, #tpu.memory_space<vmem>>) target_semaphore(%run_scoped3A : memref<!tpu.dma_semaphore, #tpu.memory_space<semaphore_mem>>)
        %dma_wait3A_118 = tpu.memref_slice %arg4[%mul3A_109] : memref<160000xi32, #tpu.memory_space<hbm>> -> memref<128xi32, #tpu.memory_space<hbm>>
        %dma_wait3A_119 = tpu.memref_slice %arg4[%mul3A_109] : memref<160000xi32, #tpu.memory_space<hbm>> -> memref<128xi32, #tpu.memory_space<hbm>>
        tpu.wait_dma2 semaphore(%run_scoped3A : memref<!tpu.dma_semaphore, #tpu.memory_space<semaphore_mem>>) src(%dma_wait3A_119 : memref<128xi32, #tpu.memory_space<hbm>>) dst(%arg13 : memref<128xi32, #tpu.memory_space<vmem>>)
        tpu.yield
      }) : () -> ()
      %dma_start3A_110 = arith.constant 0 : i32
      %dma_start3A_111 = arith.constant 0 : i32
      %dma_start3A_112 = tpu.memref_slice %arg2[%dma_start3A_110, %dma_start3A_111] : memref<10000x128xf32, #tpu.memory_space<hbm>> -> memref<10000x128xf32, #tpu.memory_space<hbm>>
      tpu.enqueue_indirect_dma source(%dma_start3A_112 : memref<10000x128xf32, #tpu.memory_space<hbm>>) target(%arg19 : memref<128x128xf32, #tpu.memory_space<vmem>>) offsets(%arg7 : memref<128xi32, #tpu.memory_space<vmem>>) semaphore(%arg29 : memref<!tpu.dma_semaphore, #tpu.memory_space<semaphore_mem>>)
      %dma_wait3A_113 = arith.constant 0 : i32
      %dma_wait3A_114 = arith.constant 0 : i32
      %dma_wait3A_115 = tpu.memref_slice %arg2[%dma_wait3A_113, %dma_wait3A_114] : memref<10000x128xf32, #tpu.memory_space<hbm>> -> memref<10000x128xf32, #tpu.memory_space<hbm>>
      tpu.wait_indirect_dma semaphore(%arg29 : memref<!tpu.dma_semaphore, #tpu.memory_space<semaphore_mem>>) src(%dma_wait3A_115 : memref<10000x128xf32, #tpu.memory_space<hbm>>) dst(%arg19 : memref<128x128xf32, #tpu.memory_space<vmem>>)
      "tpu.region"() ({
        %run_scoped3A = tpu.sem_alloc : memref<!tpu.dma_semaphore, #tpu.memory_space<semaphore_mem>>
        %dma_start3A_116 = arith.constant 0 : i32
        %dma_start3A_117 = arith.constant 0 : i32
        %dma_start3A_118 = tpu.memref_slice %arg22[%dma_start3A_116, %dma_start3A_117] : memref<10000x128xf32, #tpu.memory_space<vmem_shared>> -> memref<10000x128xf32, #tpu.memory_space<vmem_shared>>
        tpu.enqueue_indirect_dma source(%arg19 : memref<128x128xf32, #tpu.memory_space<vmem>>) target(%dma_start3A_118 : memref<10000x128xf32, #tpu.memory_space<vmem_shared>>) offsets(%arg13 : memref<128xi32, #tpu.memory_space<vmem>>) semaphore(%run_scoped3A : memref<!tpu.dma_semaphore, #tpu.memory_space<semaphore_mem>>) {add = true}
        %dma_wait3A_119 = arith.constant 0 : i32
        %dma_wait3A_120 = arith.constant 0 : i32
        %dma_wait3A_121 = tpu.memref_slice %arg22[%dma_wait3A_119, %dma_wait3A_120] : memref<10000x128xf32, #tpu.memory_space<vmem_shared>> -> memref<10000x128xf32, #tpu.memory_space<vmem_shared>>
        tpu.wait_indirect_dma semaphore(%run_scoped3A : memref<!tpu.dma_semaphore, #tpu.memory_space<semaphore_mem>>) src(%arg19 : memref<128x128xf32, #tpu.memory_space<vmem>>) dst(%dma_wait3A_121 : memref<10000x128xf32, #tpu.memory_space<vmem_shared>>)
        tpu.yield
      }) : () -> ()
    } else {
    }
    %barrier3A_95 = arith.constant 0 : index
    tpu.barrier barrier_id(%barrier3A_95)
    %lt3A_96 = arith.constant 15 : i32
    %lt3A_97 = arith.cmpi slt, %arg1, %lt3A_96 : i32
    %convert_element_type3A_98 = arith.extui %lt3A_97 : i1 to i32
    %cond3A_99 = arith.constant 0 : i32
    %cond3A_100 = arith.cmpi ne, %convert_element_type3A_98, %cond3A_99 : i32
    scf.if %cond3A_100 {
      %mul3A_106 = arith.constant 632 : i32
      %mul3A_107 = arith.muli %arg1, %mul3A_106 : i32
      "tpu.region"() ({
        %run_scoped3A = tpu.sem_alloc : memref<!tpu.dma_semaphore, #tpu.memory_space<semaphore_mem>>
        %dma_start3A_108 = arith.constant 0 : i32
        %dma_start3A_109 = tpu.memref_slice %arg6[%arg0, %mul3A_107, %dma_start3A_108] : memref<2x10000x128xf32, #tpu.memory_space<hbm>> -> memref<1x632x128xf32, #tpu.memory_space<hbm>>
        %dma_start3A_110 = tpu.memref_squeeze %dma_start3A_109 : memref<1x632x128xf32, #tpu.memory_space<hbm>> -> memref<632x128xf32, #tpu.memory_space<hbm>>
        %dma_start3A_111 = arith.constant 0 : i32
        %dma_start3A_112 = tpu.memref_slice %arg22[%mul3A_107, %dma_start3A_111] : memref<10000x128xf32, #tpu.memory_space<vmem_shared>> -> memref<632x128xf32, #tpu.memory_space<vmem_shared>>
        tpu.enqueue_dma source(%dma_start3A_112 : memref<632x128xf32, #tpu.memory_space<vmem_shared>>) target(%dma_start3A_110 : memref<632x128xf32, #tpu.memory_space<hbm>>) target_semaphore(%run_scoped3A : memref<!tpu.dma_semaphore, #tpu.memory_space<semaphore_mem>>)
        %dma_wait3A_113 = arith.constant 0 : i32
        %dma_wait3A_114 = tpu.memref_slice %arg6[%arg0, %mul3A_107, %dma_wait3A_113] : memref<2x10000x128xf32, #tpu.memory_space<hbm>> -> memref<1x632x128xf32, #tpu.memory_space<hbm>>
        %dma_wait3A_115 = tpu.memref_squeeze %dma_wait3A_114 : memref<1x632x128xf32, #tpu.memory_space<hbm>> -> memref<632x128xf32, #tpu.memory_space<hbm>>
        %dma_wait3A_116 = arith.constant 0 : i32
        %dma_wait3A_117 = tpu.memref_slice %arg22[%mul3A_107, %dma_wait3A_116] : memref<10000x128xf32, #tpu.memory_space<vmem_shared>> -> memref<632x128xf32, #tpu.memory_space<vmem_shared>>
        tpu.wait_dma2 semaphore(%run_scoped3A : memref<!tpu.dma_semaphore, #tpu.memory_space<semaphore_mem>>) src(%dma_wait3A_117 : memref<632x128xf32, #tpu.memory_space<vmem_shared>>) dst(%dma_wait3A_115 : memref<632x128xf32, #tpu.memory_space<hbm>>)
        tpu.yield
      }) : () -> ()
    } else {
    }
    %eq3A_101 = arith.constant 15 : i32
    %eq3A_102 = arith.cmpi eq, %arg1, %eq3A_101 : i32
    %convert_element_type3A_103 = arith.extui %eq3A_102 : i1 to i32
    %cond3A_104 = arith.constant 0 : i32
    %cond3A_105 = arith.cmpi ne, %convert_element_type3A_103, %cond3A_104 : i32
    scf.if %cond3A_105 {
      "tpu.region"() ({
        %run_scoped3A = tpu.sem_alloc : memref<!tpu.dma_semaphore, #tpu.memory_space<semaphore_mem>>
        %dma_start3A_106 = arith.constant 9480 : i32
        %dma_start3A_107 = arith.constant 0 : i32
        %dma_start3A_108 = tpu.memref_slice %arg6[%arg0, %dma_start3A_106, %dma_start3A_107] : memref<2x10000x128xf32, #tpu.memory_space<hbm>> -> memref<1x520x128xf32, #tpu.memory_space<hbm>>
        %dma_start3A_109 = tpu.memref_squeeze %dma_start3A_108 : memref<1x520x128xf32, #tpu.memory_space<hbm>> -> memref<520x128xf32, #tpu.memory_space<hbm>>
        %dma_start3A_110 = arith.constant 9480 : i32
        %dma_start3A_111 = arith.constant 0 : i32
        %dma_start3A_112 = tpu.memref_slice %arg22[%dma_start3A_110, %dma_start3A_111] : memref<10000x128xf32, #tpu.memory_space<vmem_shared>> -> memref<520x128xf32, #tpu.memory_space<vmem_shared>>
        tpu.enqueue_dma source(%dma_start3A_112 : memref<520x128xf32, #tpu.memory_space<vmem_shared>>) target(%dma_start3A_109 : memref<520x128xf32, #tpu.memory_space<hbm>>) target_semaphore(%run_scoped3A : memref<!tpu.dma_semaphore, #tpu.memory_space<semaphore_mem>>)
        %dma_wait3A_113 = arith.constant 9480 : i32
        %dma_wait3A_114 = arith.constant 0 : i32
        %dma_wait3A_115 = tpu.memref_slice %arg6[%arg0, %dma_wait3A_113, %dma_wait3A_114] : memref<2x10000x128xf32, #tpu.memory_space<hbm>> -> memref<1x520x128xf32, #tpu.memory_space<hbm>>
        %dma_wait3A_116 = tpu.memref_squeeze %dma_wait3A_115 : memref<1x520x128xf32, #tpu.memory_space<hbm>> -> memref<520x128xf32, #tpu.memory_space<hbm>>
        %dma_wait3A_117 = arith.constant 9480 : i32
        %dma_wait3A_118 = arith.constant 0 : i32
        %dma_wait3A_119 = tpu.memref_slice %arg22[%dma_wait3A_117, %dma_wait3A_118] : memref<10000x128xf32, #tpu.memory_space<vmem_shared>> -> memref<520x128xf32, #tpu.memory_space<vmem_shared>>
        tpu.wait_dma2 semaphore(%run_scoped3A : memref<!tpu.dma_semaphore, #tpu.memory_space<semaphore_mem>>) src(%dma_wait3A_119 : memref<520x128xf32, #tpu.memory_space<vmem_shared>>) dst(%dma_wait3A_116 : memref<520x128xf32, #tpu.memory_space<hbm>>)
        tpu.yield
      }) : () -> ()
    } else {
    }
    return
  }
}

#map = affine_map<(d0, d1) -> (0)>
#map1 = affine_map<(d0, d1) -> (0, 0)>
#map2 = affine_map<(d0, d1) -> (0, 0, 0)>
module attributes {stable_mosaic.version = 14 : i64} {
  func.func @deg_kernel(%arg0: i32, %arg1: i32, %arg2: memref<160000xi32, #tpu.memory_space<hbm>>, %arg3: memref<128x128xf32, #tpu.memory_space<hbm>>, %arg4: memref<10000x128xf32, #tpu.memory_space<hbm>>, %arg5: memref<2x10000x128xf32, #tpu.memory_space<hbm>>, %arg6: memref<128xi32, #tpu.memory_space<vmem>>, %arg7: memref<128xi32, #tpu.memory_space<vmem>>, %arg8: memref<128xi32, #tpu.memory_space<vmem>>, %arg9: memref<128x128xf32, #tpu.memory_space<vmem>>, %arg10: memref<10000x128xf32, #tpu.memory_space<vmem_shared>>, %arg11: memref<!tpu.dma_semaphore, #tpu.memory_space<semaphore_mem>>, %arg12: memref<!tpu.dma_semaphore, #tpu.memory_space<semaphore_mem>>, %arg13: memref<!tpu.dma_semaphore, #tpu.memory_space<semaphore_mem>>, %arg14: memref<!tpu.dma_semaphore, #tpu.memory_space<semaphore_mem>>, %arg15: memref<!tpu.dma_semaphore, #tpu.memory_space<semaphore_mem>>, %arg16: memref<!tpu.dma_semaphore, #tpu.memory_space<semaphore_mem>>) attributes {dimension_semantics = [#tpu.dimension_semantics<core_parallel>, #tpu.dimension_semantics<subcore_parallel>], iteration_bounds = array<i64: 2, 16>, scalar_prefetch = 0 : i64, scratch_operands = 11 : i64, tpu.core_type = #tpu.core_type<sc_vector_subcore>, window_params = [{transform_indices = #map}, {transform_indices = #map1}, {transform_indices = #map1}, {transform_indices = #map2}]} {
    %mul3A = arith.constant 2 : i32
    %mul3A_0 = arith.muli %arg1, %mul3A : i32
    %add3A = arith.addi %mul3A_0, %arg0 : i32
    %lt3A = arith.constant 15 : i32
    %lt3A_1 = arith.cmpi slt, %arg1, %lt3A : i32
    %convert_element_type3A = arith.extui %lt3A_1 : i1 to i32
    %cond3A = arith.constant 0 : i32
    %cond3A_2 = arith.cmpi ne, %convert_element_type3A, %cond3A : i32
    scf.if %cond3A_2 {
      %mul3A_35 = arith.constant 632 : i32
      %mul3A_36 = arith.muli %arg1, %mul3A_35 : i32
      "tpu.region"() ({
        %run_scoped3A = tpu.sem_alloc : memref<!tpu.dma_semaphore, #tpu.memory_space<semaphore_mem>>
        %dma_start3A = arith.constant 0 : i32
        %dma_start3A_37 = tpu.memref_slice %arg10[%mul3A_36, %dma_start3A] : memref<10000x128xf32, #tpu.memory_space<vmem_shared>> -> memref<632x128xf32, #tpu.memory_space<vmem_shared>>
        %dma_start3A_38 = arith.constant 0 : i32
        %dma_start3A_39 = tpu.memref_slice %arg4[%mul3A_36, %dma_start3A_38] : memref<10000x128xf32, #tpu.memory_space<hbm>> -> memref<632x128xf32, #tpu.memory_space<hbm>>
        tpu.enqueue_dma source(%dma_start3A_39 : memref<632x128xf32, #tpu.memory_space<hbm>>) target(%dma_start3A_37 : memref<632x128xf32, #tpu.memory_space<vmem_shared>>) target_semaphore(%run_scoped3A : memref<!tpu.dma_semaphore, #tpu.memory_space<semaphore_mem>>)
        %dma_wait3A_40 = arith.constant 0 : i32
        %dma_wait3A_41 = tpu.memref_slice %arg10[%mul3A_36, %dma_wait3A_40] : memref<10000x128xf32, #tpu.memory_space<vmem_shared>> -> memref<632x128xf32, #tpu.memory_space<vmem_shared>>
        %dma_wait3A_42 = arith.constant 0 : i32
        %dma_wait3A_43 = tpu.memref_slice %arg4[%mul3A_36, %dma_wait3A_42] : memref<10000x128xf32, #tpu.memory_space<hbm>> -> memref<632x128xf32, #tpu.memory_space<hbm>>
        tpu.wait_dma2 semaphore(%run_scoped3A : memref<!tpu.dma_semaphore, #tpu.memory_space<semaphore_mem>>) src(%dma_wait3A_43 : memref<632x128xf32, #tpu.memory_space<hbm>>) dst(%dma_wait3A_41 : memref<632x128xf32, #tpu.memory_space<vmem_shared>>)
        tpu.yield
      }) : () -> ()
    } else {
    }
    %eq3A = arith.constant 15 : i32
    %eq3A_3 = arith.cmpi eq, %arg1, %eq3A : i32
    %convert_element_type3A_4 = arith.extui %eq3A_3 : i1 to i32
    %cond3A_5 = arith.constant 0 : i32
    %cond3A_6 = arith.cmpi ne, %convert_element_type3A_4, %cond3A_5 : i32
    scf.if %cond3A_6 {
      "tpu.region"() ({
        %run_scoped3A = tpu.sem_alloc : memref<!tpu.dma_semaphore, #tpu.memory_space<semaphore_mem>>
        %dma_start3A = arith.constant 9480 : i32
        %dma_start3A_35 = arith.constant 0 : i32
        %dma_start3A_36 = tpu.memref_slice %arg10[%dma_start3A, %dma_start3A_35] : memref<10000x128xf32, #tpu.memory_space<vmem_shared>> -> memref<520x128xf32, #tpu.memory_space<vmem_shared>>
        %dma_start3A_37 = arith.constant 9480 : i32
        %dma_start3A_38 = arith.constant 0 : i32
        %dma_start3A_39 = tpu.memref_slice %arg4[%dma_start3A_37, %dma_start3A_38] : memref<10000x128xf32, #tpu.memory_space<hbm>> -> memref<520x128xf32, #tpu.memory_space<hbm>>
        tpu.enqueue_dma source(%dma_start3A_39 : memref<520x128xf32, #tpu.memory_space<hbm>>) target(%dma_start3A_36 : memref<520x128xf32, #tpu.memory_space<vmem_shared>>) target_semaphore(%run_scoped3A : memref<!tpu.dma_semaphore, #tpu.memory_space<semaphore_mem>>)
        %dma_wait3A_40 = arith.constant 9480 : i32
        %dma_wait3A_41 = arith.constant 0 : i32
        %dma_wait3A_42 = tpu.memref_slice %arg10[%dma_wait3A_40, %dma_wait3A_41] : memref<10000x128xf32, #tpu.memory_space<vmem_shared>> -> memref<520x128xf32, #tpu.memory_space<vmem_shared>>
        %dma_wait3A_43 = arith.constant 9480 : i32
        %dma_wait3A_44 = arith.constant 0 : i32
        %dma_wait3A_45 = tpu.memref_slice %arg4[%dma_wait3A_43, %dma_wait3A_44] : memref<10000x128xf32, #tpu.memory_space<hbm>> -> memref<520x128xf32, #tpu.memory_space<hbm>>
        tpu.wait_dma2 semaphore(%run_scoped3A : memref<!tpu.dma_semaphore, #tpu.memory_space<semaphore_mem>>) src(%dma_wait3A_45 : memref<520x128xf32, #tpu.memory_space<hbm>>) dst(%dma_wait3A_42 : memref<520x128xf32, #tpu.memory_space<vmem_shared>>)
        tpu.yield
      }) : () -> ()
    } else {
    }
    "tpu.region"() ({
      %run_scoped3A = tpu.sem_alloc : memref<!tpu.dma_semaphore, #tpu.memory_space<semaphore_mem>>
      tpu.enqueue_dma source(%arg3 : memref<128x128xf32, #tpu.memory_space<hbm>>) target(%arg9 : memref<128x128xf32, #tpu.memory_space<vmem>>) target_semaphore(%run_scoped3A : memref<!tpu.dma_semaphore, #tpu.memory_space<semaphore_mem>>)
      tpu.wait_dma2 semaphore(%run_scoped3A : memref<!tpu.dma_semaphore, #tpu.memory_space<semaphore_mem>>) src(%arg3 : memref<128x128xf32, #tpu.memory_space<hbm>>) dst(%arg9 : memref<128x128xf32, #tpu.memory_space<vmem>>)
      tpu.yield
    }) : () -> ()
    %barrier3A = arith.constant 0 : index
    tpu.barrier barrier_id(%barrier3A)
    %scan3A = arith.constant 0 : i32
    %scan3A_7 = arith.constant 13 : i32
    %scan3A_8 = arith.addi %scan3A, %scan3A_7 : i32
    %scan3A_9 = arith.constant 1 : i32
    scf.for %scan3A_35 = %scan3A to %scan3A_8 step %scan3A_9  : i32 {
      %mul3A_36 = arith.constant 1 : i32
      %mul3A_37 = arith.muli %scan3A_35, %mul3A_36 : i32
      %add3A_38 = arith.constant 0 : i32
      %add3A_39 = arith.addi %add3A_38, %mul3A_37 : i32
      %gt3A = arith.constant 0 : i32
      %gt3A_40 = arith.cmpi sgt, %add3A_39, %gt3A : i32
      %convert_element_type3A_41 = arith.extui %gt3A_40 : i1 to i32
      %cond3A_42 = arith.constant 0 : i32
      %cond3A_43 = arith.cmpi ne, %convert_element_type3A_41, %cond3A_42 : i32
      scf.if %cond3A_43 {
        %dma_wait3A_101 = arith.constant 0 : i32
        %dma_wait3A_102 = arith.constant 0 : i32
        %dma_wait3A_103 = tpu.memref_slice %arg10[%dma_wait3A_101, %dma_wait3A_102] : memref<10000x128xf32, #tpu.memory_space<vmem_shared>> -> memref<10000x128xf32, #tpu.memory_space<vmem_shared>>
        tpu.wait_indirect_dma semaphore(%arg14 : memref<!tpu.dma_semaphore, #tpu.memory_space<semaphore_mem>>) src(%arg9 : memref<128x128xf32, #tpu.memory_space<vmem>>) dst(%dma_wait3A_103 : memref<10000x128xf32, #tpu.memory_space<vmem_shared>>)
      } else {
      }
      %mul3A_44 = arith.constant 3 : i32
      %mul3A_45 = arith.muli %add3A_39, %mul3A_44 : i32
      %add3A_46 = arith.constant 0 : i32
      %add3A_47 = arith.addi %mul3A_45, %add3A_46 : i32
      %mul3A_48 = arith.constant 32 : i32
      %mul3A_49 = arith.muli %add3A_47, %mul3A_48 : i32
      %add3A_50 = arith.addi %add3A, %mul3A_49 : i32
      %mul3A_51 = arith.constant 128 : i32
      %mul3A_52 = arith.muli %add3A_50, %mul3A_51 : i32
      %dma_start3A = tpu.memref_slice %arg2[%mul3A_52] : memref<160000xi32, #tpu.memory_space<hbm>> -> memref<128xi32, #tpu.memory_space<hbm>>
      %dma_start3A_53 = tpu.memref_slice %arg2[%mul3A_52] : memref<160000xi32, #tpu.memory_space<hbm>> -> memref<128xi32, #tpu.memory_space<hbm>>
      tpu.enqueue_dma source(%dma_start3A_53 : memref<128xi32, #tpu.memory_space<hbm>>) target(%arg6 : memref<128xi32, #tpu.memory_space<vmem>>) target_semaphore(%arg11 : memref<!tpu.dma_semaphore, #tpu.memory_space<semaphore_mem>>)
      %gt3A_54 = arith.constant 0 : i32
      %gt3A_55 = arith.cmpi sgt, %add3A_39, %gt3A_54 : i32
      %convert_element_type3A_56 = arith.extui %gt3A_55 : i1 to i32
      %cond3A_57 = arith.constant 0 : i32
      %cond3A_58 = arith.cmpi ne, %convert_element_type3A_56, %cond3A_57 : i32
      scf.if %cond3A_58 {
        %dma_wait3A_101 = arith.constant 0 : i32
        %dma_wait3A_102 = arith.constant 0 : i32
        %dma_wait3A_103 = tpu.memref_slice %arg10[%dma_wait3A_101, %dma_wait3A_102] : memref<10000x128xf32, #tpu.memory_space<vmem_shared>> -> memref<10000x128xf32, #tpu.memory_space<vmem_shared>>
        tpu.wait_indirect_dma semaphore(%arg15 : memref<!tpu.dma_semaphore, #tpu.memory_space<semaphore_mem>>) src(%arg9 : memref<128x128xf32, #tpu.memory_space<vmem>>) dst(%dma_wait3A_103 : memref<10000x128xf32, #tpu.memory_space<vmem_shared>>)
      } else {
      }
      %mul3A_59 = arith.constant 3 : i32
      %mul3A_60 = arith.muli %add3A_39, %mul3A_59 : i32
      %add3A_61 = arith.constant 1 : i32
      %add3A_62 = arith.addi %mul3A_60, %add3A_61 : i32
      %mul3A_63 = arith.constant 32 : i32
      %mul3A_64 = arith.muli %add3A_62, %mul3A_63 : i32
      %add3A_65 = arith.addi %add3A, %mul3A_64 : i32
      %mul3A_66 = arith.constant 128 : i32
      %mul3A_67 = arith.muli %add3A_65, %mul3A_66 : i32
      %dma_start3A_68 = tpu.memref_slice %arg2[%mul3A_67] : memref<160000xi32, #tpu.memory_space<hbm>> -> memref<128xi32, #tpu.memory_space<hbm>>
      %dma_start3A_69 = tpu.memref_slice %arg2[%mul3A_67] : memref<160000xi32, #tpu.memory_space<hbm>> -> memref<128xi32, #tpu.memory_space<hbm>>
      tpu.enqueue_dma source(%dma_start3A_69 : memref<128xi32, #tpu.memory_space<hbm>>) target(%arg7 : memref<128xi32, #tpu.memory_space<vmem>>) target_semaphore(%arg12 : memref<!tpu.dma_semaphore, #tpu.memory_space<semaphore_mem>>)
      %gt3A_70 = arith.constant 0 : i32
      %gt3A_71 = arith.cmpi sgt, %add3A_39, %gt3A_70 : i32
      %convert_element_type3A_72 = arith.extui %gt3A_71 : i1 to i32
      %cond3A_73 = arith.constant 0 : i32
      %cond3A_74 = arith.cmpi ne, %convert_element_type3A_72, %cond3A_73 : i32
      scf.if %cond3A_74 {
        %dma_wait3A_101 = arith.constant 0 : i32
        %dma_wait3A_102 = arith.constant 0 : i32
        %dma_wait3A_103 = tpu.memref_slice %arg10[%dma_wait3A_101, %dma_wait3A_102] : memref<10000x128xf32, #tpu.memory_space<vmem_shared>> -> memref<10000x128xf32, #tpu.memory_space<vmem_shared>>
        tpu.wait_indirect_dma semaphore(%arg16 : memref<!tpu.dma_semaphore, #tpu.memory_space<semaphore_mem>>) src(%arg9 : memref<128x128xf32, #tpu.memory_space<vmem>>) dst(%dma_wait3A_103 : memref<10000x128xf32, #tpu.memory_space<vmem_shared>>)
      } else {
      }
      %mul3A_75 = arith.constant 3 : i32
      %mul3A_76 = arith.muli %add3A_39, %mul3A_75 : i32
      %add3A_77 = arith.constant 2 : i32
      %add3A_78 = arith.addi %mul3A_76, %add3A_77 : i32
      %mul3A_79 = arith.constant 32 : i32
      %mul3A_80 = arith.muli %add3A_78, %mul3A_79 : i32
      %add3A_81 = arith.addi %add3A, %mul3A_80 : i32
      %mul3A_82 = arith.constant 128 : i32
      %mul3A_83 = arith.muli %add3A_81, %mul3A_82 : i32
      %dma_start3A_84 = tpu.memref_slice %arg2[%mul3A_83] : memref<160000xi32, #tpu.memory_space<hbm>> -> memref<128xi32, #tpu.memory_space<hbm>>
      %dma_start3A_85 = tpu.memref_slice %arg2[%mul3A_83] : memref<160000xi32, #tpu.memory_space<hbm>> -> memref<128xi32, #tpu.memory_space<hbm>>
      tpu.enqueue_dma source(%dma_start3A_85 : memref<128xi32, #tpu.memory_space<hbm>>) target(%arg8 : memref<128xi32, #tpu.memory_space<vmem>>) target_semaphore(%arg13 : memref<!tpu.dma_semaphore, #tpu.memory_space<semaphore_mem>>)
      %dma_wait3A_86 = tpu.memref_slice %arg2[%mul3A_52] : memref<160000xi32, #tpu.memory_space<hbm>> -> memref<128xi32, #tpu.memory_space<hbm>>
      %dma_wait3A_87 = tpu.memref_slice %arg2[%mul3A_52] : memref<160000xi32, #tpu.memory_space<hbm>> -> memref<128xi32, #tpu.memory_space<hbm>>
      tpu.wait_dma2 semaphore(%arg11 : memref<!tpu.dma_semaphore, #tpu.memory_space<semaphore_mem>>) src(%dma_wait3A_87 : memref<128xi32, #tpu.memory_space<hbm>>) dst(%arg6 : memref<128xi32, #tpu.memory_space<vmem>>)
      %dma_start3A_88 = arith.constant 0 : i32
      %dma_start3A_89 = arith.constant 0 : i32
      %dma_start3A_90 = tpu.memref_slice %arg10[%dma_start3A_88, %dma_start3A_89] : memref<10000x128xf32, #tpu.memory_space<vmem_shared>> -> memref<10000x128xf32, #tpu.memory_space<vmem_shared>>
      tpu.enqueue_indirect_dma source(%arg9 : memref<128x128xf32, #tpu.memory_space<vmem>>) target(%dma_start3A_90 : memref<10000x128xf32, #tpu.memory_space<vmem_shared>>) offsets(%arg6 : memref<128xi32, #tpu.memory_space<vmem>>) semaphore(%arg14 : memref<!tpu.dma_semaphore, #tpu.memory_space<semaphore_mem>>) {add = true}
      %dma_wait3A_91 = tpu.memref_slice %arg2[%mul3A_67] : memref<160000xi32, #tpu.memory_space<hbm>> -> memref<128xi32, #tpu.memory_space<hbm>>
      %dma_wait3A_92 = tpu.memref_slice %arg2[%mul3A_67] : memref<160000xi32, #tpu.memory_space<hbm>> -> memref<128xi32, #tpu.memory_space<hbm>>
      tpu.wait_dma2 semaphore(%arg12 : memref<!tpu.dma_semaphore, #tpu.memory_space<semaphore_mem>>) src(%dma_wait3A_92 : memref<128xi32, #tpu.memory_space<hbm>>) dst(%arg7 : memref<128xi32, #tpu.memory_space<vmem>>)
      %dma_start3A_93 = arith.constant 0 : i32
      %dma_start3A_94 = arith.constant 0 : i32
      %dma_start3A_95 = tpu.memref_slice %arg10[%dma_start3A_93, %dma_start3A_94] : memref<10000x128xf32, #tpu.memory_space<vmem_shared>> -> memref<10000x128xf32, #tpu.memory_space<vmem_shared>>
      tpu.enqueue_indirect_dma source(%arg9 : memref<128x128xf32, #tpu.memory_space<vmem>>) target(%dma_start3A_95 : memref<10000x128xf32, #tpu.memory_space<vmem_shared>>) offsets(%arg7 : memref<128xi32, #tpu.memory_space<vmem>>) semaphore(%arg15 : memref<!tpu.dma_semaphore, #tpu.memory_space<semaphore_mem>>) {add = true}
      %dma_wait3A_96 = tpu.memref_slice %arg2[%mul3A_83] : memref<160000xi32, #tpu.memory_space<hbm>> -> memref<128xi32, #tpu.memory_space<hbm>>
      %dma_wait3A_97 = tpu.memref_slice %arg2[%mul3A_83] : memref<160000xi32, #tpu.memory_space<hbm>> -> memref<128xi32, #tpu.memory_space<hbm>>
      tpu.wait_dma2 semaphore(%arg13 : memref<!tpu.dma_semaphore, #tpu.memory_space<semaphore_mem>>) src(%dma_wait3A_97 : memref<128xi32, #tpu.memory_space<hbm>>) dst(%arg8 : memref<128xi32, #tpu.memory_space<vmem>>)
      %dma_start3A_98 = arith.constant 0 : i32
      %dma_start3A_99 = arith.constant 0 : i32
      %dma_start3A_100 = tpu.memref_slice %arg10[%dma_start3A_98, %dma_start3A_99] : memref<10000x128xf32, #tpu.memory_space<vmem_shared>> -> memref<10000x128xf32, #tpu.memory_space<vmem_shared>>
      tpu.enqueue_indirect_dma source(%arg9 : memref<128x128xf32, #tpu.memory_space<vmem>>) target(%dma_start3A_100 : memref<10000x128xf32, #tpu.memory_space<vmem_shared>>) offsets(%arg8 : memref<128xi32, #tpu.memory_space<vmem>>) semaphore(%arg16 : memref<!tpu.dma_semaphore, #tpu.memory_space<semaphore_mem>>) {add = true}
    }
    %scan3A_10 = arith.constant 13 : i32
    %dma_wait3A = arith.constant 0 : i32
    %dma_wait3A_11 = arith.constant 0 : i32
    %dma_wait3A_12 = tpu.memref_slice %arg10[%dma_wait3A, %dma_wait3A_11] : memref<10000x128xf32, #tpu.memory_space<vmem_shared>> -> memref<10000x128xf32, #tpu.memory_space<vmem_shared>>
    tpu.wait_indirect_dma semaphore(%arg14 : memref<!tpu.dma_semaphore, #tpu.memory_space<semaphore_mem>>) src(%arg9 : memref<128x128xf32, #tpu.memory_space<vmem>>) dst(%dma_wait3A_12 : memref<10000x128xf32, #tpu.memory_space<vmem_shared>>)
    %dma_wait3A_13 = arith.constant 0 : i32
    %dma_wait3A_14 = arith.constant 0 : i32
    %dma_wait3A_15 = tpu.memref_slice %arg10[%dma_wait3A_13, %dma_wait3A_14] : memref<10000x128xf32, #tpu.memory_space<vmem_shared>> -> memref<10000x128xf32, #tpu.memory_space<vmem_shared>>
    tpu.wait_indirect_dma semaphore(%arg15 : memref<!tpu.dma_semaphore, #tpu.memory_space<semaphore_mem>>) src(%arg9 : memref<128x128xf32, #tpu.memory_space<vmem>>) dst(%dma_wait3A_15 : memref<10000x128xf32, #tpu.memory_space<vmem_shared>>)
    %dma_wait3A_16 = arith.constant 0 : i32
    %dma_wait3A_17 = arith.constant 0 : i32
    %dma_wait3A_18 = tpu.memref_slice %arg10[%dma_wait3A_16, %dma_wait3A_17] : memref<10000x128xf32, #tpu.memory_space<vmem_shared>> -> memref<10000x128xf32, #tpu.memory_space<vmem_shared>>
    tpu.wait_indirect_dma semaphore(%arg16 : memref<!tpu.dma_semaphore, #tpu.memory_space<semaphore_mem>>) src(%arg9 : memref<128x128xf32, #tpu.memory_space<vmem>>) dst(%dma_wait3A_18 : memref<10000x128xf32, #tpu.memory_space<vmem_shared>>)
    %lt3A_19 = arith.constant 2 : i32
    %lt3A_20 = arith.cmpi slt, %add3A, %lt3A_19 : i32
    %convert_element_type3A_21 = arith.extui %lt3A_20 : i1 to i32
    %cond3A_22 = arith.constant 0 : i32
    %cond3A_23 = arith.cmpi ne, %convert_element_type3A_21, %cond3A_22 : i32
    scf.if %cond3A_23 {
      %add3A_35 = arith.constant 1248 : i32
      %add3A_36 = arith.addi %add3A_35, %add3A : i32
      %mul3A_37 = arith.constant 128 : i32
      %mul3A_38 = arith.muli %add3A_36, %mul3A_37 : i32
      "tpu.region"() ({
        %run_scoped3A = tpu.sem_alloc : memref<!tpu.dma_semaphore, #tpu.memory_space<semaphore_mem>>
        %dma_start3A = tpu.memref_slice %arg2[%mul3A_38] : memref<160000xi32, #tpu.memory_space<hbm>> -> memref<128xi32, #tpu.memory_space<hbm>>
        %dma_start3A_39 = tpu.memref_slice %arg2[%mul3A_38] : memref<160000xi32, #tpu.memory_space<hbm>> -> memref<128xi32, #tpu.memory_space<hbm>>
        tpu.enqueue_dma source(%dma_start3A_39 : memref<128xi32, #tpu.memory_space<hbm>>) target(%arg6 : memref<128xi32, #tpu.memory_space<vmem>>) target_semaphore(%run_scoped3A : memref<!tpu.dma_semaphore, #tpu.memory_space<semaphore_mem>>)
        %dma_wait3A_40 = tpu.memref_slice %arg2[%mul3A_38] : memref<160000xi32, #tpu.memory_space<hbm>> -> memref<128xi32, #tpu.memory_space<hbm>>
        %dma_wait3A_41 = tpu.memref_slice %arg2[%mul3A_38] : memref<160000xi32, #tpu.memory_space<hbm>> -> memref<128xi32, #tpu.memory_space<hbm>>
        tpu.wait_dma2 semaphore(%run_scoped3A : memref<!tpu.dma_semaphore, #tpu.memory_space<semaphore_mem>>) src(%dma_wait3A_41 : memref<128xi32, #tpu.memory_space<hbm>>) dst(%arg6 : memref<128xi32, #tpu.memory_space<vmem>>)
        tpu.yield
      }) : () -> ()
      "tpu.region"() ({
        %run_scoped3A = tpu.sem_alloc : memref<!tpu.dma_semaphore, #tpu.memory_space<semaphore_mem>>
        %dma_start3A = arith.constant 0 : i32
        %dma_start3A_39 = arith.constant 0 : i32
        %dma_start3A_40 = tpu.memref_slice %arg10[%dma_start3A, %dma_start3A_39] : memref<10000x128xf32, #tpu.memory_space<vmem_shared>> -> memref<10000x128xf32, #tpu.memory_space<vmem_shared>>
        tpu.enqueue_indirect_dma source(%arg9 : memref<128x128xf32, #tpu.memory_space<vmem>>) target(%dma_start3A_40 : memref<10000x128xf32, #tpu.memory_space<vmem_shared>>) offsets(%arg6 : memref<128xi32, #tpu.memory_space<vmem>>) semaphore(%run_scoped3A : memref<!tpu.dma_semaphore, #tpu.memory_space<semaphore_mem>>) {add = true}
        %dma_wait3A_41 = arith.constant 0 : i32
        %dma_wait3A_42 = arith.constant 0 : i32
        %dma_wait3A_43 = tpu.memref_slice %arg10[%dma_wait3A_41, %dma_wait3A_42] : memref<10000x128xf32, #tpu.memory_space<vmem_shared>> -> memref<10000x128xf32, #tpu.memory_space<vmem_shared>>
        tpu.wait_indirect_dma semaphore(%run_scoped3A : memref<!tpu.dma_semaphore, #tpu.memory_space<semaphore_mem>>) src(%arg9 : memref<128x128xf32, #tpu.memory_space<vmem>>) dst(%dma_wait3A_43 : memref<10000x128xf32, #tpu.memory_space<vmem_shared>>)
        tpu.yield
      }) : () -> ()
    } else {
    }
    %barrier3A_24 = arith.constant 0 : index
    tpu.barrier barrier_id(%barrier3A_24)
    %lt3A_25 = arith.constant 15 : i32
    %lt3A_26 = arith.cmpi slt, %arg1, %lt3A_25 : i32
    %convert_element_type3A_27 = arith.extui %lt3A_26 : i1 to i32
    %cond3A_28 = arith.constant 0 : i32
    %cond3A_29 = arith.cmpi ne, %convert_element_type3A_27, %cond3A_28 : i32
    scf.if %cond3A_29 {
      %mul3A_35 = arith.constant 632 : i32
      %mul3A_36 = arith.muli %arg1, %mul3A_35 : i32
      "tpu.region"() ({
        %run_scoped3A = tpu.sem_alloc : memref<!tpu.dma_semaphore, #tpu.memory_space<semaphore_mem>>
        %dma_start3A = arith.constant 0 : i32
        %dma_start3A_37 = tpu.memref_slice %arg5[%arg0, %mul3A_36, %dma_start3A] : memref<2x10000x128xf32, #tpu.memory_space<hbm>> -> memref<1x632x128xf32, #tpu.memory_space<hbm>>
        %dma_start3A_38 = tpu.memref_squeeze %dma_start3A_37 : memref<1x632x128xf32, #tpu.memory_space<hbm>> -> memref<632x128xf32, #tpu.memory_space<hbm>>
        %dma_start3A_39 = arith.constant 0 : i32
        %dma_start3A_40 = tpu.memref_slice %arg10[%mul3A_36, %dma_start3A_39] : memref<10000x128xf32, #tpu.memory_space<vmem_shared>> -> memref<632x128xf32, #tpu.memory_space<vmem_shared>>
        tpu.enqueue_dma source(%dma_start3A_40 : memref<632x128xf32, #tpu.memory_space<vmem_shared>>) target(%dma_start3A_38 : memref<632x128xf32, #tpu.memory_space<hbm>>) target_semaphore(%run_scoped3A : memref<!tpu.dma_semaphore, #tpu.memory_space<semaphore_mem>>)
        %dma_wait3A_41 = arith.constant 0 : i32
        %dma_wait3A_42 = tpu.memref_slice %arg5[%arg0, %mul3A_36, %dma_wait3A_41] : memref<2x10000x128xf32, #tpu.memory_space<hbm>> -> memref<1x632x128xf32, #tpu.memory_space<hbm>>
        %dma_wait3A_43 = tpu.memref_squeeze %dma_wait3A_42 : memref<1x632x128xf32, #tpu.memory_space<hbm>> -> memref<632x128xf32, #tpu.memory_space<hbm>>
        %dma_wait3A_44 = arith.constant 0 : i32
        %dma_wait3A_45 = tpu.memref_slice %arg10[%mul3A_36, %dma_wait3A_44] : memref<10000x128xf32, #tpu.memory_space<vmem_shared>> -> memref<632x128xf32, #tpu.memory_space<vmem_shared>>
        tpu.wait_dma2 semaphore(%run_scoped3A : memref<!tpu.dma_semaphore, #tpu.memory_space<semaphore_mem>>) src(%dma_wait3A_45 : memref<632x128xf32, #tpu.memory_space<vmem_shared>>) dst(%dma_wait3A_43 : memref<632x128xf32, #tpu.memory_space<hbm>>)
        tpu.yield
      }) : () -> ()
    } else {
    }
    %eq3A_30 = arith.constant 15 : i32
    %eq3A_31 = arith.cmpi eq, %arg1, %eq3A_30 : i32
    %convert_element_type3A_32 = arith.extui %eq3A_31 : i1 to i32
    %cond3A_33 = arith.constant 0 : i32
    %cond3A_34 = arith.cmpi ne, %convert_element_type3A_32, %cond3A_33 : i32
    scf.if %cond3A_34 {
      "tpu.region"() ({
        %run_scoped3A = tpu.sem_alloc : memref<!tpu.dma_semaphore, #tpu.memory_space<semaphore_mem>>
        %dma_start3A = arith.constant 9480 : i32
        %dma_start3A_35 = arith.constant 0 : i32
        %dma_start3A_36 = tpu.memref_slice %arg5[%arg0, %dma_start3A, %dma_start3A_35] : memref<2x10000x128xf32, #tpu.memory_space<hbm>> -> memref<1x520x128xf32, #tpu.memory_space<hbm>>
        %dma_start3A_37 = tpu.memref_squeeze %dma_start3A_36 : memref<1x520x128xf32, #tpu.memory_space<hbm>> -> memref<520x128xf32, #tpu.memory_space<hbm>>
        %dma_start3A_38 = arith.constant 9480 : i32
        %dma_start3A_39 = arith.constant 0 : i32
        %dma_start3A_40 = tpu.memref_slice %arg10[%dma_start3A_38, %dma_start3A_39] : memref<10000x128xf32, #tpu.memory_space<vmem_shared>> -> memref<520x128xf32, #tpu.memory_space<vmem_shared>>
        tpu.enqueue_dma source(%dma_start3A_40 : memref<520x128xf32, #tpu.memory_space<vmem_shared>>) target(%dma_start3A_37 : memref<520x128xf32, #tpu.memory_space<hbm>>) target_semaphore(%run_scoped3A : memref<!tpu.dma_semaphore, #tpu.memory_space<semaphore_mem>>)
        %dma_wait3A_41 = arith.constant 9480 : i32
        %dma_wait3A_42 = arith.constant 0 : i32
        %dma_wait3A_43 = tpu.memref_slice %arg5[%arg0, %dma_wait3A_41, %dma_wait3A_42] : memref<2x10000x128xf32, #tpu.memory_space<hbm>> -> memref<1x520x128xf32, #tpu.memory_space<hbm>>
        %dma_wait3A_44 = tpu.memref_squeeze %dma_wait3A_43 : memref<1x520x128xf32, #tpu.memory_space<hbm>> -> memref<520x128xf32, #tpu.memory_space<hbm>>
        %dma_wait3A_45 = arith.constant 9480 : i32
        %dma_wait3A_46 = arith.constant 0 : i32
        %dma_wait3A_47 = tpu.memref_slice %arg10[%dma_wait3A_45, %dma_wait3A_46] : memref<10000x128xf32, #tpu.memory_space<vmem_shared>> -> memref<520x128xf32, #tpu.memory_space<vmem_shared>>
        tpu.wait_dma2 semaphore(%run_scoped3A : memref<!tpu.dma_semaphore, #tpu.memory_space<semaphore_mem>>) src(%dma_wait3A_47 : memref<520x128xf32, #tpu.memory_space<vmem_shared>>) dst(%dma_wait3A_44 : memref<520x128xf32, #tpu.memory_space<hbm>>)
        tpu.yield
      }) : () -> ()
    } else {
    }
    return
  }
}

module attributes {stable_mosaic.version = 14 : i64} {
  func.func @_matmul_body(%arg0: memref<10000x300xf32, #tpu.memory_space<vmem>>, %arg1: memref<300x128xf32, #tpu.memory_space<vmem>>, %arg2: memref<10000x128xf32, #tpu.memory_space<vmem>>) attributes {dimension_semantics = [], scalar_prefetch = 0 : i64, scratch_operands = 0 : i64, tpu.core_type = #tpu.core_type<tc>} {
    %get3A = arith.constant 0 : index
    %get3A_0 = arith.constant 0 : index
    %get3A_1 = vector.load %arg0[%get3A, %get3A_0] : memref<10000x300xf32, #tpu.memory_space<vmem>>, vector<10000x300xf32>
    %get3A_2 = arith.constant 0 : index
    %get3A_3 = arith.constant 0 : index
    %get3A_4 = vector.load %arg1[%get3A_2, %get3A_3] : memref<300x128xf32, #tpu.memory_space<vmem>>, vector<300x128xf32>
    %dot_general3A = arith.constant dense<0.000000e+00> : vector<10000x128xf32>
    %dot_general3A_5 = tpu.matmul %get3A_1, %get3A_4, %dot_general3A {dimension_numbers = #tpu.dot_dimension_numbers<[1], [0], [0], [1], [0, 0, 1, 1], [], []>, transpose_lhs_hint = false} : vector<10000x300xf32>, vector<300x128xf32>, vector<10000x128xf32> -> vector<10000x128xf32>
    %swap3A = arith.constant 0 : index
    %swap3A_6 = arith.constant 0 : index
    %swap3A_7 = vector.load %arg2[%swap3A, %swap3A_6] : memref<10000x128xf32, #tpu.memory_space<vmem>>, vector<10000x128xf32>
    tpu.vector_store %arg2[%swap3A, %swap3A_6], %dot_general3A_5 {strides = array<i32>} : memref<10000x128xf32, #tpu.memory_space<vmem>>, vector<10000x128xf32>,
    return
  }
}

module attributes {stable_mosaic.version = 14 : i64} {
  func.func @_phase2_body(%arg0: memref<10000x128xf32, #tpu.memory_space<vmem>>, %arg1: memref<2x10000x128xf32, #tpu.memory_space<vmem>>, %arg2: memref<10000x128xf32, #tpu.memory_space<vmem>>, %arg3: memref<10000x1xf32, #tpu.memory_space<vmem>>) attributes {dimension_semantics = [], scalar_prefetch = 0 : i64, scratch_operands = 0 : i64, tpu.core_type = #tpu.core_type<tc>} {
    %get3A = arith.constant 0 : index
    %get3A_0 = arith.constant 0 : index
    %get3A_1 = arith.constant 0 : index
    %get3A_2 = vector.load %arg1[%get3A, %get3A_0, %get3A_1] : memref<2x10000x128xf32, #tpu.memory_space<vmem>>, vector<1x10000x1xf32>
    %get3A_3 = vector.shape_cast %get3A_2 : vector<1x10000x1xf32> to vector<10000x1xf32>
    %get3A_4 = arith.constant 1 : index
    %get3A_5 = arith.constant 0 : index
    %get3A_6 = arith.constant 0 : index
    %get3A_7 = vector.load %arg1[%get3A_4, %get3A_5, %get3A_6] : memref<2x10000x128xf32, #tpu.memory_space<vmem>>, vector<1x10000x1xf32>
    %get3A_8 = vector.shape_cast %get3A_7 : vector<1x10000x1xf32> to vector<10000x1xf32>
    %add3A = arith.addf %get3A_3, %get3A_8 : vector<10000x1xf32>
    %add3A_9 = arith.constant 1.000000e+00 : f32
    %add3A_10 = vector.broadcast %add3A_9 : f32 to vector<10000x1xf32>
    %add3A_11 = arith.addf %add3A, %add3A_10 : vector<10000x1xf32>
    %rsqrt3A = math.rsqrt %add3A_11 : vector<10000x1xf32>
    %get3A_12 = arith.constant 0 : index
    %get3A_13 = arith.constant 0 : index
    %get3A_14 = vector.load %arg0[%get3A_12, %get3A_13] : memref<10000x128xf32, #tpu.memory_space<vmem>>, vector<10000x128xf32>
    %mul3A = vector.broadcast %rsqrt3A : vector<10000x1xf32> to vector<10000x128xf32>
    %mul3A_15 = arith.mulf %get3A_14, %mul3A : vector<10000x128xf32>
    %swap3A = arith.constant 0 : index
    %swap3A_16 = arith.constant 0 : index
    %swap3A_17 = vector.load %arg2[%swap3A, %swap3A_16] : memref<10000x128xf32, #tpu.memory_space<vmem>>, vector<10000x128xf32>
    tpu.vector_store %arg2[%swap3A, %swap3A_16], %mul3A_15 {strides = array<i32>} : memref<10000x128xf32, #tpu.memory_space<vmem>>, vector<10000x128xf32>,
    %swap3A_18 = arith.constant 0 : index
    %swap3A_19 = arith.constant 0 : index
    %swap3A_20 = vector.load %arg3[%swap3A_18, %swap3A_19] : memref<10000x1xf32, #tpu.memory_space<vmem>>, vector<10000x1xf32>
    tpu.vector_store %arg3[%swap3A_18, %swap3A_19], %rsqrt3A {strides = array<i32>} : memref<10000x1xf32, #tpu.memory_space<vmem>>, vector<10000x1xf32>,
    return
  }
}

module attributes {stable_mosaic.version = 14 : i64} {
  func.func @_phase4_body(%arg0: memref<2x10000x128xf32, #tpu.memory_space<vmem>>, %arg1: memref<10000x128xf32, #tpu.memory_space<vmem>>, %arg2: memref<10000x1xf32, #tpu.memory_space<vmem>>, %arg3: memref<1x128xf32, #tpu.memory_space<vmem>>, %arg4: memref<128x128xf32, #tpu.memory_space<vmem>>, %arg5: memref<10000x128xf32, #tpu.memory_space<vmem>>) attributes {dimension_semantics = [], scalar_prefetch = 0 : i64, scratch_operands = 0 : i64, tpu.core_type = #tpu.core_type<tc>} {
    %get3A = arith.constant 0 : index
    %get3A_0 = arith.constant 0 : index
    %get3A_1 = vector.load %arg2[%get3A, %get3A_0] : memref<10000x1xf32, #tpu.memory_space<vmem>>, vector<10000x1xf32>
    %get3A_2 = arith.constant 0 : index
    %get3A_3 = arith.constant 0 : index
    %get3A_4 = arith.constant 0 : index
    %get3A_5 = vector.load %arg0[%get3A_2, %get3A_3, %get3A_4] : memref<2x10000x128xf32, #tpu.memory_space<vmem>>, vector<1x10000x128xf32>
    %get3A_6 = vector.shape_cast %get3A_5 : vector<1x10000x128xf32> to vector<10000x128xf32>
    %get3A_7 = arith.constant 1 : index
    %get3A_8 = arith.constant 0 : index
    %get3A_9 = arith.constant 0 : index
    %get3A_10 = vector.load %arg0[%get3A_7, %get3A_8, %get3A_9] : memref<2x10000x128xf32, #tpu.memory_space<vmem>>, vector<1x10000x128xf32>
    %get3A_11 = vector.shape_cast %get3A_10 : vector<1x10000x128xf32> to vector<10000x128xf32>
    %add3A = arith.addf %get3A_6, %get3A_11 : vector<10000x128xf32>
    %get3A_12 = arith.constant 0 : index
    %get3A_13 = arith.constant 0 : index
    %get3A_14 = vector.load %arg1[%get3A_12, %get3A_13] : memref<10000x128xf32, #tpu.memory_space<vmem>>, vector<10000x128xf32>
    %add3A_15 = arith.addf %add3A, %get3A_14 : vector<10000x128xf32>
    %mul3A = vector.broadcast %get3A_1 : vector<10000x1xf32> to vector<10000x128xf32>
    %mul3A_16 = arith.mulf %add3A_15, %mul3A : vector<10000x128xf32>
    %get3A_17 = arith.constant 0 : index
    %get3A_18 = arith.constant 0 : index
    %get3A_19 = vector.load %arg3[%get3A_17, %get3A_18] : memref<1x128xf32, #tpu.memory_space<vmem>>, vector<1x128xf32>
    %add3A_20 = vector.broadcast %get3A_19 : vector<1x128xf32> to vector<10000x128xf32>
    %add3A_21 = arith.addf %mul3A_16, %add3A_20 : vector<10000x128xf32>
    %max3A = arith.constant 0.000000e+00 : f32
    %max3A_22 = vector.broadcast %max3A : f32 to vector<10000x128xf32>
    %max3A_23 = arith.maximumf %add3A_21, %max3A_22 : vector<10000x128xf32>
    %get3A_24 = arith.constant 0 : index
    %get3A_25 = arith.constant 0 : index
    %get3A_26 = vector.load %arg4[%get3A_24, %get3A_25] : memref<128x128xf32, #tpu.memory_space<vmem>>, vector<128x128xf32>
    %dot_general3A = arith.constant dense<0.000000e+00> : vector<10000x128xf32>
    %dot_general3A_27 = tpu.matmul %max3A_23, %get3A_26, %dot_general3A {dimension_numbers = #tpu.dot_dimension_numbers<[1], [0], [0], [1], [0, 0, 1, 1], [], []>, transpose_lhs_hint = false} : vector<10000x128xf32>, vector<128x128xf32>, vector<10000x128xf32> -> vector<10000x128xf32>
    %mul3A_28 = vector.broadcast %get3A_1 : vector<10000x1xf32> to vector<10000x128xf32>
    %mul3A_29 = arith.mulf %dot_general3A_27, %mul3A_28 : vector<10000x128xf32>
    %swap3A = arith.constant 0 : index
    %swap3A_30 = arith.constant 0 : index
    %swap3A_31 = vector.load %arg5[%swap3A, %swap3A_30] : memref<10000x128xf32, #tpu.memory_space<vmem>>, vector<10000x128xf32>
    tpu.vector_store %arg5[%swap3A, %swap3A_30], %mul3A_29 {strides = array<i32>} : memref<10000x128xf32, #tpu.memory_space<vmem>>, vector<10000x128xf32>,
    return
  }
}

module attributes {stable_mosaic.version = 14 : i64} {
  func.func @_phase6_body(%arg0: memref<2x10000x128xf32, #tpu.memory_space<vmem>>, %arg1: memref<10000x128xf32, #tpu.memory_space<vmem>>, %arg2: memref<10000x1xf32, #tpu.memory_space<vmem>>, %arg3: memref<1x128xf32, #tpu.memory_space<vmem>>, %arg4: memref<1x10000xi32, #tpu.memory_space<vmem>>, %arg5: memref<1x10000xf32, #tpu.memory_space<vmem>>, %arg6: memref<128x20xf32, #tpu.memory_space<vmem>>, %arg7: memref<1x20xf32, #tpu.memory_space<vmem>>, %arg8: memref<64x20xf32, #tpu.memory_space<vmem>>) attributes {dimension_semantics = [], scalar_prefetch = 0 : i64, scratch_operands = 0 : i64, tpu.core_type = #tpu.core_type<tc>} {
    %get3A = arith.constant 0 : index
    %get3A_0 = arith.constant 0 : index
    %get3A_1 = vector.load %arg2[%get3A, %get3A_0] : memref<10000x1xf32, #tpu.memory_space<vmem>>, vector<10000x1xf32>
    %get3A_2 = arith.constant 0 : index
    %get3A_3 = arith.constant 0 : index
    %get3A_4 = arith.constant 0 : index
    %get3A_5 = vector.load %arg0[%get3A_2, %get3A_3, %get3A_4] : memref<2x10000x128xf32, #tpu.memory_space<vmem>>, vector<1x10000x128xf32>
    %get3A_6 = vector.shape_cast %get3A_5 : vector<1x10000x128xf32> to vector<10000x128xf32>
    %get3A_7 = arith.constant 1 : index
    %get3A_8 = arith.constant 0 : index
    %get3A_9 = arith.constant 0 : index
    %get3A_10 = vector.load %arg0[%get3A_7, %get3A_8, %get3A_9] : memref<2x10000x128xf32, #tpu.memory_space<vmem>>, vector<1x10000x128xf32>
    %get3A_11 = vector.shape_cast %get3A_10 : vector<1x10000x128xf32> to vector<10000x128xf32>
    %add3A = arith.addf %get3A_6, %get3A_11 : vector<10000x128xf32>
    %get3A_12 = arith.constant 0 : index
    %get3A_13 = arith.constant 0 : index
    %get3A_14 = vector.load %arg1[%get3A_12, %get3A_13] : memref<10000x128xf32, #tpu.memory_space<vmem>>, vector<10000x128xf32>
    %add3A_15 = arith.addf %add3A, %get3A_14 : vector<10000x128xf32>
    %mul3A = vector.broadcast %get3A_1 : vector<10000x1xf32> to vector<10000x128xf32>
    %mul3A_16 = arith.mulf %add3A_15, %mul3A : vector<10000x128xf32>
    %get3A_17 = arith.constant 0 : index
    %get3A_18 = arith.constant 0 : index
    %get3A_19 = vector.load %arg3[%get3A_17, %get3A_18] : memref<1x128xf32, #tpu.memory_space<vmem>>, vector<1x128xf32>
    %add3A_20 = vector.broadcast %get3A_19 : vector<1x128xf32> to vector<10000x128xf32>
    %add3A_21 = arith.addf %mul3A_16, %add3A_20 : vector<10000x128xf32>
    %max3A = arith.constant 0.000000e+00 : f32
    %max3A_22 = vector.broadcast %max3A : f32 to vector<10000x128xf32>
    %max3A_23 = arith.maximumf %add3A_21, %max3A_22 : vector<10000x128xf32>
    %iota3A = tpu.iota {dimensions = array<i32: 0>} : vector<64x10000xi32>
    %get3A_24 = arith.constant 0 : index
    %get3A_25 = arith.constant 0 : index
    %get3A_26 = vector.load %arg4[%get3A_24, %get3A_25] : memref<1x10000xi32, #tpu.memory_space<vmem>>, vector<1x10000xi32>
    %eq3A = vector.broadcast %get3A_26 : vector<1x10000xi32> to vector<64x10000xi32>
    %eq3A_27 = arith.cmpi eq, %eq3A, %iota3A : vector<64x10000xi32>
    %convert_element_type3A = arith.extui %eq3A_27 : vector<64x10000xi1> to vector<64x10000xi32>
    %convert_element_type3A_28 = arith.sitofp %convert_element_type3A : vector<64x10000xi32> to vector<64x10000xf32>
    %get3A_29 = arith.constant 0 : index
    %get3A_30 = arith.constant 0 : index
    %get3A_31 = vector.load %arg5[%get3A_29, %get3A_30] : memref<1x10000xf32, #tpu.memory_space<vmem>>, vector<1x10000xf32>
    %mul3A_32 = vector.broadcast %get3A_31 : vector<1x10000xf32> to vector<64x10000xf32>
    %mul3A_33 = arith.mulf %convert_element_type3A_28, %mul3A_32 : vector<64x10000xf32>
    %dot_general3A = arith.constant dense<0.000000e+00> : vector<64x128xf32>
    %dot_general3A_34 = tpu.matmul %mul3A_33, %max3A_23, %dot_general3A {dimension_numbers = #tpu.dot_dimension_numbers<[1], [0], [0], [1], [0, 0, 1, 1], [], []>, transpose_lhs_hint = false} : vector<64x10000xf32>, vector<10000x128xf32>, vector<64x128xf32> -> vector<64x128xf32>
    %dot_general3A_35 = arith.constant dense<0.000000e+00> : vector<64x128xf32>
    %dot_general3A_36 = tpu.matmul %convert_element_type3A_28, %max3A_23, %dot_general3A_35 {dimension_numbers = #tpu.dot_dimension_numbers<[1], [0], [0], [1], [0, 0, 1, 1], [], []>, transpose_lhs_hint = false} : vector<64x10000xf32>, vector<10000x128xf32>, vector<64x128xf32> -> vector<64x128xf32>
    %reduce_sum3A = arith.constant dense<0.000000e+00> : vector<64xf32>
    %reduce_sum3A_37 = vector.multi_reduction <add>, %mul3A_33, %reduce_sum3A [1] : vector<64x10000xf32> to vector<64xf32>
    %broadcast_in_dim3A = vector.shape_cast %reduce_sum3A_37 : vector<64xf32> to vector<64x1xf32>
    %reduce_sum3A_38 = arith.constant dense<0.000000e+00> : vector<64xf32>
    %reduce_sum3A_39 = vector.multi_reduction <add>, %convert_element_type3A_28, %reduce_sum3A_38 [1] : vector<64x10000xf32> to vector<64xf32>
    %broadcast_in_dim3A_40 = vector.shape_cast %reduce_sum3A_39 : vector<64xf32> to vector<64x1xf32>
    %lt3A = arith.constant 9.99999997E-7 : f32
    %lt3A_41 = vector.broadcast %lt3A : f32 to vector<64x1xf32>
    %lt3A_42 = arith.cmpf olt, %broadcast_in_dim3A, %lt3A_41 : vector<64x1xf32>
    %max3A_43 = arith.constant 1.000000e+00 : f32
    %max3A_44 = vector.broadcast %max3A_43 : f32 to vector<64x1xf32>
    %max3A_45 = arith.maximumf %broadcast_in_dim3A_40, %max3A_44 : vector<64x1xf32>
    %div3A = vector.broadcast %max3A_45 : vector<64x1xf32> to vector<64x128xf32>
    %div3A_46 = arith.divf %dot_general3A_36, %div3A : vector<64x128xf32>
    %add3A_47 = arith.constant 9.99999997E-7 : f32
    %add3A_48 = vector.broadcast %add3A_47 : f32 to vector<64x1xf32>
    %add3A_49 = arith.addf %broadcast_in_dim3A, %add3A_48 : vector<64x1xf32>
    %div3A_50 = vector.broadcast %add3A_49 : vector<64x1xf32> to vector<64x128xf32>
    %div3A_51 = arith.divf %dot_general3A_34, %div3A_50 : vector<64x128xf32>
    %broadcast_in_dim3A_52 = vector.shape_cast %lt3A_42 : vector<64x1xi1> to vector<64x1xi1>
    %broadcast_in_dim3A_53 = vector.broadcast %broadcast_in_dim3A_52 : vector<64x1xi1> to vector<64x128xi1>
    %select_n3A = arith.select %broadcast_in_dim3A_53, %div3A_46, %div3A_51 : vector<64x128xi1>, vector<64x128xf32>
    %get3A_54 = arith.constant 0 : index
    %get3A_55 = arith.constant 0 : index
    %get3A_56 = vector.load %arg6[%get3A_54, %get3A_55] : memref<128x20xf32, #tpu.memory_space<vmem>>, vector<128x20xf32>
    %dot_general3A_57 = arith.constant dense<0.000000e+00> : vector<64x20xf32>
    %dot_general3A_58 = tpu.matmul %select_n3A, %get3A_56, %dot_general3A_57 {dimension_numbers = #tpu.dot_dimension_numbers<[1], [0], [0], [1], [0, 0, 1, 1], [], []>, transpose_lhs_hint = false} : vector<64x128xf32>, vector<128x20xf32>, vector<64x20xf32> -> vector<64x20xf32>
    %get3A_59 = arith.constant 0 : index
    %get3A_60 = arith.constant 0 : index
    %get3A_61 = vector.load %arg7[%get3A_59, %get3A_60] : memref<1x20xf32, #tpu.memory_space<vmem>>, vector<1x20xf32>
    %add3A_62 = vector.broadcast %get3A_61 : vector<1x20xf32> to vector<64x20xf32>
    %add3A_63 = arith.addf %dot_general3A_58, %add3A_62 : vector<64x20xf32>
    %reduce_max3A = arith.constant dense<0xFF800000> : vector<64xf32>
    %reduce_max3A_64 = vector.multi_reduction <maximumf>, %add3A_63, %reduce_max3A [1] : vector<64x20xf32> to vector<64xf32>
    %broadcast_in_dim3A_65 = vector.shape_cast %reduce_max3A_64 : vector<64xf32> to vector<64x1xf32>
    %sub3A = vector.broadcast %broadcast_in_dim3A_65 : vector<64x1xf32> to vector<64x20xf32>
    %sub3A_66 = arith.subf %add3A_63, %sub3A : vector<64x20xf32>
    %exp3A = math.exp %sub3A_66 : vector<64x20xf32>
    %reduce_sum3A_67 = arith.constant dense<0.000000e+00> : vector<64xf32>
    %reduce_sum3A_68 = vector.multi_reduction <add>, %exp3A, %reduce_sum3A_67 [1] : vector<64x20xf32> to vector<64xf32>
    %broadcast_in_dim3A_69 = vector.shape_cast %reduce_sum3A_68 : vector<64xf32> to vector<64x1xf32>
    %log3A = math.log %broadcast_in_dim3A_69 : vector<64x1xf32>
    %sub3A_70 = vector.broadcast %log3A : vector<64x1xf32> to vector<64x20xf32>
    %sub3A_71 = arith.subf %sub3A_66, %sub3A_70 : vector<64x20xf32>
    %swap3A = arith.constant 0 : index
    %swap3A_72 = arith.constant 0 : index
    %swap3A_73 = vector.load %arg8[%swap3A, %swap3A_72] : memref<64x20xf32, #tpu.memory_space<vmem>>, vector<64x20xf32>
    tpu.vector_store %arg8[%swap3A, %swap3A_72], %sub3A_71 {strides = array<i32>} : memref<64x20xf32, #tpu.memory_space<vmem>>, vector<64x20xf32>,
    return
  }
}

</mosaic_0001>

<sc_bundles>
// kernel: kernel.12.cloned.1.call-start
scs
__scs_entry_jumppad:
0x0: {  	(pc) =	sbr.rel $0x88, $3  }
0x1: {  	(tag) =	ssettag $0x0;
	lr =	simm.s32 $0x1  }
0x2: {  	[smem:$0x3F97] =	sst lr;
	_ =	strace $0xD0000000  }
0x3: {  	_ = 	snop  }
0x4: {  	_ = 	snop  }
0x5: {  	_ = 	snop  }
0x6: {  	_ = 	snop  }
0x7: {  	_ = 	snop  }
__scs_overlays_trampoline_lowered:
0x8: {  	[smem:$0x3FA6] =	sst s0  }
0x9: {  	[smem:$0x3FA7] =	sst s1  }
0xa: {  	[smem:$0x3FA8] =	sst s2  }
0xb: {  	[smem:$0x3FA9] =	sst s3  }
0xc: {  	[smem:$0x3FAA] =	sst s4  }
0xd: {  	[smem:$0x3FAB] =	sst s5  }
0xe: {  	[smem:$0x3FAC] =	sst s6  }
0xf: {  	[smem:$0x3FAD] =	sst s7  }
0x10: {  	[smem:$0x3FAE] =	sst s8  }
0x11: {  	[smem:$0x3FAF] =	sst s9;
	s0 =	simm.s32 @!p0 $0x0  }
0x12: {  	s1 =	sld [smem:$0x3F95];
	s0 =	simm.s32 @p0 $0x1  }
0x13: {  	[smem:$0x3FB0] =	sst s0;
	s0 =	simm.s32 @!p1 $0x0  }
0x14: {  	s2 =	sld [smem:$0x3F94];
	s0 =	simm.s32 @p1 $0x1  }
0x15: {  	[smem:$0x3FB1] =	sst s0;
	s0 =	simm.s32 @!p2 $0x0  }
0x16: {  	s3 =	sld [smem:$0x3FDB];
	s0 =	simm.s32 @p2 $0x1  }
0x17: {  	s4 =	simm.s32 $0x1BF5;
	[smem:$0x3FB3] =	sst s0  }
0x18: {  	s0 =	sld [smem:$0x3F96];
	_ =	swait.ge [sflag:s4], $0x0  }
0x19: {  	s7 =	sld [smem:$0x3F97]  }
0x1a: {  	s8 =	sadd.s32 $0xFFFFE003, lr  }
0x1b: {  	s9 =	sadd.s32 $0xFFFFFEF7, lr;
	s5 =	simm.s32 $0xFFFFFFFF;
	p2 =	slt.u32 s8, $0xFFFFF086  }
0x1c: {  	p1 =	slt.u32 s9, $0xF7A;
	s5 =	simm.s32 @!p2 $0x0  }
0x1d: {  	s5 =	simm.s32 @p1 $0x1;
	p0 =	seq.s32 s7, s2  }
0x1e: {  	s7 =	smul.u32 @!p0 $0xF7A, s2;
	p2 =	seq.s32 @!p0 s5, $0x0  }
0x1f: {  	s9 =	smul.u32 $0xF7A, s1;
	s8 =	simm.s32 @!p0 $0x1BF5;
	p2 =	por !p2, p0  }
0x20: {  	[sflag:s8] =	ssyncset.s32 @!p0 $0xFFFFF086;
	s6 =	sadd.s32 @!p0 s3, s7;
	s7 =	simm.s32 @!p0 $0x108  }
0x21: {  	s3 =	sadd.s32 s3, s9;
	s6 =	sadd.s32 @!p0 $0x88, s6;
	s7 =	simm.s32 @p2 $0x1082  }
0x22: {  	[simem:s7], [sflag:s8] =	dma.local @!p0 [hbm:s6], $0xF7A  }
0x23: {  	s9 =	sor.u32 $0xD0000000, s2;
	s6 =	simm.s32 $0x108;
	_ =	swait.ge @!p0 [sflag:s8], $0x0  }
0x24: {  	s3 =	sadd.s32 $0x88, s3;
	s6 =	simm.s32 @!p1 $0x1082;
	[sflag:s4] =	ssyncset.s32 $0xFFFFF086  }
0x25: {  	[simem:s6], [sflag:s4] =	dma.local [hbm:s3], $0xF7A  }
0x26: {  	[smem:$0x3F97] =	sst s1;
	(tag) =	ssettag s2;
	_ =	strace s9  }
0x27: {  	s1 =	sld [smem:$0x3FA7]  }
0x28: {  	s2 =	sld [smem:$0x3FA8]  }
0x29: {  	s4 =	sld [smem:$0x3FAA]  }
0x2a: {  	p0 =	seq.s32 s5, $0x0;
	s5 =	sld [smem:$0x3FAB]  }
0x2b: {  	s6 =	sld [smem:$0x3FAC]  }
0x2c: {  	s7 =	sld [smem:$0x3FAD]  }
0x2d: {  	s3 =	simm.s32 $0x108;
	s8 =	sld [smem:$0x3FAE]  }
0x2e: {  	s3 =	simm.s32 @!p0 $0x1082;
	s9 =	sld [smem:$0x3FAF]  }
0x2f: {  	lr =	sadd.s32 s0, s3;
	s0 =	sld [smem:$0x3FA6]  }
0x30: {  	s3 =	sld [smem:$0x3FA9]  }
0x31: {  	[smem:$0x3FB2] =	sst s10  }
0x32: {  	s10 =	sld [smem:$0x3FB0];
	_ =	sdelay $0x3  }
0x33: {  	p0 =	seq.s32 s10, $0x1;
	s10 =	sld [smem:$0x3FB2];
	_ =	sdelay $0x3  }
0x34: {  	[smem:$0x3FB2] =	sst s10  }
0x35: {  	s10 =	sld [smem:$0x3FB1];
	_ =	sdelay $0x3  }
0x36: {  	p1 =	seq.s32 s10, $0x1;
	s10 =	sld [smem:$0x3FB2];
	_ =	sdelay $0x3  }
0x37: {  	[smem:$0x3FB2] =	sst s10  }
0x38: {  	s10 =	sld [smem:$0x3FB3]  }
0x39: {  	_ = 	snop;
	(pc) =	sbr.ind lr, $3  }
0x3a: {  	_ = 	snop  }
0x3b: {  	_ = 	snop  }
0x3c: {  	p2 =	seq.s32 s10, $0x1;
	s10 =	sld [smem:$0x3FB2]  }
0x3d: {  	_ =	shalt  }
0x3e: {  	_ =	shalt  }
0x3f: {  	_ =	shalt  }
0x40: {  	_ =	shalt  }
0x41: {  	_ =	shalt  }
0x42: {  	_ =	shalt  }
0x43: {  	_ =	shalt  }
0x44: {  	_ =	shalt  }
0x45: {  	_ =	shalt  }
0x46: {  	_ =	shalt  }
0x47: {  	_ =	shalt  }
0x48: {  	_ =	shalt  }
0x49: {  	_ =	shalt  }
0x4a: {  	_ =	shalt  }
0x4b: {  	_ =	shalt  }
0x4c: {  	_ =	shalt  }
0x4d: {  	_ =	shalt  }
0x4e: {  	_ =	shalt  }
0x4f: {  	_ =	shalt  }
0x50: {  	_ =	shalt  }
0x51: {  	_ =	shalt  }
0x52: {  	_ =	shalt  }
0x53: {  	_ =	shalt  }
0x54: {  	_ =	shalt  }
0x55: {  	_ =	shalt  }
0x56: {  	_ =	shalt  }
0x57: {  	_ =	shalt  }
0x58: {  	_ =	shalt  }
0x59: {  	_ =	shalt  }
0x5a: {  	_ =	shalt  }
0x5b: {  	_ =	shalt  }
0x5c: {  	_ =	shalt  }
0x5d: {  	_ =	shalt  }
0x5e: {  	_ =	shalt  }
0x5f: {  	_ =	shalt  }
0x60: {  	_ =	shalt  }
0x61: {  	_ =	shalt  }
0x62: {  	_ =	shalt  }
0x63: {  	_ =	shalt  }
0x64: {  	_ =	shalt  }
0x65: {  	_ =	shalt  }
0x66: {  	_ =	shalt  }
0x67: {  	_ =	shalt  }
0x68: {  	_ =	shalt  }
0x69: {  	_ =	shalt  }
0x6a: {  	_ =	shalt  }
0x6b: {  	_ =	shalt  }
0x6c: {  	_ =	shalt  }
0x6d: {  	_ =	shalt  }
0x6e: {  	_ =	shalt  }
0x6f: {  	_ =	shalt  }
0x70: {  	_ =	shalt  }
0x71: {  	_ =	shalt  }
0x72: {  	_ =	shalt  }
0x73: {  	_ =	shalt  }
0x74: {  	_ =	shalt  }
0x75: {  	_ =	shalt  }
0x76: {  	_ =	shalt  }
0x77: {  	_ =	shalt  }
0x78: {  	_ =	shalt  }
0x79: {  	_ =	shalt  }
0x7a: {  	_ =	shalt  }
0x7b: {  	_ =	shalt  }
0x7c: {  	_ =	shalt  }
0x7d: {  	_ =	shalt  }
0x7e: {  	_ =	shalt  }
0x7f: {  	_ =	shalt  }
0x80: {  	_ =	shalt  }
0x81: {  	_ =	shalt  }
0x82: {  	_ =	shalt  }
0x83: {  	_ =	shalt  }
0x84: {  	_ =	shalt  }
0x85: {  	_ =	shalt  }
0x86: {  	_ =	shalt  }
0x87: {  	_ =	shalt  }
.Lfunc_end0:
.L_simem_size_0:
called_computation.1_lowered:
.L_overlay_start_0:
0x88: {  	s2 =	sld [smem:$0x3FD9]  }
0x89: {  	s3 =	sld [smem:$0x3FFE];
	_ =	sdelay $0x1  }
0x8a: {  	s1 =	srdreg.scid  }
0x8b: {  	s0 =	sand.u32 $0x1, s1  }
0x8c: {  	s16 =	sshll.u32 s0, $0xA;
	s2 =	sadd.s32 s3, s2  }
0x8d: {  	s2 =	sadd.s32 s2, s16  }
0x8e: {  	[smem:$0x3FBE] =	sst s2  }
0x8f: {  	_ = 	snop  }
0x90: {  	(tm) =	ssettm $0x1  }
0x91: {  	s17 =	sld [smem:$0x3FFB];
	_ =	sdelay $0x3  }
0x92: {  	_ =	strace s17  }
0x93: {  	s2 =	sld [smem:$0x3FFC];
	_ =	sdelay $0x3  }
0x94: {  	_ =	strace s2  }
0x95: {  	s2 =	sld [smem:$0x3FFD];
	_ =	sdelay $0x3  }
0x96: {  	_ =	strace s2  }
0x97: {  	_ =	strace $0x8FFFFFFF  }
0x98: {  	s18 =	sld [smem:$0x3FDB];
	_ =	sdelay $0x1  }
0x99: {  	s19 =	simm.s32 $_scs_section_size  }
0x9a: {  	s4 =	simm.s32 $_size__tile_overlayer_lowered;
	s5 =	simm.s32 $_tile_overlayer_lowered  }
0x9b: {  	s22 =	simm.s32 $0x1BFF;
	s21 =	sshll.u32 s5, $0x1;
	s2 =	sadd.s32 s19, s18  }
0x9c: {  	s6 =	simm.s32 $0x0;
	s20 =	sshll.u32 s4, $0x1;
	s4 =	sadd.s32 s21, s2  }
0x9d: {  	[timem:s6], [sflag:s22] =	dma.local [hbm:s4], s20  }
0x9e: {  	_ =	swait.ge [sflag:s22], s20  }
0x9f: {  	s3 =	ssub.s32 $0x0, s20;
	[sflag:s22] =	ssyncset.done $0x0  }
0xa0: {  	[sflag:s22] =	ssyncadd.s32 s3;
	_ =	sdelay $0x1  }
0xa1: {  	s23 =	simm.s32 $0x1B8B  }
0xa2: {  	_ =	swait.ge [sflag:s23], $0x1  }
0xa3: {  	[sflag:s23] =	ssyncset.done $0x0  }
0xa4: {  	s25 =	simm.s32 $0x1B8E;
	s24 =	sld [smem:$0x3FFE];
	[sflag:s23] =	ssyncadd.s32 $0xFFFFFFFF  }
0xa5: {  	s26 =	simm.s32 $execute0_lowered;
	[smem:$0x3FD2] =	sst s25  }
0xa6: {  	s4 =	sshll.u32 s26, $0x1;
	_ =	strace $0x80000049;
	[dreg:$0x1] =	wrdreg $0xFFFFFFFF  }
0xa7: {  	s28 =	simm.s32 $_size_execute0_lowered;
	s2 =	sadd.s32 s2, s4;
	[dreg:$0x0] =	wrdreg $0x0  }
0xa8: {  	s4 =	sshll.u32 s28, $0x1;
	[dreg:$0x2] =	wrdreg s2  }
0xa9: {  	[dreg:$0x3] =	wrdreg s4  }
0xaa: {  	[dreg:$0x4] =	wrdreg $0xC0  }
0xab: {  	_ =	task [dreg:s6], $0x5FFFF  }
0xac: {  	[dreg:$0x1] =	wrdreg $0xFFFFFFFF  }
0xad: {  	[dreg:$0x0] =	wrdreg $0x60  }
0xae: {  	[dreg:$0x2] =	wrdreg s24  }
0xaf: {  	[dreg:$0x3] =	wrdreg $0xC6000  }
0xb0: {  	[dreg:$0x4] =	wrdreg $0x9  }
0xb1: {  	_ =	task.clear_ibuf [dreg:s6], $0x5FFFF;
	_ =	strace $0x90000049  }
0xb2: {  	s29 =	simm.s32 $0x9;
	_ =	strace $0x8000004B  }
0xb3: {  	_ =	swait.ge [sflag:s29], $0x1  }
0xb4: {  	[sflag:s29] =	ssyncadd.s32 $0xFFFFFFFF  }
0xb5: {  	_ =	strace $0x9000004B  }
0xb6: {  	_ =	sfence  }
0xb7: {  	s30 =	sld [smem:$0x0];
	_ =	sdelay $0x2  }
0xb8: {  	s31 =	sshll.u32 s1, $0xD;
	s1 =	sshrl.u32 s1, $0x2  }
0xb9: {  	s3 =	sand.u32 $0x4000, s31;
	s1 =	sadd.s32 s1, s30  }
0xba: {  	s0 =	sor.u32 s3, s0;
	s1 =	sshll.u32 s1, $0x11  }
0xbb: {  	s0 =	sor.u32 s1, s0  }
0xbc: {  	s0 =	sadd.s32 $0x8F2B, s0  }
0xbd: {  	[sflag:s0] =	ssyncadd.remote.s32 $0x1  }
0xbe: {  	_ =	sfence.sel $0xFFFF  }
0xbf: {  	[dreg:$0x0] =	wrdreg $0xFFFFFFFF;
	(pc) =	sbr.abs _section_cstart, $3  }
0xc0: {  	[dreg:$0x1] =	wrdreg $0xFFFFFFFF  }
0xc1: {  	_ =	task.clear_ibuf [dreg:s6], $0x2FFFF;
	_ =	strace $0x9FFFFFFF  }
0xc2: {  	(tm) =	ssettm $0x7FFFFFFF  }
0xc3: {  	_ =	shalt  }
tec
execute0_lowered:
.L_overlay_start_1:
0x0: {  	(tag) =	ssettag $0x1  }
0x1: {  	s0 =	rddreg [dreg:$0x0]  }
0x2: {  	s1 =	rddreg [dreg:$0x1];
	s2 =	simm.s32 $0x0;
	s4 =	srdreg.scid  }
0x3: {  	s14 =	stileid.u32;
	s28 =	simm.s32 $0x3;
	s29 =	simm.s32 $0x8600  }
0x4: {  	s30 =	simm.s32 $0x7;
	s31 =	simm.s32 $0x600;
	[smem:$0x7FF] =	sst s2  }
0x5: {  	s3 =	sadd.s32 $0x34200, s0;
	s4 =	sand.u32 $0x1, s4;
	s6 =	smul.u32 $0x2780, s14  }
0x6: {  	s5 =	sadd.s32 $0x2800, s0;
	s8 =	sadd.s32 $0x7800, s0;
	s10 =	smul.u32 $0x4F000, s14  }
0x7: {  	s11 =	sadd.s32 $0x5B400, s0;
	s12 =	sshll.u32 s14, $0x5;
	s23 =	sadd.s32 $0x128400, s1  }
0x8: {  	p0 =	seq.s32 s14, $0xF;
	p1 =	sne.s32 s14, $0x0;
	s7 =	ssub.s32 $0x2, s4  }
0x9: {  	_ =	strace $0x8000004A;
	[dreg:$0x7] =	wrdreg s23;
	s9 =	sshrl.u32 s7, $0x1  }
0xa: {  	s6 =	sadd.s32 s6, s0;
	s21 =	sshrl.u32 s10, $0x2;
	s10 =	sshll.u32 s4, $0x4  }
0xb: {  	s0 =	sadd.s32 $0x32080, s0;
	s4 =	smul.u32 $0x138800, s4;
	s7 =	ssub.s32 s7, s9  }
0xc: {  	s9 =	sadd.s32 s21, s1;
	s6 =	sadd.s32 $0xD000, s6;
	[dreg:$0x8] =	wrdreg s0  }
0xd: {  	s22 =	sor.u32 s10, s12;
	s19 =	sor.u32 $0x4E00, s10;
	[dreg:$0x5] =	wrdreg s9  }
0xe: {  	[dreg:$0x6] =	wrdreg s6;
	s24 =	sor.u32 $0x4800, s22;
	s26 =	sor.u32 $0x4A00, s22  }
0xf: {  	s15 =	sor.u32 $0x4C00, s22;
	s18 =	sshrl.u32 s4, $0x3;
	s21 =	sadd.s32 s5, s19  }
0x10: {  	s22 =	sadd.s32 s8, s19;
	s9 =	simm.s32 $0x4;
	[dreg:$0x10] =	wrdreg s21  }
0x11: {  	s25 =	sadd.s32 s5, s24;
	s0 =	sadd.s32 s8, s24;
	[dreg:$0x11] =	wrdreg s22  }
0x12: {  	s13 =	sadd.s32 s5, s26;
	s16 =	sadd.s32 s8, s26;
	[dreg:$0x9] =	wrdreg s25  }
0x13: {  	s17 =	sadd.s32 s5, s15;
	s6 =	sadd.s32 s11, s18;
	[dreg:$0xa] =	wrdreg s0  }
0x14: {  	s24 =	sadd.s32 s12, s8;
	s5 =	sadd.s32 s12, s5;
	[dreg:$0xb] =	wrdreg s13  }
0x15: {  	s26 =	smax.u32 s7, $0x1;
	s21 =	simm.s32 $0x80;
	[dreg:$0xc] =	wrdreg s16  }
0x16: {  	s22 =	simm.s32 $0x180;
	s12 =	simm.s32 $0xB;
	[dreg:$0xd] =	wrdreg s17  }
0x17: {  	s18 =	simm.s32 $0x280;
	s0 =	sadd.s32 s8, s15;
	[dreg:$0x13] =	wrdreg s26  }
0x18: {  	s13 =	smul.u32 $0x13C00, s14;
	s20 =	sadd.s32 $0x25080, s6;
	[dreg:$0xe] =	wrdreg s0  }
0x19: {  	s25 =	sadd.s32 s10, s5;
	s26 =	simm.s32 $0x4600;
	[dreg:$0xf] =	wrdreg s20  }
0x1a: {  	s15 =	simm.s32 $0x9;
	s14 =	simm.s32 $0xC;
	[dreg:$0x4] =	wrdreg s25  }
.Ltmp0:
0x1b: {  	s25 =	simm.s32 $0x1;
	s23 =	sadd.s32 s13, s4;
	(pc) =	sbr.rel .LBB2_1-.Ltmp0, $4  }
0x1c: {  	s4 =	sadd.s32 s10, s24;
	s24 =	simm.s32 $0x380;
	s10 =	simm.s32 $0xA  }
0x1d: {  	s13 =	simm.s32 $0x6;
	s0 =	sshrl.u32 s23, $0x3;
	[dreg:$0x3] =	wrdreg s4  }
0x1e: {  	s23 =	simm.s32 $0x300;
	s4 =	simm.s32 $0x0;
	s0 =	sadd.s32 s11, s0  }
0x1f: {  	s11 =	simm.s32 $0x5;
	[dreg:$0x12] =	wrdreg s0;
	s0 =	simm.s32 $0x8  }
.LBB2_7:
0x20: {  	s5 =	rddreg [dreg:$0x7]  }
0x21: {  	s7 =	rddreg [dreg:$0xf];
	s6 =	simm.s32 $0x1FCD;
	s5 =	sshrl.u32 s5, $0x3  }
0x22: {  	[hbm:s7], [sflag:s6] =	dma.local [spmem:s5], $0x2080  }
0x23: {  	_ =	swait.ge [sflag:s4], $0x2080  }
0x24: {  	[sflag:s4] =	ssyncset.done $0x0  }
0x25: {  	[sflag:s4] =	ssyncadd.s32 $0xFFFFDF80;
	s4 =	rddreg [dreg:$0x14]  }
.LBB2_8:
0x26: {  	s4 =	sadd.s32 $0x1, s4;
	s5 =	rddreg [dreg:$0x13]  }
0x27: {  	p2 =	sne.s32 s4, s5  }
.Ltmp1:
0x28: {  	_ = 	snop;
	(pc) =	sbr.rel @!p2 .LBB2_9-.Ltmp1, $1  }
0x29: {  	_ =	sdelay $0x3  }
.LBB2_1:
0x2a: {  	[dreg:$0x14] =	wrdreg s4  }
0x2b: {  	s5 =	rddreg [dreg:$0x7]  }
0x2c: {  	s7 =	simm.s32 @p0 $0x1FCD;
	s16 =	rddreg [dreg:$0x8];
	s5 =	sshrl.u32 @p0 s5, $0x3  }
0x2d: {  	[spmem:s5], [sflag:s7] =	dma.local @p0 [hbm:s16], $0x2080  }
0x2e: {  	s5 =	simm.s32 @p0 $0xD  }
0x2f: {  	s7 =	stileid.u32;
	_ =	swait.ge @p0 [sflag:s5], $0x2080  }
0x30: {  	s7 =	sshll.u32 @!p0 s7, $0x6;
	[sflag:s5] =	ssyncset.done @p0 $0x0  }
0x31: {  	[sflag:s5] =	ssyncadd.s32 @p0 $0xFFFFDF80;
	s5 =	sor.u32 @!p0 $0x1C0D, s7;
	s7 =	rddreg [dreg:$0x5]  }
0x32: {  	s16 =	rddreg [dreg:$0x6];
	s7 =	sshrl.u32 @!p0 s7, $0x3  }
0x33: {  	[spmem:s7], [sflag:s5] =	dma.local @!p0 [hbm:s16], $0x2780  }
0x34: {  	s5 =	simm.s32 @!p0 $0xD  }
0x35: {  	_ =	swait.ge @!p0 [sflag:s5], $0x2780  }
0x36: {  	[sflag:s5] =	ssyncset.done @!p0 $0x0  }
0x37: {  	[sflag:s5] =	ssyncadd.s32 @!p0 $0xFFFFD880  }
0x38: {  	[bflag:$0x0] =	sbarrier.arrive $0xFFFF  }
0x39: {  	s17 =	rddreg [dreg:$0x4]  }
0x3a: {  	s19 =	rddreg [dreg:$0x3];
	s5 =	sadd.s32 $0x0, s17  }
0x3b: {  	[tilespmem:s2], [sflag:$0x1] =	stream.linear.gather [hbm4b:s5+s2], $0x80, $0x38;
	[tilespmem:$0x1FE80] =	vst v63  }
0x3c: {  	s7 =	sadd.s32 $0x0, s19  }
0x3d: {  	[tilespmem:s23], [sflag:$0x1] =	stream.linear.gather [hbm4b:s7+s2], $0x80, $0x38;
	[tilespmem:$0x1FE80] =	vst v63  }
0x3e: {  	s19 =	sadd.s32 $0x200, s5  }
0x3f: {  	[tilespmem:s21], [sflag:$0x2] =	stream.linear.gather [hbm4b:s19+s2], $0x80, $0x38;
	[tilespmem:$0x1FE80] =	vst v63  }
0x40: {  	s20 =	sadd.s32 $0x200, s7  }
0x41: {  	[tilespmem:s24], [sflag:$0x2] =	stream.linear.gather [hbm4b:s20+s2], $0x80, $0x38;
	[tilespmem:$0x1FE80] =	vst v63  }
0x42: {  	s8 =	simm.s32 $0x100;
	s17 =	sadd.s32 $0x400, s5  }
0x43: {  	[tilespmem:s8], [sflag:$0x3] =	stream.linear.gather [hbm4b:s17+s2], $0x80, $0x38;
	[tilespmem:$0x1FE80] =	vst v63  }
0x44: {  	s16 =	simm.s32 $0x400;
	s20 =	sadd.s32 $0x400, s7  }
0x45: {  	[tilespmem:s16], [sflag:$0x3] =	stream.linear.gather [hbm4b:s20+s2], $0x80, $0x38;
	[tilespmem:$0x1FE80] =	vst v63  }
0x46: {  	_ =	swait.ge [sflag:s25], $0x80  }
0x47: {  	[sflag:s25] =	ssyncset.done $0x0  }
0x48: {  	[sflag:s25] =	ssyncadd.s32 $0xFFFFFF80  }
0x49: {  	p2 =	por $0x1, $0x1;
	_ =	swait.ge [sflag:s25], $0x80  }
0x4a: {  	s19 =	simm.s32 @p2 $0x600;
	[sflag:s25] =	ssyncset.done $0x0  }
0x4b: {  	s17 =	simm.s32 @p2 $0x80;
	s20 =	simm.s32 @p2 $0x0;
	[sflag:s25] =	ssyncadd.s32 $0xFFFFFF80  }
0x4c: {  	[tilespmem:s19], [sflag:$0x7] =	stream.indirect.gather @p2 [hbm4b:s3+s17], $0x80, s20, s17, $0xb8;
	[tilespmem:$0x1FE80] =	vst v63  }
0x4d: {  	s19 =	simm.s32 @p2 $0x2  }
0x4e: {  	_ =	swait.ge @p2 [sflag:s19], $0x80  }
0x4f: {  	[sflag:s19] =	ssyncset.done @p2 $0x0  }
0x50: {  	[sflag:s19] =	ssyncadd.s32 @p2 $0xFFFFFF80  }
0x51: {  	_ =	swait.ge @p2 [sflag:s19], $0x80  }
0x52: {  	[sflag:s19] =	ssyncset.done @p2 $0x0  }
0x53: {  	s20 =	simm.s32 @!p2 $0xA;
	[sflag:s19] =	ssyncadd.s32 @p2 $0xFFFFFF80  }
0x54: {  	_ =	swait.ge @!p2 [sflag:s20], $0x4000  }
0x55: {  	s17 =	simm.s32 @!p2 $0x600;
	[sflag:s20] =	ssyncset.done @!p2 $0x0  }
0x56: {  	s19 =	simm.s32 @!p2 $0x80;
	[sflag:s20] =	ssyncadd.s32 @!p2 $0xFFFFC000;
	s20 =	simm.s32 @!p2 $0x0  }
0x57: {  	[tilespmem:s17], [sflag:$0x7] =	stream.indirect.gather @!p2 [hbm4b:s3+s19], $0x80, s20, s19, $0xb8;
	[tilespmem:$0x1FE80] =	vst v63  }
0x58: {  	s19 =	simm.s32 @!p2 $0x2  }
0x59: {  	_ =	swait.ge @!p2 [sflag:s19], $0x80  }
0x5a: {  	[sflag:s19] =	ssyncset.done @!p2 $0x0  }
0x5b: {  	[sflag:s19] =	ssyncadd.s32 @!p2 $0xFFFFFF80  }
0x5c: {  	_ =	swait.ge @!p2 [sflag:s19], $0x80  }
0x5d: {  	[sflag:s19] =	ssyncset.done @!p2 $0x0  }
0x5e: {  	[sflag:s19] =	ssyncadd.s32 @!p2 $0xFFFFFF80;
	s19 =	simm.s32 @!p2 $0xB  }
0x5f: {  	_ =	swait.ge @!p2 [sflag:s19], $0x4000  }
0x60: {  	[sflag:s19] =	ssyncset.done @!p2 $0x0  }
0x61: {  	[sflag:s19] =	ssyncadd.s32 @!p2 $0xFFFFC000  }
0x62: {  	[tilespmem:s26], [sflag:$0x8] =	stream.indirect.gather [hbm4b:s3+s21], $0x80, s21, s21, $0xb8;
	[tilespmem:$0x1FE80] =	vst v63  }
0x63: {  	_ =	swait.ge [sflag:s28], $0x80  }
0x64: {  	[sflag:s28] =	ssyncset.done $0x0  }
0x65: {  	[sflag:s28] =	ssyncadd.s32 $0xFFFFFF80  }
0x66: {  	_ =	swait.ge [sflag:s28], $0x80  }
0x67: {  	[sflag:s28] =	ssyncset.done $0x0  }
0x68: {  	s19 =	simm.s32 @!p2 $0xC;
	[sflag:s28] =	ssyncadd.s32 $0xFFFFFF80  }
0x69: {  	_ =	swait.ge @!p2 [sflag:s19], $0x4000  }
0x6a: {  	[sflag:s19] =	ssyncset.done @!p2 $0x0  }
0x6b: {  	[sflag:s19] =	ssyncadd.s32 @!p2 $0xFFFFC000  }
0x6c: {  	[tilespmem:s29], [sflag:$0x9] =	stream.indirect.gather [hbm4b:s3+s21], $0x80, s8, s21, $0xb8;
	[tilespmem:$0x1FE80] =	vst v63  }
0x6d: {  	_ =	swait.ge [sflag:s30], $0x4000  }
0x6e: {  	[sflag:s30] =	ssyncset.done $0x0  }
0x6f: {  	[sflag:s30] =	ssyncadd.s32 $0xFFFFC000  }
0x70: {  	[spmem:s1] =	stream.indirect.scatter.add.f32 [tilespmem:s31], [sflag:$0xA], $0x80, s23, s21, $0xb8;
	[tilespmem:$0x1FE80] =	vst v63  }
0x71: {  	_ =	swait.ge [sflag:s0], $0x4000  }
0x72: {  	[sflag:s0] =	ssyncset.done $0x0  }
0x73: {  	[sflag:s0] =	ssyncadd.s32 $0xFFFFC000  }
0x74: {  	[spmem:s1] =	stream.indirect.scatter.add.f32 [tilespmem:s26], [sflag:$0xB], $0x80, s24, s21, $0xb8;
	[tilespmem:$0x1FE80] =	vst v63  }
0x75: {  	_ =	swait.ge [sflag:s15], $0x4000  }
0x76: {  	[sflag:s15] =	ssyncset.done $0x0  }
0x77: {  	[sflag:s15] =	ssyncadd.s32 $0xFFFFC000  }
0x78: {  	[spmem:s1] =	stream.indirect.scatter.add.f32 [tilespmem:s29], [sflag:$0xC], $0x80, s16, s21, $0xb8;
	[tilespmem:$0x1FE80] =	vst v63  }
0x79: {  	s17 =	sadd.s32 $0x600, s5  }
0x7a: {  	[tilespmem:s22], [sflag:$0x4] =	stream.linear.gather [hbm4b:s17+s2], $0x80, $0x38;
	[tilespmem:$0x1FE80] =	vst v63  }
0x7b: {  	s4 =	simm.s32 $0x480;
	s20 =	sadd.s32 $0x600, s7  }
0x7c: {  	[tilespmem:s4], [sflag:$0x4] =	stream.linear.gather [hbm4b:s20+s2], $0x80, $0x38;
	[tilespmem:$0x1FE80] =	vst v63  }
0x7d: {  	s6 =	simm.s32 $0x200;
	s8 =	sadd.s32 $0x800, s5  }
0x7e: {  	[tilespmem:s6], [sflag:$0x5] =	stream.linear.gather [hbm4b:s8+s2], $0x80, $0x38;
	[tilespmem:$0x1FE80] =	vst v63  }
0x7f: {  	s16 =	sadd.s32 $0x800, s7;
	s17 =	simm.s32 $0x500  }
0x80: {  	[tilespmem:s17], [sflag:$0x5] =	stream.linear.gather [hbm4b:s16+s2], $0x80, $0x38;
	[tilespmem:$0x1FE80] =	vst v63  }
0x81: {  	s5 =	sadd.s32 $0xA00, s5  }
0x82: {  	[tilespmem:s18], [sflag:$0x6] =	stream.linear.gather [hbm4b:s5+s2], $0x80, $0x38;
	[tilespmem:$0x1FE80] =	vst v63  }
0x83: {  	s20 =	sadd.s32 $0xA00, s7;
	s16 =	simm.s32 $0x580  }
0x84: {  	[tilespmem:s16], [sflag:$0x6] =	stream.linear.gather [hbm4b:s20+s2], $0x80, $0x38;
	[tilespmem:$0x1FE80] =	vst v63  }
0x85: {  	_ =	swait.ge [sflag:s9], $0x80  }
0x86: {  	[sflag:s9] =	ssyncset.done $0x0  }
0x87: {  	[sflag:s9] =	ssyncadd.s32 $0xFFFFFF80  }
0x88: {  	_ =	swait.ge [sflag:s9], $0x80  }
0x89: {  	[sflag:s9] =	ssyncset.done $0x0  }
0x8a: {  	[sflag:s9] =	ssyncadd.s32 $0xFFFFFF80  }
0x8b: {  	_ =	swait.ge [sflag:s10], $0x4000  }
0x8c: {  	[sflag:s10] =	ssyncset.done $0x0  }
0x8d: {  	[sflag:s10] =	ssyncadd.s32 $0xFFFFC000  }
0x8e: {  	[tilespmem:s31], [sflag:$0x7] =	stream.indirect.gather [hbm4b:s3+s21], $0x80, s22, s21, $0xb8;
	[tilespmem:$0x1FE80] =	vst v63  }
0x8f: {  	_ =	swait.ge [sflag:s11], $0x80  }
0x90: {  	[sflag:s11] =	ssyncset.done $0x0  }
0x91: {  	[sflag:s11] =	ssyncadd.s32 $0xFFFFFF80  }
0x92: {  	_ =	swait.ge [sflag:s11], $0x80  }
0x93: {  	[sflag:s11] =	ssyncset.done $0x0  }
0x94: {  	[sflag:s11] =	ssyncadd.s32 $0xFFFFFF80  }
0x95: {  	_ =	swait.ge [sflag:s12], $0x4000  }
0x96: {  	[sflag:s12] =	ssyncset.done $0x0  }
0x97: {  	[sflag:s12] =	ssyncadd.s32 $0xFFFFC000  }
0x98: {  	[tilespmem:s26], [sflag:$0x8] =	stream.indirect.gather [hbm4b:s3+s21], $0x80, s6, s21, $0xb8;
	[tilespmem:$0x1FE80] =	vst v63  }
0x99: {  	_ =	swait.ge [sflag:s13], $0x80  }
0x9a: {  	[sflag:s13] =	ssyncset.done $0x0  }
0x9b: {  	[sflag:s13] =	ssyncadd.s32 $0xFFFFFF80  }
0x9c: {  	_ =	swait.ge [sflag:s13], $0x80  }
0x9d: {  	[sflag:s13] =	ssyncset.done $0x0  }
0x9e: {  	[sflag:s13] =	ssyncadd.s32 $0xFFFFFF80  }
0x9f: {  	_ =	swait.ge [sflag:s14], $0x4000  }
0xa0: {  	[sflag:s14] =	ssyncset.done $0x0  }
0xa1: {  	[sflag:s14] =	ssyncadd.s32 $0xFFFFC000  }
0xa2: {  	[tilespmem:s29], [sflag:$0x9] =	stream.indirect.gather [hbm4b:s3+s21], $0x80, s18, s21, $0xb8;
	[tilespmem:$0x1FE80] =	vst v63  }
0xa3: {  	_ =	swait.ge [sflag:s30], $0x4000  }
0xa4: {  	[sflag:s30] =	ssyncset.done $0x0  }
0xa5: {  	[sflag:s30] =	ssyncadd.s32 $0xFFFFC000  }
0xa6: {  	[spmem:s1] =	stream.indirect.scatter.add.f32 [tilespmem:s31], [sflag:$0xA], $0x80, s4, s21, $0xb8;
	[tilespmem:$0x1FE80] =	vst v63  }
0xa7: {  	_ =	swait.ge [sflag:s0], $0x4000  }
0xa8: {  	[sflag:s0] =	ssyncset.done $0x0  }
0xa9: {  	[sflag:s0] =	ssyncadd.s32 $0xFFFFC000  }
0xaa: {  	[spmem:s1] =	stream.indirect.scatter.add.f32 [tilespmem:s26], [sflag:$0xB], $0x80, s17, s21, $0xb8;
	[tilespmem:$0x1FE80] =	vst v63  }
0xab: {  	s19 =	simm.s32 $0xC00;
	_ =	swait.ge [sflag:s15], $0x4000  }
0xac: {  	s7 =	simm.s32 $0x1800;
	s5 =	rddreg [dreg:$0x4];
	[sflag:s15] =	ssyncset.done $0x0  }
.LBB2_2:
0xad: {  	[sflag:s15] =	ssyncadd.s32 $0xFFFFC000  }
0xae: {  	[spmem:s1] =	stream.indirect.scatter.add.f32 [tilespmem:s29], [sflag:$0xC], $0x80, s16, s21, $0xb8;
	[tilespmem:$0x1FE80] =	vst v63  }
0xaf: {  	s20 =	rddreg [dreg:$0x3];
	s5 =	sadd.s32 s19, s5  }
0xb0: {  	[tilespmem:s2], [sflag:$0x1] =	stream.linear.gather [hbm4b:s5+s2], $0x80, $0x38;
	[tilespmem:$0x1FE80] =	vst v63  }
0xb1: {  	s20 =	sadd.s32 s19, s20  }
0xb2: {  	[tilespmem:s23], [sflag:$0x1] =	stream.linear.gather [hbm4b:s20+s2], $0x80, $0x38;
	[tilespmem:$0x1FE80] =	vst v63  }
0xb3: {  	s16 =	sadd.s32 $0x200, s5  }
0xb4: {  	[tilespmem:s21], [sflag:$0x2] =	stream.linear.gather [hbm4b:s16+s2], $0x80, $0x38;
	[tilespmem:$0x1FE80] =	vst v63  }
0xb5: {  	s17 =	sadd.s32 $0x200, s20  }
0xb6: {  	[tilespmem:s24], [sflag:$0x2] =	stream.linear.gather [hbm4b:s17+s2], $0x80, $0x38;
	[tilespmem:$0x1FE80] =	vst v63  }
0xb7: {  	s8 =	simm.s32 $0x100;
	s24 =	sadd.s32 $0x400, s5  }
0xb8: {  	[tilespmem:s8], [sflag:$0x3] =	stream.linear.gather [hbm4b:s24+s2], $0x80, $0x38;
	[tilespmem:$0x1FE80] =	vst v63  }
0xb9: {  	s16 =	sadd.s32 $0x400, s20;
	s17 =	simm.s32 $0x400  }
0xba: {  	[tilespmem:s17], [sflag:$0x3] =	stream.linear.gather [hbm4b:s16+s2], $0x80, $0x38;
	[tilespmem:$0x1FE80] =	vst v63  }
0xbb: {  	_ =	swait.ge [sflag:s25], $0x80  }
0xbc: {  	[sflag:s25] =	ssyncset.done $0x0  }
0xbd: {  	s22 =	smov.u32 s7;
	[sflag:s25] =	ssyncadd.s32 $0xFFFFFF80  }
0xbe: {  	p3 =	seq.s32 s19, $0x0;
	s19 =	smov.u32 s22;
	_ =	swait.ge [sflag:s25], $0x80  }
0xbf: {  	s22 =	simm.s32 @p3 $0x80;
	s23 =	simm.s32 @p3 $0x0;
	[sflag:s25] =	ssyncset.done $0x0  }
0xc0: {  	s24 =	simm.s32 @p3 $0x600;
	s16 =	simm.s32 @p3 $0x2;
	[sflag:s25] =	ssyncadd.s32 $0xFFFFFF80  }
0xc1: {  	[tilespmem:s24], [sflag:$0x7] =	stream.indirect.gather @p3 [hbm4b:s3+s22], $0x80, s23, s22, $0xb8;
	[tilespmem:$0x1FE80] =	vst v63  }
0xc2: {  	_ =	swait.ge @p3 [sflag:s16], $0x80  }
0xc3: {  	[sflag:s16] =	ssyncset.done @p3 $0x0  }
0xc4: {  	[sflag:s16] =	ssyncadd.s32 @p3 $0xFFFFFF80  }
0xc5: {  	_ =	swait.ge @p3 [sflag:s16], $0x80  }
0xc6: {  	[sflag:s16] =	ssyncset.done @p3 $0x0  }
0xc7: {  	s22 =	simm.s32 @!p3 $0xA;
	[sflag:s16] =	ssyncadd.s32 @p3 $0xFFFFFF80  }
0xc8: {  	_ =	swait.ge @!p3 [sflag:s22], $0x4000  }
0xc9: {  	s23 =	simm.s32 @!p3 $0x80;
	s24 =	simm.s32 @!p3 $0x0;
	[sflag:s22] =	ssyncset.done @!p3 $0x0  }
0xca: {  	s16 =	simm.s32 @!p3 $0x600;
	[sflag:s22] =	ssyncadd.s32 @!p3 $0xFFFFC000;
	s22 =	simm.s32 @!p3 $0x2  }
0xcb: {  	[tilespmem:s16], [sflag:$0x7] =	stream.indirect.gather @!p3 [hbm4b:s3+s23], $0x80, s24, s23, $0xb8;
	[tilespmem:$0x1FE80] =	vst v63  }
0xcc: {  	_ =	swait.ge @!p3 [sflag:s22], $0x80  }
0xcd: {  	[sflag:s22] =	ssyncset.done @!p3 $0x0  }
0xce: {  	[sflag:s22] =	ssyncadd.s32 @!p3 $0xFFFFFF80  }
0xcf: {  	_ =	swait.ge @!p3 [sflag:s22], $0x80  }
0xd0: {  	[sflag:s22] =	ssyncset.done @!p3 $0x0  }
0xd1: {  	s16 =	simm.s32 @!p3 $0xB;
	[sflag:s22] =	ssyncadd.s32 @!p3 $0xFFFFFF80  }
0xd2: {  	_ =	swait.ge @!p3 [sflag:s16], $0x4000  }
0xd3: {  	[sflag:s16] =	ssyncset.done @!p3 $0x0  }
0xd4: {  	[sflag:s16] =	ssyncadd.s32 @!p3 $0xFFFFC000  }
0xd5: {  	[tilespmem:s26], [sflag:$0x8] =	stream.indirect.gather [hbm4b:s3+s21], $0x80, s21, s21, $0xb8;
	[tilespmem:$0x1FE80] =	vst v63  }
0xd6: {  	_ =	swait.ge [sflag:s28], $0x80  }
0xd7: {  	[sflag:s28] =	ssyncset.done $0x0  }
0xd8: {  	[sflag:s28] =	ssyncadd.s32 $0xFFFFFF80  }
0xd9: {  	_ =	swait.ge [sflag:s28], $0x80  }
0xda: {  	[sflag:s28] =	ssyncset.done $0x0  }
0xdb: {  	s16 =	simm.s32 @!p3 $0xC;
	[sflag:s28] =	ssyncadd.s32 $0xFFFFFF80  }
0xdc: {  	_ =	swait.ge @!p3 [sflag:s16], $0x4000  }
0xdd: {  	[sflag:s16] =	ssyncset.done @!p3 $0x0  }
0xde: {  	[sflag:s16] =	ssyncadd.s32 @!p3 $0xFFFFC000  }
0xdf: {  	[tilespmem:s29], [sflag:$0x9] =	stream.indirect.gather [hbm4b:s3+s21], $0x80, s8, s21, $0xb8;
	[tilespmem:$0x1FE80] =	vst v63  }
0xe0: {  	_ =	swait.ge [sflag:s30], $0x4000  }
0xe1: {  	[sflag:s30] =	ssyncset.done $0x0  }
0xe2: {  	s23 =	simm.s32 $0x300;
	[sflag:s30] =	ssyncadd.s32 $0xFFFFC000  }
0xe3: {  	[spmem:s1] =	stream.indirect.scatter.add.f32 [tilespmem:s31], [sflag:$0xA], $0x80, s23, s21, $0xb8;
	[tilespmem:$0x1FE80] =	vst v63  }
0xe4: {  	_ =	swait.ge [sflag:s0], $0x4000  }
0xe5: {  	[sflag:s0] =	ssyncset.done $0x0  }
0xe6: {  	s24 =	simm.s32 $0x380;
	[sflag:s0] =	ssyncadd.s32 $0xFFFFC000  }
0xe7: {  	[spmem:s1] =	stream.indirect.scatter.add.f32 [tilespmem:s26], [sflag:$0xB], $0x80, s24, s21, $0xb8;
	[tilespmem:$0x1FE80] =	vst v63  }
0xe8: {  	_ =	swait.ge [sflag:s15], $0x4000  }
0xe9: {  	[sflag:s15] =	ssyncset.done $0x0  }
0xea: {  	[sflag:s15] =	ssyncadd.s32 $0xFFFFC000  }
0xeb: {  	[spmem:s1] =	stream.indirect.scatter.add.f32 [tilespmem:s29], [sflag:$0xC], $0x80, s17, s21, $0xb8;
	[tilespmem:$0x1FE80] =	vst v63  }
0xec: {  	s22 =	simm.s32 $0x180;
	s17 =	sadd.s32 $0x600, s5  }
0xed: {  	[tilespmem:s22], [sflag:$0x4] =	stream.linear.gather [hbm4b:s17+s2], $0x80, $0x38;
	[tilespmem:$0x1FE80] =	vst v63  }
0xee: {  	s8 =	sadd.s32 $0x600, s20  }
0xef: {  	[tilespmem:s4], [sflag:$0x4] =	stream.linear.gather [hbm4b:s8+s2], $0x80, $0x38;
	[tilespmem:$0x1FE80] =	vst v63  }
0xf0: {  	s17 =	sadd.s32 $0x800, s5  }
0xf1: {  	[tilespmem:s6], [sflag:$0x5] =	stream.linear.gather [hbm4b:s17+s2], $0x80, $0x38;
	[tilespmem:$0x1FE80] =	vst v63  }
0xf2: {  	s8 =	sadd.s32 $0x800, s20;
	s17 =	simm.s32 $0x500  }
0xf3: {  	[tilespmem:s17], [sflag:$0x5] =	stream.linear.gather [hbm4b:s8+s2], $0x80, $0x38;
	[tilespmem:$0x1FE80] =	vst v63  }
0xf4: {  	s5 =	sadd.s32 $0xA00, s5  }
0xf5: {  	[tilespmem:s18], [sflag:$0x6] =	stream.linear.gather [hbm4b:s5+s2], $0x80, $0x38;
	[tilespmem:$0x1FE80] =	vst v63  }
0xf6: {  	s16 =	simm.s32 $0x580;
	s20 =	sadd.s32 $0xA00, s20  }
0xf7: {  	[tilespmem:s16], [sflag:$0x6] =	stream.linear.gather [hbm4b:s20+s2], $0x80, $0x38;
	[tilespmem:$0x1FE80] =	vst v63  }
0xf8: {  	_ =	swait.ge [sflag:s9], $0x80  }
0xf9: {  	[sflag:s9] =	ssyncset.done $0x0  }
0xfa: {  	[sflag:s9] =	ssyncadd.s32 $0xFFFFFF80  }
0xfb: {  	_ =	swait.ge [sflag:s9], $0x80  }
0xfc: {  	[sflag:s9] =	ssyncset.done $0x0  }
0xfd: {  	[sflag:s9] =	ssyncadd.s32 $0xFFFFFF80  }
0xfe: {  	_ =	swait.ge [sflag:s10], $0x4000  }
0xff: {  	[sflag:s10] =	ssyncset.done $0x0  }
0x100: {  	[sflag:s10] =	ssyncadd.s32 $0xFFFFC000  }
0x101: {  	[tilespmem:s31], [sflag:$0x7] =	stream.indirect.gather [hbm4b:s3+s21], $0x80, s22, s21, $0xb8;
	[tilespmem:$0x1FE80] =	vst v63  }
0x102: {  	_ =	swait.ge [sflag:s11], $0x80  }
0x103: {  	[sflag:s11] =	ssyncset.done $0x0  }
0x104: {  	[sflag:s11] =	ssyncadd.s32 $0xFFFFFF80  }
0x105: {  	_ =	swait.ge [sflag:s11], $0x80  }
0x106: {  	[sflag:s11] =	ssyncset.done $0x0  }
0x107: {  	[sflag:s11] =	ssyncadd.s32 $0xFFFFFF80  }
0x108: {  	_ =	swait.ge [sflag:s12], $0x4000  }
0x109: {  	[sflag:s12] =	ssyncset.done $0x0  }
0x10a: {  	[sflag:s12] =	ssyncadd.s32 $0xFFFFC000  }
0x10b: {  	[tilespmem:s26], [sflag:$0x8] =	stream.indirect.gather [hbm4b:s3+s21], $0x80, s6, s21, $0xb8;
	[tilespmem:$0x1FE80] =	vst v63  }
0x10c: {  	_ =	swait.ge [sflag:s13], $0x80  }
0x10d: {  	[sflag:s13] =	ssyncset.done $0x0  }
0x10e: {  	[sflag:s13] =	ssyncadd.s32 $0xFFFFFF80  }
0x10f: {  	_ =	swait.ge [sflag:s13], $0x80  }
0x110: {  	[sflag:s13] =	ssyncset.done $0x0  }
0x111: {  	[sflag:s13] =	ssyncadd.s32 $0xFFFFFF80  }
0x112: {  	_ =	swait.ge [sflag:s14], $0x4000  }
0x113: {  	[sflag:s14] =	ssyncset.done $0x0  }
0x114: {  	[sflag:s14] =	ssyncadd.s32 $0xFFFFC000  }
0x115: {  	[tilespmem:s29], [sflag:$0x9] =	stream.indirect.gather [hbm4b:s3+s21], $0x80, s18, s21, $0xb8;
	[tilespmem:$0x1FE80] =	vst v63  }
0x116: {  	_ =	swait.ge [sflag:s30], $0x4000  }
0x117: {  	[sflag:s30] =	ssyncset.done $0x0  }
0x118: {  	s7 =	sadd.s32 $0xC00, s7;
	[sflag:s30] =	ssyncadd.s32 $0xFFFFC000  }
0x119: {  	[spmem:s1] =	stream.indirect.scatter.add.f32 [tilespmem:s31], [sflag:$0xA], $0x80, s4, s21, $0xb8;
	[tilespmem:$0x1FE80] =	vst v63  }
0x11a: {  	p2 =	sne.s32 s7, $0x4800;
	_ =	swait.ge [sflag:s0], $0x4000  }
.Ltmp2:
0x11b: {  	[sflag:s0] =	ssyncset.done $0x0;
	(pc) =	sbr.rel @p2 .LBB2_2-.Ltmp2, $4  }
0x11c: {  	[sflag:s0] =	ssyncadd.s32 $0xFFFFC000  }
0x11d: {  	[spmem:s1] =	stream.indirect.scatter.add.f32 [tilespmem:s26], [sflag:$0xB], $0x80, s17, s21, $0xb8;
	[tilespmem:$0x1FE80] =	vst v63  }
0x11e: {  	_ =	swait.ge [sflag:s15], $0x4000  }
0x11f: {  	s5 =	rddreg [dreg:$0x4];
	[sflag:s15] =	ssyncset.done $0x0  }
0x120: {  	[sflag:s15] =	ssyncadd.s32 $0xFFFFC000  }
0x121: {  	[spmem:s1] =	stream.indirect.scatter.add.f32 [tilespmem:s29], [sflag:$0xC], $0x80, s16, s21, $0xb8;
	[tilespmem:$0x1FE80] =	vst v63  }
0x122: {  	s7 =	rddreg [dreg:$0x3];
	s5 =	sadd.s32 s19, s5  }
0x123: {  	[tilespmem:s2], [sflag:$0x1] =	stream.linear.gather [hbm4b:s5+s2], $0x80, $0x38;
	[tilespmem:$0x1FE80] =	vst v63  }
0x124: {  	s7 =	sadd.s32 s19, s7  }
0x125: {  	[tilespmem:s23], [sflag:$0x1] =	stream.linear.gather [hbm4b:s7+s2], $0x80, $0x38;
	[tilespmem:$0x1FE80] =	vst v63  }
0x126: {  	s17 =	sadd.s32 $0x200, s5  }
0x127: {  	[tilespmem:s21], [sflag:$0x2] =	stream.linear.gather [hbm4b:s17+s2], $0x80, $0x38;
	[tilespmem:$0x1FE80] =	vst v63  }
0x128: {  	s20 =	sadd.s32 $0x200, s7  }
0x129: {  	[tilespmem:s24], [sflag:$0x2] =	stream.linear.gather [hbm4b:s20+s2], $0x80, $0x38;
	[tilespmem:$0x1FE80] =	vst v63  }
0x12a: {  	s8 =	sadd.s32 $0x400, s5;
	s17 =	simm.s32 $0x100  }
0x12b: {  	[tilespmem:s17], [sflag:$0x3] =	stream.linear.gather [hbm4b:s8+s2], $0x80, $0x38;
	[tilespmem:$0x1FE80] =	vst v63  }
0x12c: {  	s20 =	sadd.s32 $0x400, s7;
	s8 =	simm.s32 $0x400  }
0x12d: {  	[tilespmem:s8], [sflag:$0x3] =	stream.linear.gather [hbm4b:s20+s2], $0x80, $0x38;
	[tilespmem:$0x1FE80] =	vst v63  }
0x12e: {  	_ =	swait.ge [sflag:s25], $0x80  }
0x12f: {  	[sflag:s25] =	ssyncset.done $0x0  }
0x130: {  	[sflag:s25] =	ssyncadd.s32 $0xFFFFFF80  }
0x131: {  	p2 =	seq.s32 s19, $0x0;
	_ =	swait.ge [sflag:s25], $0x80  }
0x132: {  	s16 =	simm.s32 @p2 $0x80;
	[sflag:s25] =	ssyncset.done $0x0  }
0x133: {  	s19 =	simm.s32 @p2 $0x0;
	s20 =	simm.s32 @p2 $0x600;
	[sflag:s25] =	ssyncadd.s32 $0xFFFFFF80  }
0x134: {  	[tilespmem:s20], [sflag:$0x7] =	stream.indirect.gather @p2 [hbm4b:s3+s16], $0x80, s19, s16, $0xb8;
	[tilespmem:$0x1FE80] =	vst v63  }
0x135: {  	s16 =	simm.s32 @p2 $0x2  }
0x136: {  	_ =	swait.ge @p2 [sflag:s16], $0x80  }
0x137: {  	[sflag:s16] =	ssyncset.done @p2 $0x0  }
0x138: {  	[sflag:s16] =	ssyncadd.s32 @p2 $0xFFFFFF80  }
0x139: {  	_ =	swait.ge @p2 [sflag:s16], $0x80  }
0x13a: {  	[sflag:s16] =	ssyncset.done @p2 $0x0  }
0x13b: {  	s19 =	simm.s32 @!p2 $0xA;
	[sflag:s16] =	ssyncadd.s32 @p2 $0xFFFFFF80  }
0x13c: {  	_ =	swait.ge @!p2 [sflag:s19], $0x4000  }
0x13d: {  	s20 =	simm.s32 @!p2 $0x80;
	[sflag:s19] =	ssyncset.done @!p2 $0x0  }
0x13e: {  	s16 =	simm.s32 @!p2 $0x600;
	[sflag:s19] =	ssyncadd.s32 @!p2 $0xFFFFC000;
	s19 =	simm.s32 @!p2 $0x0  }
0x13f: {  	[tilespmem:s16], [sflag:$0x7] =	stream.indirect.gather @!p2 [hbm4b:s3+s20], $0x80, s19, s20, $0xb8;
	[tilespmem:$0x1FE80] =	vst v63  }
0x140: {  	s16 =	simm.s32 @!p2 $0x2  }
0x141: {  	_ =	swait.ge @!p2 [sflag:s16], $0x80  }
0x142: {  	[sflag:s16] =	ssyncset.done @!p2 $0x0  }
0x143: {  	[sflag:s16] =	ssyncadd.s32 @!p2 $0xFFFFFF80  }
0x144: {  	_ =	swait.ge @!p2 [sflag:s16], $0x80  }
0x145: {  	[sflag:s16] =	ssyncset.done @!p2 $0x0  }
0x146: {  	[sflag:s16] =	ssyncadd.s32 @!p2 $0xFFFFFF80;
	s16 =	simm.s32 @!p2 $0xB  }
0x147: {  	_ =	swait.ge @!p2 [sflag:s16], $0x4000  }
0x148: {  	[sflag:s16] =	ssyncset.done @!p2 $0x0  }
0x149: {  	[sflag:s16] =	ssyncadd.s32 @!p2 $0xFFFFC000  }
0x14a: {  	[tilespmem:s26], [sflag:$0x8] =	stream.indirect.gather [hbm4b:s3+s21], $0x80, s21, s21, $0xb8;
	[tilespmem:$0x1FE80] =	vst v63  }
0x14b: {  	_ =	swait.ge [sflag:s28], $0x80  }
0x14c: {  	[sflag:s28] =	ssyncset.done $0x0  }
0x14d: {  	[sflag:s28] =	ssyncadd.s32 $0xFFFFFF80  }
0x14e: {  	_ =	swait.ge [sflag:s28], $0x80  }
0x14f: {  	[sflag:s28] =	ssyncset.done $0x0  }
0x150: {  	s16 =	simm.s32 @!p2 $0xC;
	[sflag:s28] =	ssyncadd.s32 $0xFFFFFF80  }
0x151: {  	_ =	swait.ge @!p2 [sflag:s16], $0x4000  }
0x152: {  	[sflag:s16] =	ssyncset.done @!p2 $0x0  }
0x153: {  	[sflag:s16] =	ssyncadd.s32 @!p2 $0xFFFFC000  }
0x154: {  	[tilespmem:s29], [sflag:$0x9] =	stream.indirect.gather [hbm4b:s3+s21], $0x80, s17, s21, $0xb8;
	[tilespmem:$0x1FE80] =	vst v63  }
0x155: {  	_ =	swait.ge [sflag:s30], $0x4000  }
0x156: {  	[sflag:s30] =	ssyncset.done $0x0  }
0x157: {  	[sflag:s30] =	ssyncadd.s32 $0xFFFFC000  }
0x158: {  	[spmem:s1] =	stream.indirect.scatter.add.f32 [tilespmem:s31], [sflag:$0xA], $0x80, s23, s21, $0xb8;
	[tilespmem:$0x1FE80] =	vst v63  }
0x159: {  	_ =	swait.ge [sflag:s0], $0x4000  }
0x15a: {  	[sflag:s0] =	ssyncset.done $0x0  }
0x15b: {  	[sflag:s0] =	ssyncadd.s32 $0xFFFFC000  }
0x15c: {  	[spmem:s1] =	stream.indirect.scatter.add.f32 [tilespmem:s26], [sflag:$0xB], $0x80, s24, s21, $0xb8;
	[tilespmem:$0x1FE80] =	vst v63  }
0x15d: {  	_ =	swait.ge [sflag:s15], $0x4000  }
0x15e: {  	[sflag:s15] =	ssyncset.done $0x0  }
0x15f: {  	s19 =	simm.s32 $0x400;
	[sflag:s15] =	ssyncadd.s32 $0xFFFFC000  }
0x160: {  	[spmem:s1] =	stream.indirect.scatter.add.f32 [tilespmem:s29], [sflag:$0xC], $0x80, s19, s21, $0xb8;
	[tilespmem:$0x1FE80] =	vst v63  }
0x161: {  	s8 =	sadd.s32 $0x600, s5  }
0x162: {  	[tilespmem:s22], [sflag:$0x4] =	stream.linear.gather [hbm4b:s8+s2], $0x80, $0x38;
	[tilespmem:$0x1FE80] =	vst v63  }
0x163: {  	s20 =	sadd.s32 $0x600, s7  }
0x164: {  	[tilespmem:s4], [sflag:$0x4] =	stream.linear.gather [hbm4b:s20+s2], $0x80, $0x38;
	[tilespmem:$0x1FE80] =	vst v63  }
0x165: {  	s8 =	sadd.s32 $0x800, s5  }
0x166: {  	[tilespmem:s6], [sflag:$0x5] =	stream.linear.gather [hbm4b:s8+s2], $0x80, $0x38;
	[tilespmem:$0x1FE80] =	vst v63  }
0x167: {  	s20 =	sadd.s32 $0x800, s7;
	s8 =	simm.s32 $0x500  }
0x168: {  	[tilespmem:s8], [sflag:$0x5] =	stream.linear.gather [hbm4b:s20+s2], $0x80, $0x38;
	[tilespmem:$0x1FE80] =	vst v63  }
0x169: {  	s5 =	sadd.s32 $0xA00, s5  }
0x16a: {  	[tilespmem:s18], [sflag:$0x6] =	stream.linear.gather [hbm4b:s5+s2], $0x80, $0x38;
	[tilespmem:$0x1FE80] =	vst v63  }
0x16b: {  	s7 =	sadd.s32 $0xA00, s7;
	s20 =	simm.s32 $0x580  }
0x16c: {  	[tilespmem:s20], [sflag:$0x6] =	stream.linear.gather [hbm4b:s7+s2], $0x80, $0x38;
	[tilespmem:$0x1FE80] =	vst v63  }
0x16d: {  	_ =	swait.ge [sflag:s9], $0x80  }
0x16e: {  	[sflag:s9] =	ssyncset.done $0x0  }
0x16f: {  	[sflag:s9] =	ssyncadd.s32 $0xFFFFFF80  }
0x170: {  	_ =	swait.ge [sflag:s9], $0x80  }
0x171: {  	[sflag:s9] =	ssyncset.done $0x0  }
0x172: {  	[sflag:s9] =	ssyncadd.s32 $0xFFFFFF80  }
0x173: {  	_ =	swait.ge [sflag:s10], $0x4000  }
0x174: {  	[sflag:s10] =	ssyncset.done $0x0  }
0x175: {  	[sflag:s10] =	ssyncadd.s32 $0xFFFFC000  }
0x176: {  	[tilespmem:s31], [sflag:$0x7] =	stream.indirect.gather [hbm4b:s3+s21], $0x80, s22, s21, $0xb8;
	[tilespmem:$0x1FE80] =	vst v63  }
0x177: {  	_ =	swait.ge [sflag:s11], $0x80  }
0x178: {  	[sflag:s11] =	ssyncset.done $0x0  }
0x179: {  	[sflag:s11] =	ssyncadd.s32 $0xFFFFFF80  }
0x17a: {  	_ =	swait.ge [sflag:s11], $0x80  }
0x17b: {  	[sflag:s11] =	ssyncset.done $0x0  }
0x17c: {  	[sflag:s11] =	ssyncadd.s32 $0xFFFFFF80  }
0x17d: {  	_ =	swait.ge [sflag:s12], $0x4000  }
0x17e: {  	[sflag:s12] =	ssyncset.done $0x0  }
0x17f: {  	[sflag:s12] =	ssyncadd.s32 $0xFFFFC000  }
0x180: {  	[tilespmem:s26], [sflag:$0x8] =	stream.indirect.gather [hbm4b:s3+s21], $0x80, s6, s21, $0xb8;
	[tilespmem:$0x1FE80] =	vst v63  }
0x181: {  	_ =	swait.ge [sflag:s13], $0x80  }
0x182: {  	[sflag:s13] =	ssyncset.done $0x0  }
0x183: {  	[sflag:s13] =	ssyncadd.s32 $0xFFFFFF80  }
0x184: {  	_ =	swait.ge [sflag:s13], $0x80  }
0x185: {  	[sflag:s13] =	ssyncset.done $0x0  }
0x186: {  	[sflag:s13] =	ssyncadd.s32 $0xFFFFFF80  }
0x187: {  	_ =	swait.ge [sflag:s14], $0x4000  }
0x188: {  	[sflag:s14] =	ssyncset.done $0x0  }
0x189: {  	[sflag:s14] =	ssyncadd.s32 $0xFFFFC000  }
0x18a: {  	[tilespmem:s29], [sflag:$0x9] =	stream.indirect.gather [hbm4b:s3+s21], $0x80, s18, s21, $0xb8;
	[tilespmem:$0x1FE80] =	vst v63  }
0x18b: {  	_ =	swait.ge [sflag:s30], $0x4000  }
0x18c: {  	[sflag:s30] =	ssyncset.done $0x0  }
0x18d: {  	[sflag:s30] =	ssyncadd.s32 $0xFFFFC000  }
0x18e: {  	[spmem:s1] =	stream.indirect.scatter.add.f32 [tilespmem:s31], [sflag:$0xA], $0x80, s4, s21, $0xb8;
	[tilespmem:$0x1FE80] =	vst v63  }
0x18f: {  	_ =	swait.ge [sflag:s0], $0x4000  }
0x190: {  	[sflag:s0] =	ssyncset.done $0x0  }
0x191: {  	[sflag:s0] =	ssyncadd.s32 $0xFFFFC000  }
0x192: {  	[spmem:s1] =	stream.indirect.scatter.add.f32 [tilespmem:s26], [sflag:$0xB], $0x80, s8, s21, $0xb8;
	[tilespmem:$0x1FE80] =	vst v63  }
0x193: {  	_ =	swait.ge [sflag:s15], $0x4000  }
0x194: {  	[sflag:s15] =	ssyncset.done $0x0  }
0x195: {  	[sflag:s15] =	ssyncadd.s32 $0xFFFFC000  }
0x196: {  	[spmem:s1] =	stream.indirect.scatter.add.f32 [tilespmem:s29], [sflag:$0xC], $0x80, s20, s21, $0xb8;
	[tilespmem:$0x1FE80] =	vst v63  }
0x197: {  	s20 =	rddreg [dreg:$0x9]  }
0x198: {  	[tilespmem:s2], [sflag:$0x1] =	stream.linear.gather [hbm4b:s20+s2], $0x80, $0x38;
	[tilespmem:$0x1FE80] =	vst v63  }
0x199: {  	s4 =	rddreg [dreg:$0xa]  }
0x19a: {  	[tilespmem:s23], [sflag:$0x1] =	stream.linear.gather [hbm4b:s4+s2], $0x80, $0x38;
	[tilespmem:$0x1FE80] =	vst v63  }
0x19b: {  	s6 =	rddreg [dreg:$0xb]  }
0x19c: {  	[tilespmem:s21], [sflag:$0x2] =	stream.linear.gather [hbm4b:s6+s2], $0x80, $0x38;
	[tilespmem:$0x1FE80] =	vst v63  }
0x19d: {  	s7 =	rddreg [dreg:$0xc]  }
0x19e: {  	[tilespmem:s24], [sflag:$0x2] =	stream.linear.gather [hbm4b:s7+s2], $0x80, $0x38;
	[tilespmem:$0x1FE80] =	vst v63  }
0x19f: {  	s8 =	rddreg [dreg:$0xd]  }
0x1a0: {  	[tilespmem:s17], [sflag:$0x3] =	stream.linear.gather [hbm4b:s8+s2], $0x80, $0x38;
	[tilespmem:$0x1FE80] =	vst v63  }
0x1a1: {  	s16 =	rddreg [dreg:$0xe]  }
0x1a2: {  	[tilespmem:s19], [sflag:$0x3] =	stream.linear.gather [hbm4b:s16+s2], $0x80, $0x38;
	[tilespmem:$0x1FE80] =	vst v63  }
0x1a3: {  	_ =	swait.ge [sflag:s25], $0x80  }
0x1a4: {  	[sflag:s25] =	ssyncset.done $0x0  }
0x1a5: {  	[sflag:s25] =	ssyncadd.s32 $0xFFFFFF80  }
0x1a6: {  	_ =	swait.ge [sflag:s25], $0x80  }
0x1a7: {  	[sflag:s25] =	ssyncset.done $0x0  }
0x1a8: {  	[sflag:s25] =	ssyncadd.s32 $0xFFFFFF80  }
0x1a9: {  	_ =	swait.ge [sflag:s10], $0x4000  }
0x1aa: {  	[sflag:s10] =	ssyncset.done $0x0  }
0x1ab: {  	s20 =	simm.s32 $0x2;
	[sflag:s10] =	ssyncadd.s32 $0xFFFFC000  }
0x1ac: {  	[tilespmem:s31], [sflag:$0x7] =	stream.indirect.gather [hbm4b:s3+s21], $0x80, s2, s21, $0xb8;
	[tilespmem:$0x1FE80] =	vst v63  }
0x1ad: {  	_ =	swait.ge [sflag:s20], $0x80  }
0x1ae: {  	[sflag:s20] =	ssyncset.done $0x0  }
0x1af: {  	[sflag:s20] =	ssyncadd.s32 $0xFFFFFF80  }
0x1b0: {  	_ =	swait.ge [sflag:s20], $0x80  }
0x1b1: {  	[sflag:s20] =	ssyncset.done $0x0  }
0x1b2: {  	[sflag:s20] =	ssyncadd.s32 $0xFFFFFF80  }
0x1b3: {  	_ =	swait.ge [sflag:s12], $0x4000  }
0x1b4: {  	[sflag:s12] =	ssyncset.done $0x0  }
0x1b5: {  	[sflag:s12] =	ssyncadd.s32 $0xFFFFC000  }
0x1b6: {  	[tilespmem:s26], [sflag:$0x8] =	stream.indirect.gather [hbm4b:s3+s21], $0x80, s21, s21, $0xb8;
	[tilespmem:$0x1FE80] =	vst v63  }
0x1b7: {  	_ =	swait.ge [sflag:s28], $0x80  }
0x1b8: {  	[sflag:s28] =	ssyncset.done $0x0  }
0x1b9: {  	[sflag:s28] =	ssyncadd.s32 $0xFFFFFF80  }
0x1ba: {  	_ =	swait.ge [sflag:s28], $0x80  }
0x1bb: {  	[sflag:s28] =	ssyncset.done $0x0  }
0x1bc: {  	[sflag:s28] =	ssyncadd.s32 $0xFFFFFF80  }
0x1bd: {  	_ =	swait.ge [sflag:s14], $0x4000  }
0x1be: {  	[sflag:s14] =	ssyncset.done $0x0  }
0x1bf: {  	[sflag:s14] =	ssyncadd.s32 $0xFFFFC000  }
0x1c0: {  	[tilespmem:s29], [sflag:$0x9] =	stream.indirect.gather [hbm4b:s3+s21], $0x80, s17, s21, $0xb8;
	[tilespmem:$0x1FE80] =	vst v63  }
0x1c1: {  	_ =	swait.ge [sflag:s30], $0x4000  }
0x1c2: {  	[sflag:s30] =	ssyncset.done $0x0  }
0x1c3: {  	[sflag:s30] =	ssyncadd.s32 $0xFFFFC000  }
0x1c4: {  	[spmem:s1] =	stream.indirect.scatter.add.f32 [tilespmem:s31], [sflag:$0xA], $0x80, s23, s21, $0xb8;
	[tilespmem:$0x1FE80] =	vst v63  }
0x1c5: {  	_ =	swait.ge [sflag:s0], $0x4000  }
0x1c6: {  	[sflag:s0] =	ssyncset.done $0x0  }
0x1c7: {  	[sflag:s0] =	ssyncadd.s32 $0xFFFFC000  }
0x1c8: {  	[spmem:s1] =	stream.indirect.scatter.add.f32 [tilespmem:s26], [sflag:$0xB], $0x80, s24, s21, $0xb8;
	[tilespmem:$0x1FE80] =	vst v63  }
0x1c9: {  	_ =	swait.ge [sflag:s15], $0x4000  }
0x1ca: {  	[sflag:s15] =	ssyncset.done $0x0  }
0x1cb: {  	s19 =	simm.s32 $0x400;
	[sflag:s15] =	ssyncadd.s32 $0xFFFFC000  }
0x1cc: {  	[spmem:s1] =	stream.indirect.scatter.add.f32 [tilespmem:s29], [sflag:$0xC], $0x80, s19, s21, $0xb8;
	[tilespmem:$0x1FE80] =	vst v63  }
0x1cd: {  	_ =	swait.ge [sflag:s10], $0x4000  }
0x1ce: {  	[sflag:s10] =	ssyncset.done $0x0  }
0x1cf: {  	[sflag:s10] =	ssyncadd.s32 $0xFFFFC000  }
0x1d0: {  	_ =	swait.ge [sflag:s12], $0x4000  }
.Ltmp3:
0x1d1: {  	[sflag:s12] =	ssyncset.done $0x0;
	(pc) =	sbr.rel @!p1 .LBB2_4-.Ltmp3, $4  }
0x1d2: {  	[sflag:s12] =	ssyncadd.s32 $0xFFFFC000  }
0x1d3: {  	_ =	swait.ge [sflag:s14], $0x4000  }
0x1d4: {  	[sflag:s14] =	ssyncset.done $0x0  }
0x1d5: {  	[sflag:s14] =	ssyncadd.s32 $0xFFFFC000  }
.Ltmp4:
0x1d6: {  	(pc) =	sbr.rel @p0 .LBB2_7-.Ltmp4, $4  }
.Ltmp5:
0x1d7: {  	(pc) =	sbr.rel @!p0 .LBB2_6-.Ltmp5, $4  }
0x1d8: {  	_ = 	snop  }
0x1d9: {  	[bflag:$0x0] =	sbarrier.arrive $0xFFFF  }
0x1da: {  	s4 =	simm.s32 $0xD  }
0x1db: {  	_ = 	snop  }
.LBB2_4:
0x1dc: {  	s5 =	rddreg [dreg:$0x10];
	s4 =	simm.s32 $0xD  }
0x1dd: {  	[tilespmem:s2], [sflag:$0xD] =	stream.linear.gather [hbm4b:s5+s2], $0x80, $0x38;
	[tilespmem:$0x1FE80] =	vst v63  }
0x1de: {  	_ =	swait.ge [sflag:s4], $0x80  }
0x1df: {  	[sflag:s4] =	ssyncset.done $0x0  }
0x1e0: {  	s20 =	rddreg [dreg:$0x11];
	[sflag:s4] =	ssyncadd.s32 $0xFFFFFF80  }
0x1e1: {  	[tilespmem:s23], [sflag:$0xD] =	stream.linear.gather [hbm4b:s20+s2], $0x80, $0x38;
	[tilespmem:$0x1FE80] =	vst v63  }
0x1e2: {  	_ =	swait.ge [sflag:s4], $0x80  }
0x1e3: {  	[sflag:s4] =	ssyncset.done $0x0  }
0x1e4: {  	[sflag:s4] =	ssyncadd.s32 $0xFFFFFF80  }
0x1e5: {  	[tilespmem:s31], [sflag:$0x7] =	stream.indirect.gather [hbm4b:s3+s21], $0x80, s2, s21, $0xb8;
	[tilespmem:$0x1FE80] =	vst v63  }
0x1e6: {  	_ =	swait.ge [sflag:s30], $0x4000  }
0x1e7: {  	[sflag:s30] =	ssyncset.done $0x0  }
0x1e8: {  	[sflag:s30] =	ssyncadd.s32 $0xFFFFC000  }
0x1e9: {  	[spmem:s1] =	stream.indirect.scatter.add.f32 [tilespmem:s31], [sflag:$0xD], $0x80, s23, s21, $0xb8;
	[tilespmem:$0x1FE80] =	vst v63  }
0x1ea: {  	_ =	swait.ge [sflag:s4], $0x4000  }
0x1eb: {  	[sflag:s4] =	ssyncset.done $0x0  }
0x1ec: {  	[sflag:s4] =	ssyncadd.s32 $0xFFFFC000  }
0x1ed: {  	[bflag:$0x0] =	sbarrier.arrive $0xFFFF  }
.LBB2_6:
0x1ee: {  	s5 =	stileid.u32;
	s7 =	rddreg [dreg:$0x5]  }
0x1ef: {  	s16 =	rddreg [dreg:$0x12];
	s5 =	sshll.u32 s5, $0x6  }
.Ltmp6:
0x1f0: {  	s7 =	sshrl.u32 s7, $0x3;
	s5 =	sor.u32 $0x1C0D, s5;
	(pc) =	sbr.rel .LBB2_8-.Ltmp6, $4  }
0x1f1: {  	[hbm:s16], [sflag:s5] =	dma.local [spmem:s7], $0x2780  }
0x1f2: {  	_ =	swait.ge [sflag:s4], $0x2780  }
0x1f3: {  	[sflag:s4] =	ssyncset.done $0x0  }
0x1f4: {  	[sflag:s4] =	ssyncadd.s32 $0xFFFFD880;
	s4 =	rddreg [dreg:$0x14]  }
.LBB2_9:
0x1f5: {  	_ =	sfence.sel $0x180000  }
0x1f6: {  	[bflag:$0x0] =	sbarrier.arrive $0xFFFF  }
0x1f7: {  	_ =	strace $0x9000004A  }
0x1f8: {  	[bflag:$0x2] =	sbarrier.arrive $0xFFFF  }
0x1f9: {  	s0 =	rddreg [dreg:$0x2]  }
0x1fa: {  	s0 =	sadd.s32 @!p1 $0x100000, s0  }
0x1fb: {  	[sflag:s0] =	ssyncadd.tile.s32 @!p1 $0x1;
	_ =	shalt  }
.Lfunc_end2:
_tile_overlayer_lowered:
.L_overlay_start_2:
0x1fc: {  	(tag) =	ssettag $0x2  }
0x1fd: {  	s0 =	rddreg [dreg:$0x0];
	s2 =	stileid.u32  }
0x1fe: {  	s1 =	rddreg [dreg:$0x1];
	p0 =	sne.s32 s2, $0x0  }
0x1ff: {  	s3 =	rddreg [dreg:$0x2];
	[bflag:$0x3] =	sbarrier.arrive $0xFFFF;
	s2 =	simm.s32 @!p0 $0x1C0D  }
0x200: {  	[timem:s3], [sflag:s2] =	dma.local @!p0 [hbm:s0], s1  }
0x201: {  	s0 =	simm.s32 @!p0 $0xD  }
0x202: {  	_ =	swait.ge @!p0 [sflag:s0], s1  }
0x203: {  	s1 =	ssub.s32 @!p0 $0x0, s1;
	[sflag:s0] =	ssyncset.done @!p0 $0x0  }
0x204: {  	[sflag:s0] =	ssyncadd.s32 @!p0 s1  }
0x205: {  	[bflag:$0x3] =	sbarrier.arrive $0xFFFF  }
0x206: {  	_ =	shalt  }

// kernel: kernel.15.cloned.1.call-start
scs
__scs_entry_jumppad:
0x0: {  	(pc) =	sbr.rel $0x88, $3  }
0x1: {  	(tag) =	ssettag $0x0;
	lr =	simm.s32 $0x1  }
0x2: {  	[smem:$0x3F97] =	sst lr;
	_ =	strace $0xD0000000  }
0x3: {  	_ = 	snop  }
0x4: {  	_ = 	snop  }
0x5: {  	_ = 	snop  }
0x6: {  	_ = 	snop  }
0x7: {  	_ = 	snop  }
__scs_overlays_trampoline_lowered:
0x8: {  	[smem:$0x3FA6] =	sst s0  }
0x9: {  	[smem:$0x3FA7] =	sst s1  }
0xa: {  	[smem:$0x3FA8] =	sst s2  }
0xb: {  	[smem:$0x3FA9] =	sst s3  }
0xc: {  	[smem:$0x3FAA] =	sst s4  }
0xd: {  	[smem:$0x3FAB] =	sst s5  }
0xe: {  	[smem:$0x3FAC] =	sst s6  }
0xf: {  	[smem:$0x3FAD] =	sst s7  }
0x10: {  	[smem:$0x3FAE] =	sst s8  }
0x11: {  	[smem:$0x3FAF] =	sst s9;
	s0 =	simm.s32 @!p0 $0x0  }
0x12: {  	s1 =	sld [smem:$0x3F95];
	s0 =	simm.s32 @p0 $0x1  }
0x13: {  	[smem:$0x3FB0] =	sst s0;
	s0 =	simm.s32 @!p1 $0x0  }
0x14: {  	s2 =	sld [smem:$0x3F94];
	s0 =	simm.s32 @p1 $0x1  }
0x15: {  	[smem:$0x3FB1] =	sst s0;
	s0 =	simm.s32 @!p2 $0x0  }
0x16: {  	s3 =	sld [smem:$0x3FDB];
	s0 =	simm.s32 @p2 $0x1  }
0x17: {  	s4 =	simm.s32 $0x1BF5;
	[smem:$0x3FB3] =	sst s0  }
0x18: {  	s0 =	sld [smem:$0x3F96];
	_ =	swait.ge [sflag:s4], $0x0  }
0x19: {  	s7 =	sld [smem:$0x3F97]  }
0x1a: {  	s8 =	sadd.s32 $0xFFFFE003, lr  }
0x1b: {  	s9 =	sadd.s32 $0xFFFFFEF7, lr;
	s5 =	simm.s32 $0xFFFFFFFF;
	p2 =	slt.u32 s8, $0xFFFFF086  }
0x1c: {  	p1 =	slt.u32 s9, $0xF7A;
	s5 =	simm.s32 @!p2 $0x0  }
0x1d: {  	s5 =	simm.s32 @p1 $0x1;
	p0 =	seq.s32 s7, s2  }
0x1e: {  	s7 =	smul.u32 @!p0 $0xF7A, s2;
	p2 =	seq.s32 @!p0 s5, $0x0  }
0x1f: {  	s9 =	smul.u32 $0xF7A, s1;
	s8 =	simm.s32 @!p0 $0x1BF5;
	p2 =	por !p2, p0  }
0x20: {  	[sflag:s8] =	ssyncset.s32 @!p0 $0xFFFFF086;
	s6 =	sadd.s32 @!p0 s3, s7;
	s7 =	simm.s32 @!p0 $0x108  }
0x21: {  	s3 =	sadd.s32 s3, s9;
	s6 =	sadd.s32 @!p0 $0x88, s6;
	s7 =	simm.s32 @p2 $0x1082  }
0x22: {  	[simem:s7], [sflag:s8] =	dma.local @!p0 [hbm:s6], $0xF7A  }
0x23: {  	s9 =	sor.u32 $0xD0000000, s2;
	s6 =	simm.s32 $0x108;
	_ =	swait.ge @!p0 [sflag:s8], $0x0  }
0x24: {  	s3 =	sadd.s32 $0x88, s3;
	s6 =	simm.s32 @!p1 $0x1082;
	[sflag:s4] =	ssyncset.s32 $0xFFFFF086  }
0x25: {  	[simem:s6], [sflag:s4] =	dma.local [hbm:s3], $0xF7A  }
0x26: {  	[smem:$0x3F97] =	sst s1;
	(tag) =	ssettag s2;
	_ =	strace s9  }
0x27: {  	s1 =	sld [smem:$0x3FA7]  }
0x28: {  	s2 =	sld [smem:$0x3FA8]  }
0x29: {  	s4 =	sld [smem:$0x3FAA]  }
0x2a: {  	p0 =	seq.s32 s5, $0x0;
	s5 =	sld [smem:$0x3FAB]  }
0x2b: {  	s6 =	sld [smem:$0x3FAC]  }
0x2c: {  	s7 =	sld [smem:$0x3FAD]  }
0x2d: {  	s3 =	simm.s32 $0x108;
	s8 =	sld [smem:$0x3FAE]  }
0x2e: {  	s3 =	simm.s32 @!p0 $0x1082;
	s9 =	sld [smem:$0x3FAF]  }
0x2f: {  	lr =	sadd.s32 s0, s3;
	s0 =	sld [smem:$0x3FA6]  }
0x30: {  	s3 =	sld [smem:$0x3FA9]  }
0x31: {  	[smem:$0x3FB2] =	sst s10  }
0x32: {  	s10 =	sld [smem:$0x3FB0];
	_ =	sdelay $0x3  }
0x33: {  	p0 =	seq.s32 s10, $0x1;
	s10 =	sld [smem:$0x3FB2];
	_ =	sdelay $0x3  }
0x34: {  	[smem:$0x3FB2] =	sst s10  }
0x35: {  	s10 =	sld [smem:$0x3FB1];
	_ =	sdelay $0x3  }
0x36: {  	p1 =	seq.s32 s10, $0x1;
	s10 =	sld [smem:$0x3FB2];
	_ =	sdelay $0x3  }
0x37: {  	[smem:$0x3FB2] =	sst s10  }
0x38: {  	s10 =	sld [smem:$0x3FB3]  }
0x39: {  	_ = 	snop;
	(pc) =	sbr.ind lr, $3  }
0x3a: {  	_ = 	snop  }
0x3b: {  	_ = 	snop  }
0x3c: {  	p2 =	seq.s32 s10, $0x1;
	s10 =	sld [smem:$0x3FB2]  }
0x3d: {  	_ =	shalt  }
0x3e: {  	_ =	shalt  }
0x3f: {  	_ =	shalt  }
0x40: {  	_ =	shalt  }
0x41: {  	_ =	shalt  }
0x42: {  	_ =	shalt  }
0x43: {  	_ =	shalt  }
0x44: {  	_ =	shalt  }
0x45: {  	_ =	shalt  }
0x46: {  	_ =	shalt  }
0x47: {  	_ =	shalt  }
0x48: {  	_ =	shalt  }
0x49: {  	_ =	shalt  }
0x4a: {  	_ =	shalt  }
0x4b: {  	_ =	shalt  }
0x4c: {  	_ =	shalt  }
0x4d: {  	_ =	shalt  }
0x4e: {  	_ =	shalt  }
0x4f: {  	_ =	shalt  }
0x50: {  	_ =	shalt  }
0x51: {  	_ =	shalt  }
0x52: {  	_ =	shalt  }
0x53: {  	_ =	shalt  }
0x54: {  	_ =	shalt  }
0x55: {  	_ =	shalt  }
0x56: {  	_ =	shalt  }
0x57: {  	_ =	shalt  }
0x58: {  	_ =	shalt  }
0x59: {  	_ =	shalt  }
0x5a: {  	_ =	shalt  }
0x5b: {  	_ =	shalt  }
0x5c: {  	_ =	shalt  }
0x5d: {  	_ =	shalt  }
0x5e: {  	_ =	shalt  }
0x5f: {  	_ =	shalt  }
0x60: {  	_ =	shalt  }
0x61: {  	_ =	shalt  }
0x62: {  	_ =	shalt  }
0x63: {  	_ =	shalt  }
0x64: {  	_ =	shalt  }
0x65: {  	_ =	shalt  }
0x66: {  	_ =	shalt  }
0x67: {  	_ =	shalt  }
0x68: {  	_ =	shalt  }
0x69: {  	_ =	shalt  }
0x6a: {  	_ =	shalt  }
0x6b: {  	_ =	shalt  }
0x6c: {  	_ =	shalt  }
0x6d: {  	_ =	shalt  }
0x6e: {  	_ =	shalt  }
0x6f: {  	_ =	shalt  }
0x70: {  	_ =	shalt  }
0x71: {  	_ =	shalt  }
0x72: {  	_ =	shalt  }
0x73: {  	_ =	shalt  }
0x74: {  	_ =	shalt  }
0x75: {  	_ =	shalt  }
0x76: {  	_ =	shalt  }
0x77: {  	_ =	shalt  }
0x78: {  	_ =	shalt  }
0x79: {  	_ =	shalt  }
0x7a: {  	_ =	shalt  }
0x7b: {  	_ =	shalt  }
0x7c: {  	_ =	shalt  }
0x7d: {  	_ =	shalt  }
0x7e: {  	_ =	shalt  }
0x7f: {  	_ =	shalt  }
0x80: {  	_ =	shalt  }
0x81: {  	_ =	shalt  }
0x82: {  	_ =	shalt  }
0x83: {  	_ =	shalt  }
0x84: {  	_ =	shalt  }
0x85: {  	_ =	shalt  }
0x86: {  	_ =	shalt  }
0x87: {  	_ =	shalt  }
.Lfunc_end0:
.L_simem_size_0:
called_computation.2_lowered:
.L_overlay_start_0:
0x88: {  	s2 =	sld [smem:$0x3FD9]  }
0x89: {  	s3 =	sld [smem:$0x3FFE];
	_ =	sdelay $0x1  }
0x8a: {  	s1 =	srdreg.scid  }
0x8b: {  	s0 =	sand.u32 $0x1, s1  }
0x8c: {  	s16 =	sshll.u32 s0, $0xA;
	s2 =	sadd.s32 s3, s2  }
0x8d: {  	s2 =	sadd.s32 s2, s16  }
0x8e: {  	[smem:$0x3FBE] =	sst s2  }
0x8f: {  	_ = 	snop  }
0x90: {  	(tm) =	ssettm $0x1  }
0x91: {  	s17 =	sld [smem:$0x3FFB];
	_ =	sdelay $0x3  }
0x92: {  	_ =	strace s17  }
0x93: {  	s2 =	sld [smem:$0x3FFC];
	_ =	sdelay $0x3  }
0x94: {  	_ =	strace s2  }
0x95: {  	s2 =	sld [smem:$0x3FFD];
	_ =	sdelay $0x3  }
0x96: {  	_ =	strace s2  }
0x97: {  	_ =	strace $0x8FFFFFFF  }
0x98: {  	s18 =	sld [smem:$0x3FDB];
	_ =	sdelay $0x1  }
0x99: {  	s19 =	simm.s32 $_scs_section_size  }
0x9a: {  	s4 =	simm.s32 $_size__tile_overlayer_lowered;
	s5 =	simm.s32 $_tile_overlayer_lowered  }
0x9b: {  	s22 =	simm.s32 $0x1BFF;
	s21 =	sshll.u32 s5, $0x1;
	s2 =	sadd.s32 s19, s18  }
0x9c: {  	s6 =	simm.s32 $0x0;
	s20 =	sshll.u32 s4, $0x1;
	s4 =	sadd.s32 s21, s2  }
0x9d: {  	[timem:s6], [sflag:s22] =	dma.local [hbm:s4], s20  }
0x9e: {  	_ =	swait.ge [sflag:s22], s20  }
0x9f: {  	s3 =	ssub.s32 $0x0, s20;
	[sflag:s22] =	ssyncset.done $0x0  }
0xa0: {  	[sflag:s22] =	ssyncadd.s32 s3;
	_ =	sdelay $0x1  }
0xa1: {  	s23 =	simm.s32 $0x1B8B  }
0xa2: {  	_ =	swait.ge [sflag:s23], $0x1  }
0xa3: {  	[sflag:s23] =	ssyncset.done $0x0  }
0xa4: {  	s25 =	simm.s32 $0x1B8E;
	s24 =	sld [smem:$0x3FFE];
	[sflag:s23] =	ssyncadd.s32 $0xFFFFFFFF  }
0xa5: {  	s26 =	simm.s32 $execute0_lowered;
	[smem:$0x3FD2] =	sst s25  }
0xa6: {  	s4 =	sshll.u32 s26, $0x1;
	_ =	strace $0x8000004C;
	[dreg:$0x1] =	wrdreg $0xFFFFFFFF  }
0xa7: {  	s28 =	simm.s32 $_size_execute0_lowered;
	s2 =	sadd.s32 s2, s4;
	[dreg:$0x0] =	wrdreg $0x0  }
0xa8: {  	s4 =	sshll.u32 s28, $0x1;
	[dreg:$0x2] =	wrdreg s2  }
0xa9: {  	[dreg:$0x3] =	wrdreg s4  }
0xaa: {  	[dreg:$0x4] =	wrdreg $0xC0  }
0xab: {  	_ =	task [dreg:s6], $0x5FFFF  }
0xac: {  	[dreg:$0x1] =	wrdreg $0xFFFFFFFF  }
0xad: {  	[dreg:$0x0] =	wrdreg $0x60  }
0xae: {  	[dreg:$0x2] =	wrdreg s24  }
0xaf: {  	[dreg:$0x3] =	wrdreg $0xC6000  }
0xb0: {  	[dreg:$0x4] =	wrdreg $0x9  }
0xb1: {  	_ =	task.clear_ibuf [dreg:s6], $0x5FFFF;
	_ =	strace $0x9000004C  }
0xb2: {  	s29 =	simm.s32 $0x9;
	_ =	strace $0x8000004E  }
0xb3: {  	_ =	swait.ge [sflag:s29], $0x1  }
0xb4: {  	[sflag:s29] =	ssyncadd.s32 $0xFFFFFFFF  }
0xb5: {  	_ =	strace $0x9000004E  }
0xb6: {  	_ =	sfence  }
0xb7: {  	s30 =	sld [smem:$0x0];
	_ =	sdelay $0x2  }
0xb8: {  	s31 =	sshll.u32 s1, $0xD;
	s1 =	sshrl.u32 s1, $0x2  }
0xb9: {  	s3 =	sand.u32 $0x4000, s31;
	s1 =	sadd.s32 s1, s30  }
0xba: {  	s0 =	sor.u32 s3, s0;
	s1 =	sshll.u32 s1, $0x11  }
0xbb: {  	s0 =	sor.u32 s1, s0  }
0xbc: {  	s0 =	sadd.s32 $0x8F2B, s0  }
0xbd: {  	[sflag:s0] =	ssyncadd.remote.s32 $0x1  }
0xbe: {  	_ =	sfence.sel $0xFFFF  }
0xbf: {  	[dreg:$0x0] =	wrdreg $0xFFFFFFFF;
	(pc) =	sbr.abs _section_cstart, $3  }
0xc0: {  	[dreg:$0x1] =	wrdreg $0xFFFFFFFF  }
0xc1: {  	_ =	task.clear_ibuf [dreg:s6], $0x2FFFF;
	_ =	strace $0x9FFFFFFF  }
0xc2: {  	(tm) =	ssettm $0x7FFFFFFF  }
0xc3: {  	_ =	shalt  }
tec
execute0_lowered:
.L_overlay_start_1:
0x0: {  	(tag) =	ssettag $0x1  }
0x1: {  	s0 =	rddreg [dreg:$0x0]  }
0x2: {  	s1 =	rddreg [dreg:$0x1];
	s2 =	simm.s32 $0x0;
	s4 =	srdreg.scid  }
0x3: {  	s14 =	stileid.u32;
	s28 =	simm.s32 $0x3;
	s29 =	simm.s32 $0x8600  }
0x4: {  	s30 =	simm.s32 $0x7;
	s31 =	simm.s32 $0x600;
	[smem:$0x7FF] =	sst s2  }
0x5: {  	s3 =	sadd.s32 $0x34200, s0;
	s4 =	sand.u32 $0x1, s4;
	s6 =	smul.u32 $0x2780, s14  }
0x6: {  	s5 =	sadd.s32 $0x2800, s0;
	s8 =	sadd.s32 $0x7800, s0;
	s10 =	smul.u32 $0x4F000, s14  }
0x7: {  	s11 =	sadd.s32 $0x5B400, s0;
	s12 =	sshll.u32 s14, $0x5;
	s23 =	sadd.s32 $0x128400, s1  }
0x8: {  	p0 =	seq.s32 s14, $0xF;
	p1 =	sne.s32 s14, $0x0;
	s7 =	ssub.s32 $0x2, s4  }
0x9: {  	_ =	strace $0x8000004D;
	[dreg:$0x7] =	wrdreg s23;
	s9 =	sshrl.u32 s7, $0x1  }
0xa: {  	s6 =	sadd.s32 s6, s0;
	s21 =	sshrl.u32 s10, $0x2;
	s10 =	sshll.u32 s4, $0x4  }
0xb: {  	s0 =	sadd.s32 $0x32080, s0;
	s4 =	smul.u32 $0x138800, s4;
	s7 =	ssub.s32 s7, s9  }
0xc: {  	s9 =	sadd.s32 s21, s1;
	s6 =	sadd.s32 $0xD000, s6;
	[dreg:$0x8] =	wrdreg s0  }
0xd: {  	s22 =	sor.u32 s10, s12;
	s19 =	sor.u32 $0x4E00, s10;
	[dreg:$0x5] =	wrdreg s9  }
0xe: {  	[dreg:$0x6] =	wrdreg s6;
	s24 =	sor.u32 $0x4800, s22;
	s26 =	sor.u32 $0x4A00, s22  }
0xf: {  	s15 =	sor.u32 $0x4C00, s22;
	s18 =	sshrl.u32 s4, $0x3;
	s21 =	sadd.s32 s5, s19  }
0x10: {  	s22 =	sadd.s32 s8, s19;
	s9 =	simm.s32 $0x4;
	[dreg:$0x10] =	wrdreg s21  }
0x11: {  	s25 =	sadd.s32 s5, s24;
	s0 =	sadd.s32 s8, s24;
	[dreg:$0x11] =	wrdreg s22  }
0x12: {  	s13 =	sadd.s32 s5, s26;
	s16 =	sadd.s32 s8, s26;
	[dreg:$0x9] =	wrdreg s25  }
0x13: {  	s17 =	sadd.s32 s5, s15;
	s6 =	sadd.s32 s11, s18;
	[dreg:$0xa] =	wrdreg s0  }
0x14: {  	s24 =	sadd.s32 s12, s8;
	s5 =	sadd.s32 s12, s5;
	[dreg:$0xb] =	wrdreg s13  }
0x15: {  	s26 =	smax.u32 s7, $0x1;
	s21 =	simm.s32 $0x80;
	[dreg:$0xc] =	wrdreg s16  }
0x16: {  	s22 =	simm.s32 $0x180;
	s12 =	simm.s32 $0xB;
	[dreg:$0xd] =	wrdreg s17  }
0x17: {  	s18 =	simm.s32 $0x280;
	s0 =	sadd.s32 s8, s15;
	[dreg:$0x13] =	wrdreg s26  }
0x18: {  	s13 =	smul.u32 $0x13C00, s14;
	s20 =	sadd.s32 $0x25080, s6;
	[dreg:$0xe] =	wrdreg s0  }
0x19: {  	s25 =	sadd.s32 s10, s5;
	s26 =	simm.s32 $0x4600;
	[dreg:$0xf] =	wrdreg s20  }
0x1a: {  	s15 =	simm.s32 $0x9;
	s14 =	simm.s32 $0xC;
	[dreg:$0x4] =	wrdreg s25  }
.Ltmp0:
0x1b: {  	s25 =	simm.s32 $0x1;
	s23 =	sadd.s32 s13, s4;
	(pc) =	sbr.rel .LBB2_1-.Ltmp0, $4  }
0x1c: {  	s4 =	sadd.s32 s10, s24;
	s24 =	simm.s32 $0x380;
	s10 =	simm.s32 $0xA  }
0x1d: {  	s13 =	simm.s32 $0x6;
	s0 =	sshrl.u32 s23, $0x3;
	[dreg:$0x3] =	wrdreg s4  }
0x1e: {  	s23 =	simm.s32 $0x300;
	s4 =	simm.s32 $0x0;
	s0 =	sadd.s32 s11, s0  }
0x1f: {  	s11 =	simm.s32 $0x5;
	[dreg:$0x12] =	wrdreg s0;
	s0 =	simm.s32 $0x8  }
.LBB2_7:
0x20: {  	s5 =	rddreg [dreg:$0x7]  }
0x21: {  	s7 =	rddreg [dreg:$0xf];
	s6 =	simm.s32 $0x1FCD;
	s5 =	sshrl.u32 s5, $0x3  }
0x22: {  	[hbm:s7], [sflag:s6] =	dma.local [spmem:s5], $0x2080  }
0x23: {  	_ =	swait.ge [sflag:s4], $0x2080  }
0x24: {  	[sflag:s4] =	ssyncset.done $0x0  }
0x25: {  	[sflag:s4] =	ssyncadd.s32 $0xFFFFDF80;
	s4 =	rddreg [dreg:$0x14]  }
.LBB2_8:
0x26: {  	s4 =	sadd.s32 $0x1, s4;
	s5 =	rddreg [dreg:$0x13]  }
0x27: {  	p2 =	sne.s32 s4, s5  }
.Ltmp1:
0x28: {  	_ = 	snop;
	(pc) =	sbr.rel @!p2 .LBB2_9-.Ltmp1, $1  }
0x29: {  	_ =	sdelay $0x3  }
.LBB2_1:
0x2a: {  	[dreg:$0x14] =	wrdreg s4  }
0x2b: {  	s5 =	rddreg [dreg:$0x7]  }
0x2c: {  	s7 =	simm.s32 @p0 $0x1FCD;
	s16 =	rddreg [dreg:$0x8];
	s5 =	sshrl.u32 @p0 s5, $0x3  }
0x2d: {  	[spmem:s5], [sflag:s7] =	dma.local @p0 [hbm:s16], $0x2080  }
0x2e: {  	s5 =	simm.s32 @p0 $0xD  }
0x2f: {  	s7 =	stileid.u32;
	_ =	swait.ge @p0 [sflag:s5], $0x2080  }
0x30: {  	s7 =	sshll.u32 @!p0 s7, $0x6;
	[sflag:s5] =	ssyncset.done @p0 $0x0  }
0x31: {  	[sflag:s5] =	ssyncadd.s32 @p0 $0xFFFFDF80;
	s5 =	sor.u32 @!p0 $0x1C0D, s7;
	s7 =	rddreg [dreg:$0x5]  }
0x32: {  	s16 =	rddreg [dreg:$0x6];
	s7 =	sshrl.u32 @!p0 s7, $0x3  }
0x33: {  	[spmem:s7], [sflag:s5] =	dma.local @!p0 [hbm:s16], $0x2780  }
0x34: {  	s5 =	simm.s32 @!p0 $0xD  }
0x35: {  	_ =	swait.ge @!p0 [sflag:s5], $0x2780  }
0x36: {  	[sflag:s5] =	ssyncset.done @!p0 $0x0  }
0x37: {  	[sflag:s5] =	ssyncadd.s32 @!p0 $0xFFFFD880  }
0x38: {  	[bflag:$0x0] =	sbarrier.arrive $0xFFFF  }
0x39: {  	s17 =	rddreg [dreg:$0x4]  }
0x3a: {  	s19 =	rddreg [dreg:$0x3];
	s5 =	sadd.s32 $0x0, s17  }
0x3b: {  	[tilespmem:s2], [sflag:$0x1] =	stream.linear.gather [hbm4b:s5+s2], $0x80, $0x38;
	[tilespmem:$0x1FE80] =	vst v63  }
0x3c: {  	s7 =	sadd.s32 $0x0, s19  }
0x3d: {  	[tilespmem:s23], [sflag:$0x1] =	stream.linear.gather [hbm4b:s7+s2], $0x80, $0x38;
	[tilespmem:$0x1FE80] =	vst v63  }
0x3e: {  	s19 =	sadd.s32 $0x200, s5  }
0x3f: {  	[tilespmem:s21], [sflag:$0x2] =	stream.linear.gather [hbm4b:s19+s2], $0x80, $0x38;
	[tilespmem:$0x1FE80] =	vst v63  }
0x40: {  	s20 =	sadd.s32 $0x200, s7  }
0x41: {  	[tilespmem:s24], [sflag:$0x2] =	stream.linear.gather [hbm4b:s20+s2], $0x80, $0x38;
	[tilespmem:$0x1FE80] =	vst v63  }
0x42: {  	s8 =	simm.s32 $0x100;
	s17 =	sadd.s32 $0x400, s5  }
0x43: {  	[tilespmem:s8], [sflag:$0x3] =	stream.linear.gather [hbm4b:s17+s2], $0x80, $0x38;
	[tilespmem:$0x1FE80] =	vst v63  }
0x44: {  	s16 =	simm.s32 $0x400;
	s20 =	sadd.s32 $0x400, s7  }
0x45: {  	[tilespmem:s16], [sflag:$0x3] =	stream.linear.gather [hbm4b:s20+s2], $0x80, $0x38;
	[tilespmem:$0x1FE80] =	vst v63  }
0x46: {  	_ =	swait.ge [sflag:s25], $0x80  }
0x47: {  	[sflag:s25] =	ssyncset.done $0x0  }
0x48: {  	[sflag:s25] =	ssyncadd.s32 $0xFFFFFF80  }
0x49: {  	p2 =	por $0x1, $0x1;
	_ =	swait.ge [sflag:s25], $0x80  }
0x4a: {  	s19 =	simm.s32 @p2 $0x600;
	[sflag:s25] =	ssyncset.done $0x0  }
0x4b: {  	s17 =	simm.s32 @p2 $0x80;
	s20 =	simm.s32 @p2 $0x0;
	[sflag:s25] =	ssyncadd.s32 $0xFFFFFF80  }
0x4c: {  	[tilespmem:s19], [sflag:$0x7] =	stream.indirect.gather @p2 [hbm4b:s3+s17], $0x80, s20, s17, $0xb8;
	[tilespmem:$0x1FE80] =	vst v63  }
0x4d: {  	s19 =	simm.s32 @p2 $0x2  }
0x4e: {  	_ =	swait.ge @p2 [sflag:s19], $0x80  }
0x4f: {  	[sflag:s19] =	ssyncset.done @p2 $0x0  }
0x50: {  	[sflag:s19] =	ssyncadd.s32 @p2 $0xFFFFFF80  }
0x51: {  	_ =	swait.ge @p2 [sflag:s19], $0x80  }
0x52: {  	[sflag:s19] =	ssyncset.done @p2 $0x0  }
0x53: {  	s20 =	simm.s32 @!p2 $0xA;
	[sflag:s19] =	ssyncadd.s32 @p2 $0xFFFFFF80  }
0x54: {  	_ =	swait.ge @!p2 [sflag:s20], $0x4000  }
0x55: {  	s17 =	simm.s32 @!p2 $0x600;
	[sflag:s20] =	ssyncset.done @!p2 $0x0  }
0x56: {  	s19 =	simm.s32 @!p2 $0x80;
	[sflag:s20] =	ssyncadd.s32 @!p2 $0xFFFFC000;
	s20 =	simm.s32 @!p2 $0x0  }
0x57: {  	[tilespmem:s17], [sflag:$0x7] =	stream.indirect.gather @!p2 [hbm4b:s3+s19], $0x80, s20, s19, $0xb8;
	[tilespmem:$0x1FE80] =	vst v63  }
0x58: {  	s19 =	simm.s32 @!p2 $0x2  }
0x59: {  	_ =	swait.ge @!p2 [sflag:s19], $0x80  }
0x5a: {  	[sflag:s19] =	ssyncset.done @!p2 $0x0  }
0x5b: {  	[sflag:s19] =	ssyncadd.s32 @!p2 $0xFFFFFF80  }
0x5c: {  	_ =	swait.ge @!p2 [sflag:s19], $0x80  }
0x5d: {  	[sflag:s19] =	ssyncset.done @!p2 $0x0  }
0x5e: {  	[sflag:s19] =	ssyncadd.s32 @!p2 $0xFFFFFF80;
	s19 =	simm.s32 @!p2 $0xB  }
0x5f: {  	_ =	swait.ge @!p2 [sflag:s19], $0x4000  }
0x60: {  	[sflag:s19] =	ssyncset.done @!p2 $0x0  }
0x61: {  	[sflag:s19] =	ssyncadd.s32 @!p2 $0xFFFFC000  }
0x62: {  	[tilespmem:s26], [sflag:$0x8] =	stream.indirect.gather [hbm4b:s3+s21], $0x80, s21, s21, $0xb8;
	[tilespmem:$0x1FE80] =	vst v63  }
0x63: {  	_ =	swait.ge [sflag:s28], $0x80  }
0x64: {  	[sflag:s28] =	ssyncset.done $0x0  }
0x65: {  	[sflag:s28] =	ssyncadd.s32 $0xFFFFFF80  }
0x66: {  	_ =	swait.ge [sflag:s28], $0x80  }
0x67: {  	[sflag:s28] =	ssyncset.done $0x0  }
0x68: {  	s19 =	simm.s32 @!p2 $0xC;
	[sflag:s28] =	ssyncadd.s32 $0xFFFFFF80  }
0x69: {  	_ =	swait.ge @!p2 [sflag:s19], $0x4000  }
0x6a: {  	[sflag:s19] =	ssyncset.done @!p2 $0x0  }
0x6b: {  	[sflag:s19] =	ssyncadd.s32 @!p2 $0xFFFFC000  }
0x6c: {  	[tilespmem:s29], [sflag:$0x9] =	stream.indirect.gather [hbm4b:s3+s21], $0x80, s8, s21, $0xb8;
	[tilespmem:$0x1FE80] =	vst v63  }
0x6d: {  	_ =	swait.ge [sflag:s30], $0x4000  }
0x6e: {  	[sflag:s30] =	ssyncset.done $0x0  }
0x6f: {  	[sflag:s30] =	ssyncadd.s32 $0xFFFFC000  }
0x70: {  	[spmem:s1] =	stream.indirect.scatter.add.f32 [tilespmem:s31], [sflag:$0xA], $0x80, s23, s21, $0xb8;
	[tilespmem:$0x1FE80] =	vst v63  }
0x71: {  	_ =	swait.ge [sflag:s0], $0x4000  }
0x72: {  	[sflag:s0] =	ssyncset.done $0x0  }
0x73: {  	[sflag:s0] =	ssyncadd.s32 $0xFFFFC000  }
0x74: {  	[spmem:s1] =	stream.indirect.scatter.add.f32 [tilespmem:s26], [sflag:$0xB], $0x80, s24, s21, $0xb8;
	[tilespmem:$0x1FE80] =	vst v63  }
0x75: {  	_ =	swait.ge [sflag:s15], $0x4000  }
0x76: {  	[sflag:s15] =	ssyncset.done $0x0  }
0x77: {  	[sflag:s15] =	ssyncadd.s32 $0xFFFFC000  }
0x78: {  	[spmem:s1] =	stream.indirect.scatter.add.f32 [tilespmem:s29], [sflag:$0xC], $0x80, s16, s21, $0xb8;
	[tilespmem:$0x1FE80] =	vst v63  }
0x79: {  	s17 =	sadd.s32 $0x600, s5  }
0x7a: {  	[tilespmem:s22], [sflag:$0x4] =	stream.linear.gather [hbm4b:s17+s2], $0x80, $0x38;
	[tilespmem:$0x1FE80] =	vst v63  }
0x7b: {  	s4 =	simm.s32 $0x480;
	s20 =	sadd.s32 $0x600, s7  }
0x7c: {  	[tilespmem:s4], [sflag:$0x4] =	stream.linear.gather [hbm4b:s20+s2], $0x80, $0x38;
	[tilespmem:$0x1FE80] =	vst v63  }
0x7d: {  	s6 =	simm.s32 $0x200;
	s8 =	sadd.s32 $0x800, s5  }
0x7e: {  	[tilespmem:s6], [sflag:$0x5] =	stream.linear.gather [hbm4b:s8+s2], $0x80, $0x38;
	[tilespmem:$0x1FE80] =	vst v63  }
0x7f: {  	s16 =	sadd.s32 $0x800, s7;
	s17 =	simm.s32 $0x500  }
0x80: {  	[tilespmem:s17], [sflag:$0x5] =	stream.linear.gather [hbm4b:s16+s2], $0x80, $0x38;
	[tilespmem:$0x1FE80] =	vst v63  }
0x81: {  	s5 =	sadd.s32 $0xA00, s5  }
0x82: {  	[tilespmem:s18], [sflag:$0x6] =	stream.linear.gather [hbm4b:s5+s2], $0x80, $0x38;
	[tilespmem:$0x1FE80] =	vst v63  }
0x83: {  	s20 =	sadd.s32 $0xA00, s7;
	s16 =	simm.s32 $0x580  }
0x84: {  	[tilespmem:s16], [sflag:$0x6] =	stream.linear.gather [hbm4b:s20+s2], $0x80, $0x38;
	[tilespmem:$0x1FE80] =	vst v63  }
0x85: {  	_ =	swait.ge [sflag:s9], $0x80  }
0x86: {  	[sflag:s9] =	ssyncset.done $0x0  }
0x87: {  	[sflag:s9] =	ssyncadd.s32 $0xFFFFFF80  }
0x88: {  	_ =	swait.ge [sflag:s9], $0x80  }
0x89: {  	[sflag:s9] =	ssyncset.done $0x0  }
0x8a: {  	[sflag:s9] =	ssyncadd.s32 $0xFFFFFF80  }
0x8b: {  	_ =	swait.ge [sflag:s10], $0x4000  }
0x8c: {  	[sflag:s10] =	ssyncset.done $0x0  }
0x8d: {  	[sflag:s10] =	ssyncadd.s32 $0xFFFFC000  }
0x8e: {  	[tilespmem:s31], [sflag:$0x7] =	stream.indirect.gather [hbm4b:s3+s21], $0x80, s22, s21, $0xb8;
	[tilespmem:$0x1FE80] =	vst v63  }
0x8f: {  	_ =	swait.ge [sflag:s11], $0x80  }
0x90: {  	[sflag:s11] =	ssyncset.done $0x0  }
0x91: {  	[sflag:s11] =	ssyncadd.s32 $0xFFFFFF80  }
0x92: {  	_ =	swait.ge [sflag:s11], $0x80  }
0x93: {  	[sflag:s11] =	ssyncset.done $0x0  }
0x94: {  	[sflag:s11] =	ssyncadd.s32 $0xFFFFFF80  }
0x95: {  	_ =	swait.ge [sflag:s12], $0x4000  }
0x96: {  	[sflag:s12] =	ssyncset.done $0x0  }
0x97: {  	[sflag:s12] =	ssyncadd.s32 $0xFFFFC000  }
0x98: {  	[tilespmem:s26], [sflag:$0x8] =	stream.indirect.gather [hbm4b:s3+s21], $0x80, s6, s21, $0xb8;
	[tilespmem:$0x1FE80] =	vst v63  }
0x99: {  	_ =	swait.ge [sflag:s13], $0x80  }
0x9a: {  	[sflag:s13] =	ssyncset.done $0x0  }
0x9b: {  	[sflag:s13] =	ssyncadd.s32 $0xFFFFFF80  }
0x9c: {  	_ =	swait.ge [sflag:s13], $0x80  }
0x9d: {  	[sflag:s13] =	ssyncset.done $0x0  }
0x9e: {  	[sflag:s13] =	ssyncadd.s32 $0xFFFFFF80  }
0x9f: {  	_ =	swait.ge [sflag:s14], $0x4000  }
0xa0: {  	[sflag:s14] =	ssyncset.done $0x0  }
0xa1: {  	[sflag:s14] =	ssyncadd.s32 $0xFFFFC000  }
0xa2: {  	[tilespmem:s29], [sflag:$0x9] =	stream.indirect.gather [hbm4b:s3+s21], $0x80, s18, s21, $0xb8;
	[tilespmem:$0x1FE80] =	vst v63  }
0xa3: {  	_ =	swait.ge [sflag:s30], $0x4000  }
0xa4: {  	[sflag:s30] =	ssyncset.done $0x0  }
0xa5: {  	[sflag:s30] =	ssyncadd.s32 $0xFFFFC000  }
0xa6: {  	[spmem:s1] =	stream.indirect.scatter.add.f32 [tilespmem:s31], [sflag:$0xA], $0x80, s4, s21, $0xb8;
	[tilespmem:$0x1FE80] =	vst v63  }
0xa7: {  	_ =	swait.ge [sflag:s0], $0x4000  }
0xa8: {  	[sflag:s0] =	ssyncset.done $0x0  }
0xa9: {  	[sflag:s0] =	ssyncadd.s32 $0xFFFFC000  }
0xaa: {  	[spmem:s1] =	stream.indirect.scatter.add.f32 [tilespmem:s26], [sflag:$0xB], $0x80, s17, s21, $0xb8;
	[tilespmem:$0x1FE80] =	vst v63  }
0xab: {  	s19 =	simm.s32 $0xC00;
	_ =	swait.ge [sflag:s15], $0x4000  }
0xac: {  	s7 =	simm.s32 $0x1800;
	s5 =	rddreg [dreg:$0x4];
	[sflag:s15] =	ssyncset.done $0x0  }
.LBB2_2:
0xad: {  	[sflag:s15] =	ssyncadd.s32 $0xFFFFC000  }
0xae: {  	[spmem:s1] =	stream.indirect.scatter.add.f32 [tilespmem:s29], [sflag:$0xC], $0x80, s16, s21, $0xb8;
	[tilespmem:$0x1FE80] =	vst v63  }
0xaf: {  	s20 =	rddreg [dreg:$0x3];
	s5 =	sadd.s32 s19, s5  }
0xb0: {  	[tilespmem:s2], [sflag:$0x1] =	stream.linear.gather [hbm4b:s5+s2], $0x80, $0x38;
	[tilespmem:$0x1FE80] =	vst v63  }
0xb1: {  	s20 =	sadd.s32 s19, s20  }
0xb2: {  	[tilespmem:s23], [sflag:$0x1] =	stream.linear.gather [hbm4b:s20+s2], $0x80, $0x38;
	[tilespmem:$0x1FE80] =	vst v63  }
0xb3: {  	s16 =	sadd.s32 $0x200, s5  }
0xb4: {  	[tilespmem:s21], [sflag:$0x2] =	stream.linear.gather [hbm4b:s16+s2], $0x80, $0x38;
	[tilespmem:$0x1FE80] =	vst v63  }
0xb5: {  	s17 =	sadd.s32 $0x200, s20  }
0xb6: {  	[tilespmem:s24], [sflag:$0x2] =	stream.linear.gather [hbm4b:s17+s2], $0x80, $0x38;
	[tilespmem:$0x1FE80] =	vst v63  }
0xb7: {  	s8 =	simm.s32 $0x100;
	s24 =	sadd.s32 $0x400, s5  }
0xb8: {  	[tilespmem:s8], [sflag:$0x3] =	stream.linear.gather [hbm4b:s24+s2], $0x80, $0x38;
	[tilespmem:$0x1FE80] =	vst v63  }
0xb9: {  	s16 =	sadd.s32 $0x400, s20;
	s17 =	simm.s32 $0x400  }
0xba: {  	[tilespmem:s17], [sflag:$0x3] =	stream.linear.gather [hbm4b:s16+s2], $0x80, $0x38;
	[tilespmem:$0x1FE80] =	vst v63  }
0xbb: {  	_ =	swait.ge [sflag:s25], $0x80  }
0xbc: {  	[sflag:s25] =	ssyncset.done $0x0  }
0xbd: {  	s22 =	smov.u32 s7;
	[sflag:s25] =	ssyncadd.s32 $0xFFFFFF80  }
0xbe: {  	p3 =	seq.s32 s19, $0x0;
	s19 =	smov.u32 s22;
	_ =	swait.ge [sflag:s25], $0x80  }
0xbf: {  	s22 =	simm.s32 @p3 $0x80;
	s23 =	simm.s32 @p3 $0x0;
	[sflag:s25] =	ssyncset.done $0x0  }
0xc0: {  	s24 =	simm.s32 @p3 $0x600;
	s16 =	simm.s32 @p3 $0x2;
	[sflag:s25] =	ssyncadd.s32 $0xFFFFFF80  }
0xc1: {  	[tilespmem:s24], [sflag:$0x7] =	stream.indirect.gather @p3 [hbm4b:s3+s22], $0x80, s23, s22, $0xb8;
	[tilespmem:$0x1FE80] =	vst v63  }
0xc2: {  	_ =	swait.ge @p3 [sflag:s16], $0x80  }
0xc3: {  	[sflag:s16] =	ssyncset.done @p3 $0x0  }
0xc4: {  	[sflag:s16] =	ssyncadd.s32 @p3 $0xFFFFFF80  }
0xc5: {  	_ =	swait.ge @p3 [sflag:s16], $0x80  }
0xc6: {  	[sflag:s16] =	ssyncset.done @p3 $0x0  }
0xc7: {  	s22 =	simm.s32 @!p3 $0xA;
	[sflag:s16] =	ssyncadd.s32 @p3 $0xFFFFFF80  }
0xc8: {  	_ =	swait.ge @!p3 [sflag:s22], $0x4000  }
0xc9: {  	s23 =	simm.s32 @!p3 $0x80;
	s24 =	simm.s32 @!p3 $0x0;
	[sflag:s22] =	ssyncset.done @!p3 $0x0  }
0xca: {  	s16 =	simm.s32 @!p3 $0x600;
	[sflag:s22] =	ssyncadd.s32 @!p3 $0xFFFFC000;
	s22 =	simm.s32 @!p3 $0x2  }
0xcb: {  	[tilespmem:s16], [sflag:$0x7] =	stream.indirect.gather @!p3 [hbm4b:s3+s23], $0x80, s24, s23, $0xb8;
	[tilespmem:$0x1FE80] =	vst v63  }
0xcc: {  	_ =	swait.ge @!p3 [sflag:s22], $0x80  }
0xcd: {  	[sflag:s22] =	ssyncset.done @!p3 $0x0  }
0xce: {  	[sflag:s22] =	ssyncadd.s32 @!p3 $0xFFFFFF80  }
0xcf: {  	_ =	swait.ge @!p3 [sflag:s22], $0x80  }
0xd0: {  	[sflag:s22] =	ssyncset.done @!p3 $0x0  }
0xd1: {  	s16 =	simm.s32 @!p3 $0xB;
	[sflag:s22] =	ssyncadd.s32 @!p3 $0xFFFFFF80  }
0xd2: {  	_ =	swait.ge @!p3 [sflag:s16], $0x4000  }
0xd3: {  	[sflag:s16] =	ssyncset.done @!p3 $0x0  }
0xd4: {  	[sflag:s16] =	ssyncadd.s32 @!p3 $0xFFFFC000  }
0xd5: {  	[tilespmem:s26], [sflag:$0x8] =	stream.indirect.gather [hbm4b:s3+s21], $0x80, s21, s21, $0xb8;
	[tilespmem:$0x1FE80] =	vst v63  }
0xd6: {  	_ =	swait.ge [sflag:s28], $0x80  }
0xd7: {  	[sflag:s28] =	ssyncset.done $0x0  }
0xd8: {  	[sflag:s28] =	ssyncadd.s32 $0xFFFFFF80  }
0xd9: {  	_ =	swait.ge [sflag:s28], $0x80  }
0xda: {  	[sflag:s28] =	ssyncset.done $0x0  }
0xdb: {  	s16 =	simm.s32 @!p3 $0xC;
	[sflag:s28] =	ssyncadd.s32 $0xFFFFFF80  }
0xdc: {  	_ =	swait.ge @!p3 [sflag:s16], $0x4000  }
0xdd: {  	[sflag:s16] =	ssyncset.done @!p3 $0x0  }
0xde: {  	[sflag:s16] =	ssyncadd.s32 @!p3 $0xFFFFC000  }
0xdf: {  	[tilespmem:s29], [sflag:$0x9] =	stream.indirect.gather [hbm4b:s3+s21], $0x80, s8, s21, $0xb8;
	[tilespmem:$0x1FE80] =	vst v63  }
0xe0: {  	_ =	swait.ge [sflag:s30], $0x4000  }
0xe1: {  	[sflag:s30] =	ssyncset.done $0x0  }
0xe2: {  	s23 =	simm.s32 $0x300;
	[sflag:s30] =	ssyncadd.s32 $0xFFFFC000  }
0xe3: {  	[spmem:s1] =	stream.indirect.scatter.add.f32 [tilespmem:s31], [sflag:$0xA], $0x80, s23, s21, $0xb8;
	[tilespmem:$0x1FE80] =	vst v63  }
0xe4: {  	_ =	swait.ge [sflag:s0], $0x4000  }
0xe5: {  	[sflag:s0] =	ssyncset.done $0x0  }
0xe6: {  	s24 =	simm.s32 $0x380;
	[sflag:s0] =	ssyncadd.s32 $0xFFFFC000  }
0xe7: {  	[spmem:s1] =	stream.indirect.scatter.add.f32 [tilespmem:s26], [sflag:$0xB], $0x80, s24, s21, $0xb8;
	[tilespmem:$0x1FE80] =	vst v63  }
0xe8: {  	_ =	swait.ge [sflag:s15], $0x4000  }
0xe9: {  	[sflag:s15] =	ssyncset.done $0x0  }
0xea: {  	[sflag:s15] =	ssyncadd.s32 $0xFFFFC000  }
0xeb: {  	[spmem:s1] =	stream.indirect.scatter.add.f32 [tilespmem:s29], [sflag:$0xC], $0x80, s17, s21, $0xb8;
	[tilespmem:$0x1FE80] =	vst v63  }
0xec: {  	s22 =	simm.s32 $0x180;
	s17 =	sadd.s32 $0x600, s5  }
0xed: {  	[tilespmem:s22], [sflag:$0x4] =	stream.linear.gather [hbm4b:s17+s2], $0x80, $0x38;
	[tilespmem:$0x1FE80] =	vst v63  }
0xee: {  	s8 =	sadd.s32 $0x600, s20  }
0xef: {  	[tilespmem:s4], [sflag:$0x4] =	stream.linear.gather [hbm4b:s8+s2], $0x80, $0x38;
	[tilespmem:$0x1FE80] =	vst v63  }
0xf0: {  	s17 =	sadd.s32 $0x800, s5  }
0xf1: {  	[tilespmem:s6], [sflag:$0x5] =	stream.linear.gather [hbm4b:s17+s2], $0x80, $0x38;
	[tilespmem:$0x1FE80] =	vst v63  }
0xf2: {  	s8 =	sadd.s32 $0x800, s20;
	s17 =	simm.s32 $0x500  }
0xf3: {  	[tilespmem:s17], [sflag:$0x5] =	stream.linear.gather [hbm4b:s8+s2], $0x80, $0x38;
	[tilespmem:$0x1FE80] =	vst v63  }
0xf4: {  	s5 =	sadd.s32 $0xA00, s5  }
0xf5: {  	[tilespmem:s18], [sflag:$0x6] =	stream.linear.gather [hbm4b:s5+s2], $0x80, $0x38;
	[tilespmem:$0x1FE80] =	vst v63  }
0xf6: {  	s16 =	simm.s32 $0x580;
	s20 =	sadd.s32 $0xA00, s20  }
0xf7: {  	[tilespmem:s16], [sflag:$0x6] =	stream.linear.gather [hbm4b:s20+s2], $0x80, $0x38;
	[tilespmem:$0x1FE80] =	vst v63  }
0xf8: {  	_ =	swait.ge [sflag:s9], $0x80  }
0xf9: {  	[sflag:s9] =	ssyncset.done $0x0  }
0xfa: {  	[sflag:s9] =	ssyncadd.s32 $0xFFFFFF80  }
0xfb: {  	_ =	swait.ge [sflag:s9], $0x80  }
0xfc: {  	[sflag:s9] =	ssyncset.done $0x0  }
0xfd: {  	[sflag:s9] =	ssyncadd.s32 $0xFFFFFF80  }
0xfe: {  	_ =	swait.ge [sflag:s10], $0x4000  }
0xff: {  	[sflag:s10] =	ssyncset.done $0x0  }
0x100: {  	[sflag:s10] =	ssyncadd.s32 $0xFFFFC000  }
0x101: {  	[tilespmem:s31], [sflag:$0x7] =	stream.indirect.gather [hbm4b:s3+s21], $0x80, s22, s21, $0xb8;
	[tilespmem:$0x1FE80] =	vst v63  }
0x102: {  	_ =	swait.ge [sflag:s11], $0x80  }
0x103: {  	[sflag:s11] =	ssyncset.done $0x0  }
0x104: {  	[sflag:s11] =	ssyncadd.s32 $0xFFFFFF80  }
0x105: {  	_ =	swait.ge [sflag:s11], $0x80  }
0x106: {  	[sflag:s11] =	ssyncset.done $0x0  }
0x107: {  	[sflag:s11] =	ssyncadd.s32 $0xFFFFFF80  }
0x108: {  	_ =	swait.ge [sflag:s12], $0x4000  }
0x109: {  	[sflag:s12] =	ssyncset.done $0x0  }
0x10a: {  	[sflag:s12] =	ssyncadd.s32 $0xFFFFC000  }
0x10b: {  	[tilespmem:s26], [sflag:$0x8] =	stream.indirect.gather [hbm4b:s3+s21], $0x80, s6, s21, $0xb8;
	[tilespmem:$0x1FE80] =	vst v63  }
0x10c: {  	_ =	swait.ge [sflag:s13], $0x80  }
0x10d: {  	[sflag:s13] =	ssyncset.done $0x0  }
0x10e: {  	[sflag:s13] =	ssyncadd.s32 $0xFFFFFF80  }
0x10f: {  	_ =	swait.ge [sflag:s13], $0x80  }
0x110: {  	[sflag:s13] =	ssyncset.done $0x0  }
0x111: {  	[sflag:s13] =	ssyncadd.s32 $0xFFFFFF80  }
0x112: {  	_ =	swait.ge [sflag:s14], $0x4000  }
0x113: {  	[sflag:s14] =	ssyncset.done $0x0  }
0x114: {  	[sflag:s14] =	ssyncadd.s32 $0xFFFFC000  }
0x115: {  	[tilespmem:s29], [sflag:$0x9] =	stream.indirect.gather [hbm4b:s3+s21], $0x80, s18, s21, $0xb8;
	[tilespmem:$0x1FE80] =	vst v63  }
0x116: {  	_ =	swait.ge [sflag:s30], $0x4000  }
0x117: {  	[sflag:s30] =	ssyncset.done $0x0  }
0x118: {  	s7 =	sadd.s32 $0xC00, s7;
	[sflag:s30] =	ssyncadd.s32 $0xFFFFC000  }
0x119: {  	[spmem:s1] =	stream.indirect.scatter.add.f32 [tilespmem:s31], [sflag:$0xA], $0x80, s4, s21, $0xb8;
	[tilespmem:$0x1FE80] =	vst v63  }
0x11a: {  	p2 =	sne.s32 s7, $0x4800;
	_ =	swait.ge [sflag:s0], $0x4000  }
.Ltmp2:
0x11b: {  	[sflag:s0] =	ssyncset.done $0x0;
	(pc) =	sbr.rel @p2 .LBB2_2-.Ltmp2, $4  }
0x11c: {  	[sflag:s0] =	ssyncadd.s32 $0xFFFFC000  }
0x11d: {  	[spmem:s1] =	stream.indirect.scatter.add.f32 [tilespmem:s26], [sflag:$0xB], $0x80, s17, s21, $0xb8;
	[tilespmem:$0x1FE80] =	vst v63  }
0x11e: {  	_ =	swait.ge [sflag:s15], $0x4000  }
0x11f: {  	s5 =	rddreg [dreg:$0x4];
	[sflag:s15] =	ssyncset.done $0x0  }
0x120: {  	[sflag:s15] =	ssyncadd.s32 $0xFFFFC000  }
0x121: {  	[spmem:s1] =	stream.indirect.scatter.add.f32 [tilespmem:s29], [sflag:$0xC], $0x80, s16, s21, $0xb8;
	[tilespmem:$0x1FE80] =	vst v63  }
0x122: {  	s7 =	rddreg [dreg:$0x3];
	s5 =	sadd.s32 s19, s5  }
0x123: {  	[tilespmem:s2], [sflag:$0x1] =	stream.linear.gather [hbm4b:s5+s2], $0x80, $0x38;
	[tilespmem:$0x1FE80] =	vst v63  }
0x124: {  	s7 =	sadd.s32 s19, s7  }
0x125: {  	[tilespmem:s23], [sflag:$0x1] =	stream.linear.gather [hbm4b:s7+s2], $0x80, $0x38;
	[tilespmem:$0x1FE80] =	vst v63  }
0x126: {  	s17 =	sadd.s32 $0x200, s5  }
0x127: {  	[tilespmem:s21], [sflag:$0x2] =	stream.linear.gather [hbm4b:s17+s2], $0x80, $0x38;
	[tilespmem:$0x1FE80] =	vst v63  }
0x128: {  	s20 =	sadd.s32 $0x200, s7  }
0x129: {  	[tilespmem:s24], [sflag:$0x2] =	stream.linear.gather [hbm4b:s20+s2], $0x80, $0x38;
	[tilespmem:$0x1FE80] =	vst v63  }
0x12a: {  	s8 =	sadd.s32 $0x400, s5;
	s17 =	simm.s32 $0x100  }
0x12b: {  	[tilespmem:s17], [sflag:$0x3] =	stream.linear.gather [hbm4b:s8+s2], $0x80, $0x38;
	[tilespmem:$0x1FE80] =	vst v63  }
0x12c: {  	s20 =	sadd.s32 $0x400, s7;
	s8 =	simm.s32 $0x400  }
0x12d: {  	[tilespmem:s8], [sflag:$0x3] =	stream.linear.gather [hbm4b:s20+s2], $0x80, $0x38;
	[tilespmem:$0x1FE80] =	vst v63  }
0x12e: {  	_ =	swait.ge [sflag:s25], $0x80  }
0x12f: {  	[sflag:s25] =	ssyncset.done $0x0  }
0x130: {  	[sflag:s25] =	ssyncadd.s32 $0xFFFFFF80  }
0x131: {  	p2 =	seq.s32 s19, $0x0;
	_ =	swait.ge [sflag:s25], $0x80  }
0x132: {  	s16 =	simm.s32 @p2 $0x80;
	[sflag:s25] =	ssyncset.done $0x0  }
0x133: {  	s19 =	simm.s32 @p2 $0x0;
	s20 =	simm.s32 @p2 $0x600;
	[sflag:s25] =	ssyncadd.s32 $0xFFFFFF80  }
0x134: {  	[tilespmem:s20], [sflag:$0x7] =	stream.indirect.gather @p2 [hbm4b:s3+s16], $0x80, s19, s16, $0xb8;
	[tilespmem:$0x1FE80] =	vst v63  }
0x135: {  	s16 =	simm.s32 @p2 $0x2  }
0x136: {  	_ =	swait.ge @p2 [sflag:s16], $0x80  }
0x137: {  	[sflag:s16] =	ssyncset.done @p2 $0x0  }
0x138: {  	[sflag:s16] =	ssyncadd.s32 @p2 $0xFFFFFF80  }
0x139: {  	_ =	swait.ge @p2 [sflag:s16], $0x80  }
0x13a: {  	[sflag:s16] =	ssyncset.done @p2 $0x0  }
0x13b: {  	s19 =	simm.s32 @!p2 $0xA;
	[sflag:s16] =	ssyncadd.s32 @p2 $0xFFFFFF80  }
0x13c: {  	_ =	swait.ge @!p2 [sflag:s19], $0x4000  }
0x13d: {  	s20 =	simm.s32 @!p2 $0x80;
	[sflag:s19] =	ssyncset.done @!p2 $0x0  }
0x13e: {  	s16 =	simm.s32 @!p2 $0x600;
	[sflag:s19] =	ssyncadd.s32 @!p2 $0xFFFFC000;
	s19 =	simm.s32 @!p2 $0x0  }
0x13f: {  	[tilespmem:s16], [sflag:$0x7] =	stream.indirect.gather @!p2 [hbm4b:s3+s20], $0x80, s19, s20, $0xb8;
	[tilespmem:$0x1FE80] =	vst v63  }
0x140: {  	s16 =	simm.s32 @!p2 $0x2  }
0x141: {  	_ =	swait.ge @!p2 [sflag:s16], $0x80  }
0x142: {  	[sflag:s16] =	ssyncset.done @!p2 $0x0  }
0x143: {  	[sflag:s16] =	ssyncadd.s32 @!p2 $0xFFFFFF80  }
0x144: {  	_ =	swait.ge @!p2 [sflag:s16], $0x80  }
0x145: {  	[sflag:s16] =	ssyncset.done @!p2 $0x0  }
0x146: {  	[sflag:s16] =	ssyncadd.s32 @!p2 $0xFFFFFF80;
	s16 =	simm.s32 @!p2 $0xB  }
0x147: {  	_ =	swait.ge @!p2 [sflag:s16], $0x4000  }
0x148: {  	[sflag:s16] =	ssyncset.done @!p2 $0x0  }
0x149: {  	[sflag:s16] =	ssyncadd.s32 @!p2 $0xFFFFC000  }
0x14a: {  	[tilespmem:s26], [sflag:$0x8] =	stream.indirect.gather [hbm4b:s3+s21], $0x80, s21, s21, $0xb8;
	[tilespmem:$0x1FE80] =	vst v63  }
0x14b: {  	_ =	swait.ge [sflag:s28], $0x80  }
0x14c: {  	[sflag:s28] =	ssyncset.done $0x0  }
0x14d: {  	[sflag:s28] =	ssyncadd.s32 $0xFFFFFF80  }
0x14e: {  	_ =	swait.ge [sflag:s28], $0x80  }
0x14f: {  	[sflag:s28] =	ssyncset.done $0x0  }
0x150: {  	s16 =	simm.s32 @!p2 $0xC;
	[sflag:s28] =	ssyncadd.s32 $0xFFFFFF80  }
0x151: {  	_ =	swait.ge @!p2 [sflag:s16], $0x4000  }
0x152: {  	[sflag:s16] =	ssyncset.done @!p2 $0x0  }
0x153: {  	[sflag:s16] =	ssyncadd.s32 @!p2 $0xFFFFC000  }
0x154: {  	[tilespmem:s29], [sflag:$0x9] =	stream.indirect.gather [hbm4b:s3+s21], $0x80, s17, s21, $0xb8;
	[tilespmem:$0x1FE80] =	vst v63  }
0x155: {  	_ =	swait.ge [sflag:s30], $0x4000  }
0x156: {  	[sflag:s30] =	ssyncset.done $0x0  }
0x157: {  	[sflag:s30] =	ssyncadd.s32 $0xFFFFC000  }
0x158: {  	[spmem:s1] =	stream.indirect.scatter.add.f32 [tilespmem:s31], [sflag:$0xA], $0x80, s23, s21, $0xb8;
	[tilespmem:$0x1FE80] =	vst v63  }
0x159: {  	_ =	swait.ge [sflag:s0], $0x4000  }
0x15a: {  	[sflag:s0] =	ssyncset.done $0x0  }
0x15b: {  	[sflag:s0] =	ssyncadd.s32 $0xFFFFC000  }
0x15c: {  	[spmem:s1] =	stream.indirect.scatter.add.f32 [tilespmem:s26], [sflag:$0xB], $0x80, s24, s21, $0xb8;
	[tilespmem:$0x1FE80] =	vst v63  }
0x15d: {  	_ =	swait.ge [sflag:s15], $0x4000  }
0x15e: {  	[sflag:s15] =	ssyncset.done $0x0  }
0x15f: {  	s19 =	simm.s32 $0x400;
	[sflag:s15] =	ssyncadd.s32 $0xFFFFC000  }
0x160: {  	[spmem:s1] =	stream.indirect.scatter.add.f32 [tilespmem:s29], [sflag:$0xC], $0x80, s19, s21, $0xb8;
	[tilespmem:$0x1FE80] =	vst v63  }
0x161: {  	s8 =	sadd.s32 $0x600, s5  }
0x162: {  	[tilespmem:s22], [sflag:$0x4] =	stream.linear.gather [hbm4b:s8+s2], $0x80, $0x38;
	[tilespmem:$0x1FE80] =	vst v63  }
0x163: {  	s20 =	sadd.s32 $0x600, s7  }
0x164: {  	[tilespmem:s4], [sflag:$0x4] =	stream.linear.gather [hbm4b:s20+s2], $0x80, $0x38;
	[tilespmem:$0x1FE80] =	vst v63  }
0x165: {  	s8 =	sadd.s32 $0x800, s5  }
0x166: {  	[tilespmem:s6], [sflag:$0x5] =	stream.linear.gather [hbm4b:s8+s2], $0x80, $0x38;
	[tilespmem:$0x1FE80] =	vst v63  }
0x167: {  	s20 =	sadd.s32 $0x800, s7;
	s8 =	simm.s32 $0x500  }
0x168: {  	[tilespmem:s8], [sflag:$0x5] =	stream.linear.gather [hbm4b:s20+s2], $0x80, $0x38;
	[tilespmem:$0x1FE80] =	vst v63  }
0x169: {  	s5 =	sadd.s32 $0xA00, s5  }
0x16a: {  	[tilespmem:s18], [sflag:$0x6] =	stream.linear.gather [hbm4b:s5+s2], $0x80, $0x38;
	[tilespmem:$0x1FE80] =	vst v63  }
0x16b: {  	s7 =	sadd.s32 $0xA00, s7;
	s20 =	simm.s32 $0x580  }
0x16c: {  	[tilespmem:s20], [sflag:$0x6] =	stream.linear.gather [hbm4b:s7+s2], $0x80, $0x38;
	[tilespmem:$0x1FE80] =	vst v63  }
0x16d: {  	_ =	swait.ge [sflag:s9], $0x80  }
0x16e: {  	[sflag:s9] =	ssyncset.done $0x0  }
0x16f: {  	[sflag:s9] =	ssyncadd.s32 $0xFFFFFF80  }
0x170: {  	_ =	swait.ge [sflag:s9], $0x80  }
0x171: {  	[sflag:s9] =	ssyncset.done $0x0  }
0x172: {  	[sflag:s9] =	ssyncadd.s32 $0xFFFFFF80  }
0x173: {  	_ =	swait.ge [sflag:s10], $0x4000  }
0x174: {  	[sflag:s10] =	ssyncset.done $0x0  }
0x175: {  	[sflag:s10] =	ssyncadd.s32 $0xFFFFC000  }
0x176: {  	[tilespmem:s31], [sflag:$0x7] =	stream.indirect.gather [hbm4b:s3+s21], $0x80, s22, s21, $0xb8;
	[tilespmem:$0x1FE80] =	vst v63  }
0x177: {  	_ =	swait.ge [sflag:s11], $0x80  }
0x178: {  	[sflag:s11] =	ssyncset.done $0x0  }
0x179: {  	[sflag:s11] =	ssyncadd.s32 $0xFFFFFF80  }
0x17a: {  	_ =	swait.ge [sflag:s11], $0x80  }
0x17b: {  	[sflag:s11] =	ssyncset.done $0x0  }
0x17c: {  	[sflag:s11] =	ssyncadd.s32 $0xFFFFFF80  }
0x17d: {  	_ =	swait.ge [sflag:s12], $0x4000  }
0x17e: {  	[sflag:s12] =	ssyncset.done $0x0  }
0x17f: {  	[sflag:s12] =	ssyncadd.s32 $0xFFFFC000  }
0x180: {  	[tilespmem:s26], [sflag:$0x8] =	stream.indirect.gather [hbm4b:s3+s21], $0x80, s6, s21, $0xb8;
	[tilespmem:$0x1FE80] =	vst v63  }
0x181: {  	_ =	swait.ge [sflag:s13], $0x80  }
0x182: {  	[sflag:s13] =	ssyncset.done $0x0  }
0x183: {  	[sflag:s13] =	ssyncadd.s32 $0xFFFFFF80  }
0x184: {  	_ =	swait.ge [sflag:s13], $0x80  }
0x185: {  	[sflag:s13] =	ssyncset.done $0x0  }
0x186: {  	[sflag:s13] =	ssyncadd.s32 $0xFFFFFF80  }
0x187: {  	_ =	swait.ge [sflag:s14], $0x4000  }
0x188: {  	[sflag:s14] =	ssyncset.done $0x0  }
0x189: {  	[sflag:s14] =	ssyncadd.s32 $0xFFFFC000  }
0x18a: {  	[tilespmem:s29], [sflag:$0x9] =	stream.indirect.gather [hbm4b:s3+s21], $0x80, s18, s21, $0xb8;
	[tilespmem:$0x1FE80] =	vst v63  }
0x18b: {  	_ =	swait.ge [sflag:s30], $0x4000  }
0x18c: {  	[sflag:s30] =	ssyncset.done $0x0  }
0x18d: {  	[sflag:s30] =	ssyncadd.s32 $0xFFFFC000  }
0x18e: {  	[spmem:s1] =	stream.indirect.scatter.add.f32 [tilespmem:s31], [sflag:$0xA], $0x80, s4, s21, $0xb8;
	[tilespmem:$0x1FE80] =	vst v63  }
0x18f: {  	_ =	swait.ge [sflag:s0], $0x4000  }
0x190: {  	[sflag:s0] =	ssyncset.done $0x0  }
0x191: {  	[sflag:s0] =	ssyncadd.s32 $0xFFFFC000  }
0x192: {  	[spmem:s1] =	stream.indirect.scatter.add.f32 [tilespmem:s26], [sflag:$0xB], $0x80, s8, s21, $0xb8;
	[tilespmem:$0x1FE80] =	vst v63  }
0x193: {  	_ =	swait.ge [sflag:s15], $0x4000  }
0x194: {  	[sflag:s15] =	ssyncset.done $0x0  }
0x195: {  	[sflag:s15] =	ssyncadd.s32 $0xFFFFC000  }
0x196: {  	[spmem:s1] =	stream.indirect.scatter.add.f32 [tilespmem:s29], [sflag:$0xC], $0x80, s20, s21, $0xb8;
	[tilespmem:$0x1FE80] =	vst v63  }
0x197: {  	s20 =	rddreg [dreg:$0x9]  }
0x198: {  	[tilespmem:s2], [sflag:$0x1] =	stream.linear.gather [hbm4b:s20+s2], $0x80, $0x38;
	[tilespmem:$0x1FE80] =	vst v63  }
0x199: {  	s4 =	rddreg [dreg:$0xa]  }
0x19a: {  	[tilespmem:s23], [sflag:$0x1] =	stream.linear.gather [hbm4b:s4+s2], $0x80, $0x38;
	[tilespmem:$0x1FE80] =	vst v63  }
0x19b: {  	s6 =	rddreg [dreg:$0xb]  }
0x19c: {  	[tilespmem:s21], [sflag:$0x2] =	stream.linear.gather [hbm4b:s6+s2], $0x80, $0x38;
	[tilespmem:$0x1FE80] =	vst v63  }
0x19d: {  	s7 =	rddreg [dreg:$0xc]  }
0x19e: {  	[tilespmem:s24], [sflag:$0x2] =	stream.linear.gather [hbm4b:s7+s2], $0x80, $0x38;
	[tilespmem:$0x1FE80] =	vst v63  }
0x19f: {  	s8 =	rddreg [dreg:$0xd]  }
0x1a0: {  	[tilespmem:s17], [sflag:$0x3] =	stream.linear.gather [hbm4b:s8+s2], $0x80, $0x38;
	[tilespmem:$0x1FE80] =	vst v63  }
0x1a1: {  	s16 =	rddreg [dreg:$0xe]  }
0x1a2: {  	[tilespmem:s19], [sflag:$0x3] =	stream.linear.gather [hbm4b:s16+s2], $0x80, $0x38;
	[tilespmem:$0x1FE80] =	vst v63  }
0x1a3: {  	_ =	swait.ge [sflag:s25], $0x80  }
0x1a4: {  	[sflag:s25] =	ssyncset.done $0x0  }
0x1a5: {  	[sflag:s25] =	ssyncadd.s32 $0xFFFFFF80  }
0x1a6: {  	_ =	swait.ge [sflag:s25], $0x80  }
0x1a7: {  	[sflag:s25] =	ssyncset.done $0x0  }
0x1a8: {  	[sflag:s25] =	ssyncadd.s32 $0xFFFFFF80  }
0x1a9: {  	_ =	swait.ge [sflag:s10], $0x4000  }
0x1aa: {  	[sflag:s10] =	ssyncset.done $0x0  }
0x1ab: {  	s20 =	simm.s32 $0x2;
	[sflag:s10] =	ssyncadd.s32 $0xFFFFC000  }
0x1ac: {  	[tilespmem:s31], [sflag:$0x7] =	stream.indirect.gather [hbm4b:s3+s21], $0x80, s2, s21, $0xb8;
	[tilespmem:$0x1FE80] =	vst v63  }
0x1ad: {  	_ =	swait.ge [sflag:s20], $0x80  }
0x1ae: {  	[sflag:s20] =	ssyncset.done $0x0  }
0x1af: {  	[sflag:s20] =	ssyncadd.s32 $0xFFFFFF80  }
0x1b0: {  	_ =	swait.ge [sflag:s20], $0x80  }
0x1b1: {  	[sflag:s20] =	ssyncset.done $0x0  }
0x1b2: {  	[sflag:s20] =	ssyncadd.s32 $0xFFFFFF80  }
0x1b3: {  	_ =	swait.ge [sflag:s12], $0x4000  }
0x1b4: {  	[sflag:s12] =	ssyncset.done $0x0  }
0x1b5: {  	[sflag:s12] =	ssyncadd.s32 $0xFFFFC000  }
0x1b6: {  	[tilespmem:s26], [sflag:$0x8] =	stream.indirect.gather [hbm4b:s3+s21], $0x80, s21, s21, $0xb8;
	[tilespmem:$0x1FE80] =	vst v63  }
0x1b7: {  	_ =	swait.ge [sflag:s28], $0x80  }
0x1b8: {  	[sflag:s28] =	ssyncset.done $0x0  }
0x1b9: {  	[sflag:s28] =	ssyncadd.s32 $0xFFFFFF80  }
0x1ba: {  	_ =	swait.ge [sflag:s28], $0x80  }
0x1bb: {  	[sflag:s28] =	ssyncset.done $0x0  }
0x1bc: {  	[sflag:s28] =	ssyncadd.s32 $0xFFFFFF80  }
0x1bd: {  	_ =	swait.ge [sflag:s14], $0x4000  }
0x1be: {  	[sflag:s14] =	ssyncset.done $0x0  }
0x1bf: {  	[sflag:s14] =	ssyncadd.s32 $0xFFFFC000  }
0x1c0: {  	[tilespmem:s29], [sflag:$0x9] =	stream.indirect.gather [hbm4b:s3+s21], $0x80, s17, s21, $0xb8;
	[tilespmem:$0x1FE80] =	vst v63  }
0x1c1: {  	_ =	swait.ge [sflag:s30], $0x4000  }
0x1c2: {  	[sflag:s30] =	ssyncset.done $0x0  }
0x1c3: {  	[sflag:s30] =	ssyncadd.s32 $0xFFFFC000  }
0x1c4: {  	[spmem:s1] =	stream.indirect.scatter.add.f32 [tilespmem:s31], [sflag:$0xA], $0x80, s23, s21, $0xb8;
	[tilespmem:$0x1FE80] =	vst v63  }
0x1c5: {  	_ =	swait.ge [sflag:s0], $0x4000  }
0x1c6: {  	[sflag:s0] =	ssyncset.done $0x0  }
0x1c7: {  	[sflag:s0] =	ssyncadd.s32 $0xFFFFC000  }
0x1c8: {  	[spmem:s1] =	stream.indirect.scatter.add.f32 [tilespmem:s26], [sflag:$0xB], $0x80, s24, s21, $0xb8;
	[tilespmem:$0x1FE80] =	vst v63  }
0x1c9: {  	_ =	swait.ge [sflag:s15], $0x4000  }
0x1ca: {  	[sflag:s15] =	ssyncset.done $0x0  }
0x1cb: {  	s19 =	simm.s32 $0x400;
	[sflag:s15] =	ssyncadd.s32 $0xFFFFC000  }
0x1cc: {  	[spmem:s1] =	stream.indirect.scatter.add.f32 [tilespmem:s29], [sflag:$0xC], $0x80, s19, s21, $0xb8;
	[tilespmem:$0x1FE80] =	vst v63  }
0x1cd: {  	_ =	swait.ge [sflag:s10], $0x4000  }
0x1ce: {  	[sflag:s10] =	ssyncset.done $0x0  }
0x1cf: {  	[sflag:s10] =	ssyncadd.s32 $0xFFFFC000  }
0x1d0: {  	_ =	swait.ge [sflag:s12], $0x4000  }
.Ltmp3:
0x1d1: {  	[sflag:s12] =	ssyncset.done $0x0;
	(pc) =	sbr.rel @!p1 .LBB2_4-.Ltmp3, $4  }
0x1d2: {  	[sflag:s12] =	ssyncadd.s32 $0xFFFFC000  }
0x1d3: {  	_ =	swait.ge [sflag:s14], $0x4000  }
0x1d4: {  	[sflag:s14] =	ssyncset.done $0x0  }
0x1d5: {  	[sflag:s14] =	ssyncadd.s32 $0xFFFFC000  }
.Ltmp4:
0x1d6: {  	(pc) =	sbr.rel @p0 .LBB2_7-.Ltmp4, $4  }
.Ltmp5:
0x1d7: {  	(pc) =	sbr.rel @!p0 .LBB2_6-.Ltmp5, $4  }
0x1d8: {  	_ = 	snop  }
0x1d9: {  	[bflag:$0x0] =	sbarrier.arrive $0xFFFF  }
0x1da: {  	s4 =	simm.s32 $0xD  }
0x1db: {  	_ = 	snop  }
.LBB2_4:
0x1dc: {  	s5 =	rddreg [dreg:$0x10];
	s4 =	simm.s32 $0xD  }
0x1dd: {  	[tilespmem:s2], [sflag:$0xD] =	stream.linear.gather [hbm4b:s5+s2], $0x80, $0x38;
	[tilespmem:$0x1FE80] =	vst v63  }
0x1de: {  	_ =	swait.ge [sflag:s4], $0x80  }
0x1df: {  	[sflag:s4] =	ssyncset.done $0x0  }
0x1e0: {  	s20 =	rddreg [dreg:$0x11];
	[sflag:s4] =	ssyncadd.s32 $0xFFFFFF80  }
0x1e1: {  	[tilespmem:s23], [sflag:$0xD] =	stream.linear.gather [hbm4b:s20+s2], $0x80, $0x38;
	[tilespmem:$0x1FE80] =	vst v63  }
0x1e2: {  	_ =	swait.ge [sflag:s4], $0x80  }
0x1e3: {  	[sflag:s4] =	ssyncset.done $0x0  }
0x1e4: {  	[sflag:s4] =	ssyncadd.s32 $0xFFFFFF80  }
0x1e5: {  	[tilespmem:s31], [sflag:$0x7] =	stream.indirect.gather [hbm4b:s3+s21], $0x80, s2, s21, $0xb8;
	[tilespmem:$0x1FE80] =	vst v63  }
0x1e6: {  	_ =	swait.ge [sflag:s30], $0x4000  }
0x1e7: {  	[sflag:s30] =	ssyncset.done $0x0  }
0x1e8: {  	[sflag:s30] =	ssyncadd.s32 $0xFFFFC000  }
0x1e9: {  	[spmem:s1] =	stream.indirect.scatter.add.f32 [tilespmem:s31], [sflag:$0xD], $0x80, s23, s21, $0xb8;
	[tilespmem:$0x1FE80] =	vst v63  }
0x1ea: {  	_ =	swait.ge [sflag:s4], $0x4000  }
0x1eb: {  	[sflag:s4] =	ssyncset.done $0x0  }
0x1ec: {  	[sflag:s4] =	ssyncadd.s32 $0xFFFFC000  }
0x1ed: {  	[bflag:$0x0] =	sbarrier.arrive $0xFFFF  }
.LBB2_6:
0x1ee: {  	s5 =	stileid.u32;
	s7 =	rddreg [dreg:$0x5]  }
0x1ef: {  	s16 =	rddreg [dreg:$0x12];
	s5 =	sshll.u32 s5, $0x6  }
.Ltmp6:
0x1f0: {  	s7 =	sshrl.u32 s7, $0x3;
	s5 =	sor.u32 $0x1C0D, s5;
	(pc) =	sbr.rel .LBB2_8-.Ltmp6, $4  }
0x1f1: {  	[hbm:s16], [sflag:s5] =	dma.local [spmem:s7], $0x2780  }
0x1f2: {  	_ =	swait.ge [sflag:s4], $0x2780  }
0x1f3: {  	[sflag:s4] =	ssyncset.done $0x0  }
0x1f4: {  	[sflag:s4] =	ssyncadd.s32 $0xFFFFD880;
	s4 =	rddreg [dreg:$0x14]  }
.LBB2_9:
0x1f5: {  	_ =	sfence.sel $0x180000  }
0x1f6: {  	[bflag:$0x0] =	sbarrier.arrive $0xFFFF  }
0x1f7: {  	_ =	strace $0x9000004D  }
0x1f8: {  	[bflag:$0x2] =	sbarrier.arrive $0xFFFF  }
0x1f9: {  	s0 =	rddreg [dreg:$0x2]  }
0x1fa: {  	s0 =	sadd.s32 @!p1 $0x100000, s0  }
0x1fb: {  	[sflag:s0] =	ssyncadd.tile.s32 @!p1 $0x1;
	_ =	shalt  }
.Lfunc_end2:
_tile_overlayer_lowered:
.L_overlay_start_2:
0x1fc: {  	(tag) =	ssettag $0x2  }
0x1fd: {  	s0 =	rddreg [dreg:$0x0];
	s2 =	stileid.u32  }
0x1fe: {  	s1 =	rddreg [dreg:$0x1];
	p0 =	sne.s32 s2, $0x0  }
0x1ff: {  	s3 =	rddreg [dreg:$0x2];
	[bflag:$0x3] =	sbarrier.arrive $0xFFFF;
	s2 =	simm.s32 @!p0 $0x1C0D  }
0x200: {  	[timem:s3], [sflag:s2] =	dma.local @!p0 [hbm:s0], s1  }
0x201: {  	s0 =	simm.s32 @!p0 $0xD  }
0x202: {  	_ =	swait.ge @!p0 [sflag:s0], s1  }
0x203: {  	s1 =	ssub.s32 @!p0 $0x0, s1;
	[sflag:s0] =	ssyncset.done @!p0 $0x0  }
0x204: {  	[sflag:s0] =	ssyncadd.s32 @!p0 s1  }
0x205: {  	[bflag:$0x3] =	sbarrier.arrive $0xFFFF  }
0x206: {  	_ =	shalt  }

// kernel: kernel.9.cloned.1.call-start
scs
__scs_entry_jumppad:
0x0: {  	(pc) =	sbr.rel $0x88, $3  }
0x1: {  	(tag) =	ssettag $0x0;
	lr =	simm.s32 $0x1  }
0x2: {  	[smem:$0x3F97] =	sst lr;
	_ =	strace $0xD0000000  }
0x3: {  	_ = 	snop  }
0x4: {  	_ = 	snop  }
0x5: {  	_ = 	snop  }
0x6: {  	_ = 	snop  }
0x7: {  	_ = 	snop  }
__scs_overlays_trampoline_lowered:
0x8: {  	[smem:$0x3FA6] =	sst s0  }
0x9: {  	[smem:$0x3FA7] =	sst s1  }
0xa: {  	[smem:$0x3FA8] =	sst s2  }
0xb: {  	[smem:$0x3FA9] =	sst s3  }
0xc: {  	[smem:$0x3FAA] =	sst s4  }
0xd: {  	[smem:$0x3FAB] =	sst s5  }
0xe: {  	[smem:$0x3FAC] =	sst s6  }
0xf: {  	[smem:$0x3FAD] =	sst s7  }
0x10: {  	[smem:$0x3FAE] =	sst s8  }
0x11: {  	[smem:$0x3FAF] =	sst s9;
	s0 =	simm.s32 @!p0 $0x0  }
0x12: {  	s1 =	sld [smem:$0x3F95];
	s0 =	simm.s32 @p0 $0x1  }
0x13: {  	[smem:$0x3FB0] =	sst s0;
	s0 =	simm.s32 @!p1 $0x0  }
0x14: {  	s2 =	sld [smem:$0x3F94];
	s0 =	simm.s32 @p1 $0x1  }
0x15: {  	[smem:$0x3FB1] =	sst s0;
	s0 =	simm.s32 @!p2 $0x0  }
0x16: {  	s3 =	sld [smem:$0x3FDB];
	s0 =	simm.s32 @p2 $0x1  }
0x17: {  	s4 =	simm.s32 $0x1BF5;
	[smem:$0x3FB3] =	sst s0  }
0x18: {  	s0 =	sld [smem:$0x3F96];
	_ =	swait.ge [sflag:s4], $0x0  }
0x19: {  	s7 =	sld [smem:$0x3F97]  }
0x1a: {  	s8 =	sadd.s32 $0xFFFFE003, lr  }
0x1b: {  	s9 =	sadd.s32 $0xFFFFFEF7, lr;
	s5 =	simm.s32 $0xFFFFFFFF;
	p2 =	slt.u32 s8, $0xFFFFF086  }
0x1c: {  	p1 =	slt.u32 s9, $0xF7A;
	s5 =	simm.s32 @!p2 $0x0  }
0x1d: {  	s5 =	simm.s32 @p1 $0x1;
	p0 =	seq.s32 s7, s2  }
0x1e: {  	s7 =	smul.u32 @!p0 $0xF7A, s2;
	p2 =	seq.s32 @!p0 s5, $0x0  }
0x1f: {  	s9 =	smul.u32 $0xF7A, s1;
	s8 =	simm.s32 @!p0 $0x1BF5;
	p2 =	por !p2, p0  }
0x20: {  	[sflag:s8] =	ssyncset.s32 @!p0 $0xFFFFF086;
	s6 =	sadd.s32 @!p0 s3, s7;
	s7 =	simm.s32 @!p0 $0x108  }
0x21: {  	s3 =	sadd.s32 s3, s9;
	s6 =	sadd.s32 @!p0 $0x88, s6;
	s7 =	simm.s32 @p2 $0x1082  }
0x22: {  	[simem:s7], [sflag:s8] =	dma.local @!p0 [hbm:s6], $0xF7A  }
0x23: {  	s9 =	sor.u32 $0xD0000000, s2;
	s6 =	simm.s32 $0x108;
	_ =	swait.ge @!p0 [sflag:s8], $0x0  }
0x24: {  	s3 =	sadd.s32 $0x88, s3;
	s6 =	simm.s32 @!p1 $0x1082;
	[sflag:s4] =	ssyncset.s32 $0xFFFFF086  }
0x25: {  	[simem:s6], [sflag:s4] =	dma.local [hbm:s3], $0xF7A  }
0x26: {  	[smem:$0x3F97] =	sst s1;
	(tag) =	ssettag s2;
	_ =	strace s9  }
0x27: {  	s1 =	sld [smem:$0x3FA7]  }
0x28: {  	s2 =	sld [smem:$0x3FA8]  }
0x29: {  	s4 =	sld [smem:$0x3FAA]  }
0x2a: {  	p0 =	seq.s32 s5, $0x0;
	s5 =	sld [smem:$0x3FAB]  }
0x2b: {  	s6 =	sld [smem:$0x3FAC]  }
0x2c: {  	s7 =	sld [smem:$0x3FAD]  }
0x2d: {  	s3 =	simm.s32 $0x108;
	s8 =	sld [smem:$0x3FAE]  }
0x2e: {  	s3 =	simm.s32 @!p0 $0x1082;
	s9 =	sld [smem:$0x3FAF]  }
0x2f: {  	lr =	sadd.s32 s0, s3;
	s0 =	sld [smem:$0x3FA6]  }
0x30: {  	s3 =	sld [smem:$0x3FA9]  }
0x31: {  	[smem:$0x3FB2] =	sst s10  }
0x32: {  	s10 =	sld [smem:$0x3FB0];
	_ =	sdelay $0x3  }
0x33: {  	p0 =	seq.s32 s10, $0x1;
	s10 =	sld [smem:$0x3FB2];
	_ =	sdelay $0x3  }
0x34: {  	[smem:$0x3FB2] =	sst s10  }
0x35: {  	s10 =	sld [smem:$0x3FB1];
	_ =	sdelay $0x3  }
0x36: {  	p1 =	seq.s32 s10, $0x1;
	s10 =	sld [smem:$0x3FB2];
	_ =	sdelay $0x3  }
0x37: {  	[smem:$0x3FB2] =	sst s10  }
0x38: {  	s10 =	sld [smem:$0x3FB3]  }
0x39: {  	_ = 	snop;
	(pc) =	sbr.ind lr, $3  }
0x3a: {  	_ = 	snop  }
0x3b: {  	_ = 	snop  }
0x3c: {  	p2 =	seq.s32 s10, $0x1;
	s10 =	sld [smem:$0x3FB2]  }
0x3d: {  	_ =	shalt  }
0x3e: {  	_ =	shalt  }
0x3f: {  	_ =	shalt  }
0x40: {  	_ =	shalt  }
0x41: {  	_ =	shalt  }
0x42: {  	_ =	shalt  }
0x43: {  	_ =	shalt  }
0x44: {  	_ =	shalt  }
0x45: {  	_ =	shalt  }
0x46: {  	_ =	shalt  }
0x47: {  	_ =	shalt  }
0x48: {  	_ =	shalt  }
0x49: {  	_ =	shalt  }
0x4a: {  	_ =	shalt  }
0x4b: {  	_ =	shalt  }
0x4c: {  	_ =	shalt  }
0x4d: {  	_ =	shalt  }
0x4e: {  	_ =	shalt  }
0x4f: {  	_ =	shalt  }
0x50: {  	_ =	shalt  }
0x51: {  	_ =	shalt  }
0x52: {  	_ =	shalt  }
0x53: {  	_ =	shalt  }
0x54: {  	_ =	shalt  }
0x55: {  	_ =	shalt  }
0x56: {  	_ =	shalt  }
0x57: {  	_ =	shalt  }
0x58: {  	_ =	shalt  }
0x59: {  	_ =	shalt  }
0x5a: {  	_ =	shalt  }
0x5b: {  	_ =	shalt  }
0x5c: {  	_ =	shalt  }
0x5d: {  	_ =	shalt  }
0x5e: {  	_ =	shalt  }
0x5f: {  	_ =	shalt  }
0x60: {  	_ =	shalt  }
0x61: {  	_ =	shalt  }
0x62: {  	_ =	shalt  }
0x63: {  	_ =	shalt  }
0x64: {  	_ =	shalt  }
0x65: {  	_ =	shalt  }
0x66: {  	_ =	shalt  }
0x67: {  	_ =	shalt  }
0x68: {  	_ =	shalt  }
0x69: {  	_ =	shalt  }
0x6a: {  	_ =	shalt  }
0x6b: {  	_ =	shalt  }
0x6c: {  	_ =	shalt  }
0x6d: {  	_ =	shalt  }
0x6e: {  	_ =	shalt  }
0x6f: {  	_ =	shalt  }
0x70: {  	_ =	shalt  }
0x71: {  	_ =	shalt  }
0x72: {  	_ =	shalt  }
0x73: {  	_ =	shalt  }
0x74: {  	_ =	shalt  }
0x75: {  	_ =	shalt  }
0x76: {  	_ =	shalt  }
0x77: {  	_ =	shalt  }
0x78: {  	_ =	shalt  }
0x79: {  	_ =	shalt  }
0x7a: {  	_ =	shalt  }
0x7b: {  	_ =	shalt  }
0x7c: {  	_ =	shalt  }
0x7d: {  	_ =	shalt  }
0x7e: {  	_ =	shalt  }
0x7f: {  	_ =	shalt  }
0x80: {  	_ =	shalt  }
0x81: {  	_ =	shalt  }
0x82: {  	_ =	shalt  }
0x83: {  	_ =	shalt  }
0x84: {  	_ =	shalt  }
0x85: {  	_ =	shalt  }
0x86: {  	_ =	shalt  }
0x87: {  	_ =	shalt  }
.Lfunc_end0:
.L_simem_size_0:
called_computation_lowered:
.L_overlay_start_0:
0x88: {  	s2 =	sld [smem:$0x3FD9]  }
0x89: {  	s3 =	sld [smem:$0x3FFE];
	_ =	sdelay $0x1  }
0x8a: {  	s1 =	srdreg.scid  }
0x8b: {  	s0 =	sand.u32 $0x1, s1  }
0x8c: {  	s16 =	sshll.u32 s0, $0xA;
	s2 =	sadd.s32 s3, s2  }
0x8d: {  	s2 =	sadd.s32 s2, s16  }
0x8e: {  	[smem:$0x3FBE] =	sst s2  }
0x8f: {  	_ = 	snop  }
0x90: {  	(tm) =	ssettm $0x1  }
0x91: {  	s17 =	sld [smem:$0x3FFB];
	_ =	sdelay $0x3  }
0x92: {  	_ =	strace s17  }
0x93: {  	s2 =	sld [smem:$0x3FFC];
	_ =	sdelay $0x3  }
0x94: {  	_ =	strace s2  }
0x95: {  	s2 =	sld [smem:$0x3FFD];
	_ =	sdelay $0x3  }
0x96: {  	_ =	strace s2  }
0x97: {  	_ =	strace $0x8FFFFFFF  }
0x98: {  	s18 =	sld [smem:$0x3FDB];
	_ =	sdelay $0x1  }
0x99: {  	s19 =	simm.s32 $_scs_section_size  }
0x9a: {  	s4 =	simm.s32 $_size__tile_overlayer_lowered;
	s5 =	simm.s32 $_tile_overlayer_lowered  }
0x9b: {  	s22 =	simm.s32 $0x1BFF;
	s21 =	sshll.u32 s5, $0x1;
	s2 =	sadd.s32 s19, s18  }
0x9c: {  	s6 =	simm.s32 $0x0;
	s20 =	sshll.u32 s4, $0x1;
	s4 =	sadd.s32 s21, s2  }
0x9d: {  	[timem:s6], [sflag:s22] =	dma.local [hbm:s4], s20  }
0x9e: {  	_ =	swait.ge [sflag:s22], s20  }
0x9f: {  	s3 =	ssub.s32 $0x0, s20;
	[sflag:s22] =	ssyncset.done $0x0  }
0xa0: {  	[sflag:s22] =	ssyncadd.s32 s3;
	_ =	sdelay $0x1  }
0xa1: {  	s23 =	simm.s32 $0x1B8B  }
0xa2: {  	_ =	swait.ge [sflag:s23], $0x1  }
0xa3: {  	[sflag:s23] =	ssyncset.done $0x0  }
0xa4: {  	s25 =	simm.s32 $0x1B8E;
	s24 =	sld [smem:$0x3FFE];
	[sflag:s23] =	ssyncadd.s32 $0xFFFFFFFF  }
0xa5: {  	s26 =	simm.s32 $execute0_lowered;
	[smem:$0x3FD2] =	sst s25  }
0xa6: {  	s4 =	sshll.u32 s26, $0x1;
	_ =	strace $0x80000046;
	[dreg:$0x1] =	wrdreg $0xFFFFFFFF  }
0xa7: {  	s28 =	simm.s32 $_size_execute0_lowered;
	s2 =	sadd.s32 s2, s4;
	[dreg:$0x0] =	wrdreg $0x0  }
0xa8: {  	s4 =	sshll.u32 s28, $0x1;
	[dreg:$0x2] =	wrdreg s2  }
0xa9: {  	[dreg:$0x3] =	wrdreg s4  }
0xaa: {  	[dreg:$0x4] =	wrdreg $0xC0  }
0xab: {  	_ =	task [dreg:s6], $0x5FFFF  }
0xac: {  	[dreg:$0x1] =	wrdreg $0xFFFFFFFF  }
0xad: {  	[dreg:$0x0] =	wrdreg $0x60  }
0xae: {  	[dreg:$0x2] =	wrdreg s24  }
0xaf: {  	[dreg:$0x3] =	wrdreg $0x41800  }
0xb0: {  	[dreg:$0x4] =	wrdreg $0x9  }
0xb1: {  	_ =	task.clear_ibuf [dreg:s6], $0x5FFFF;
	_ =	strace $0x90000046  }
0xb2: {  	s29 =	simm.s32 $0x9;
	_ =	strace $0x80000048  }
0xb3: {  	_ =	swait.ge [sflag:s29], $0x1  }
0xb4: {  	[sflag:s29] =	ssyncadd.s32 $0xFFFFFFFF  }
0xb5: {  	_ =	strace $0x90000048  }
0xb6: {  	_ =	sfence  }
0xb7: {  	s30 =	sld [smem:$0x0];
	_ =	sdelay $0x2  }
0xb8: {  	s31 =	sshll.u32 s1, $0xD;
	s1 =	sshrl.u32 s1, $0x2  }
0xb9: {  	s3 =	sand.u32 $0x4000, s31;
	s1 =	sadd.s32 s1, s30  }
0xba: {  	s0 =	sor.u32 s3, s0;
	s1 =	sshll.u32 s1, $0x11  }
0xbb: {  	s0 =	sor.u32 s1, s0  }
0xbc: {  	s0 =	sadd.s32 $0x8F2B, s0  }
0xbd: {  	[sflag:s0] =	ssyncadd.remote.s32 $0x1  }
0xbe: {  	_ =	sfence.sel $0xFFFF  }
0xbf: {  	[dreg:$0x0] =	wrdreg $0xFFFFFFFF;
	(pc) =	sbr.abs _section_cstart, $3  }
0xc0: {  	[dreg:$0x1] =	wrdreg $0xFFFFFFFF  }
0xc1: {  	_ =	task.clear_ibuf [dreg:s6], $0x2FFFF;
	_ =	strace $0x9FFFFFFF  }
0xc2: {  	(tm) =	ssettm $0x7FFFFFFF  }
0xc3: {  	_ =	shalt  }
tec
execute0_lowered:
.L_overlay_start_1:
0x0: {  	(tag) =	ssettag $0x1  }
0x1: {  	s0 =	rddreg [dreg:$0x0]  }
0x2: {  	s1 =	rddreg [dreg:$0x1];
	s2 =	simm.s32 $0x0  }
0x3: {  	s3 =	stileid.u32;
	s4 =	srdreg.scid;
	s20 =	simm.s32 $0x180  }
0x4: {  	s21 =	simm.s32 $0x7;
	s22 =	simm.s32 $0x80;
	s23 =	simm.s32 $0x100  }
0x5: {  	s28 =	simm.s32 $0x4;
	s29 =	simm.s32 $0x5;
	s30 =	simm.s32 $0x6  }
0x6: {  	[smem:$0x7FF] =	sst s2;
	s5 =	smul.u32 $0x2780, s3;
	s6 =	sand.u32 $0x1, s4  }
0x7: {  	s7 =	smul.u32 $0x4F000, s3;
	s11 =	sadd.s32 $0x7800, s0;
	s4 =	sadd.s32 $0xC800, s0  }
0x8: {  	s13 =	sadd.s32 $0x34200, s0;
	s16 =	sshll.u32 s3, $0x5;
	s17 =	smul.u32 $0x13C00, s3  }
0x9: {  	p0 =	seq.s32 s3, $0xF;
	p1 =	sne.s32 s3, $0x0;
	_ =	strace $0x80000047  }
0xa: {  	s8 =	ssub.s32 $0x2, s6;
	s12 =	sshll.u32 s6, $0x4;
	s15 =	smul.u32 $0x138800, s6  }
0xb: {  	s9 =	sadd.s32 s5, s0;
	s24 =	sshrl.u32 s8, $0x1;
	s7 =	sshrl.u32 s7, $0x2  }
0xc: {  	s25 =	sor.u32 s12, s16;
	s31 =	sadd.s32 s12, s11;
	s14 =	ssub.s32 s8, s24  }
0xd: {  	s5 =	sadd.s32 s7, s1;
	s6 =	sadd.s32 $0xD000, s9;
	s7 =	sadd.s32 $0x128400, s1  }
0xe: {  	s8 =	sadd.s32 $0x32080, s0;
	s9 =	sadd.s32 s11, s25;
	s26 =	sshrl.u32 s15, $0x3  }
0xf: {  	s15 =	sadd.s32 s17, s15;
	s12 =	sadd.s32 $0x4E00, s31;
	s16 =	sadd.s32 s16, s31  }
0x10: {  	s24 =	simm.s32 $0x1;
	s25 =	simm.s32 $0x2;
	s10 =	sadd.s32 $0x200, s9  }
.Ltmp0:
0x11: {  	s0 =	sadd.s32 s13, s26;
	s15 =	sshrl.u32 s15, $0x3;
	(pc) =	sbr.rel .LBB2_1-.Ltmp0, $4  }
0x12: {  	s14 =	smax.u32 s14, $0x1;
	[dreg:$0x3] =	wrdreg s7;
	s17 =	sshrl.u32 @p0 s7, $0x3  }
0x13: {  	s19 =	sshrl.u32 @!p0 s5, $0x3;
	s26 =	simm.s32 $0x3;
	s0 =	sadd.s32 $0x25080, s0  }
0x14: {  	s13 =	sadd.s32 s13, s15;
	[dreg:$0x4] =	wrdreg s0;
	s0 =	sshll.u32 @!p0 s3, $0x6  }
0x15: {  	s15 =	sadd.s32 $0x400, s9;
	s18 =	sor.u32 @!p0 $0x1C07, s0;
	s0 =	simm.s32 $0x0  }
.LBB2_7:
0x16: {  	s7 =	rddreg [dreg:$0x3]  }
0x17: {  	s11 =	rddreg [dreg:$0x4];
	s31 =	simm.s32 $0x1FC7;
	s7 =	sshrl.u32 s7, $0x3  }
0x18: {  	[hbm:s11], [sflag:s31] =	dma.local [spmem:s7], $0x2080  }
0x19: {  	_ =	swait.ge [sflag:s21], $0x2080  }
0x1a: {  	[sflag:s21] =	ssyncset.done $0x0  }
0x1b: {  	[sflag:s21] =	ssyncadd.s32 $0xFFFFDF80  }
.LBB2_8:
0x1c: {  	s0 =	sadd.s32 $0x1, s0  }
0x1d: {  	p2 =	sne.s32 s0, s14  }
.Ltmp1:
0x1e: {  	_ = 	snop;
	(pc) =	sbr.rel @!p2 .LBB2_9-.Ltmp1, $1  }
0x1f: {  	_ =	sdelay $0x3  }
.LBB2_1:
0x20: {  	s31 =	simm.s32 @p0 $0x1FC7  }
0x21: {  	[spmem:s17], [sflag:s31] =	dma.local @p0 [hbm:s8], $0x2080  }
0x22: {  	s31 =	simm.s32 @p0 $0x7  }
0x23: {  	_ =	swait.ge @p0 [sflag:s31], $0x2080  }
0x24: {  	[sflag:s31] =	ssyncset.done @p0 $0x0  }
0x25: {  	[sflag:s31] =	ssyncadd.s32 @p0 $0xFFFFDF80;
	s31 =	simm.s32 @!p0 $0x7  }
0x26: {  	[spmem:s19], [sflag:s18] =	dma.local @!p0 [hbm:s6], $0x2780  }
0x27: {  	_ =	swait.ge @!p0 [sflag:s31], $0x2780  }
0x28: {  	[sflag:s31] =	ssyncset.done @!p0 $0x0  }
0x29: {  	[sflag:s31] =	ssyncadd.s32 @!p0 $0xFFFFD880  }
0x2a: {  	[tilespmem:s20], [sflag:$0x7] =	stream.linear.gather [hbm4b:s4+s2], $0x4000, $0x38;
	[tilespmem:$0x17A00] =	vst v63  }
0x2b: {  	_ =	swait.ge [sflag:s21], $0x4000  }
0x2c: {  	[sflag:s21] =	ssyncset.done $0x0  }
0x2d: {  	[sflag:s21] =	ssyncadd.s32 $0xFFFFC000  }
0x2e: {  	[bflag:$0x0] =	sbarrier.arrive $0xFFFF  }
0x2f: {  	[tilespmem:s2], [sflag:$0x1] =	stream.linear.gather [hbm4b:s9+s2], $0x80, $0x38;
	[tilespmem:$0x17A00] =	vst v63  }
0x30: {  	_ = 	snop  }
0x31: {  	[tilespmem:s22], [sflag:$0x2] =	stream.linear.gather [hbm4b:s10+s2], $0x80, $0x38;
	[tilespmem:$0x17A00] =	vst v63  }
0x32: {  	_ = 	snop  }
0x33: {  	[tilespmem:s23], [sflag:$0x3] =	stream.linear.gather [hbm4b:s15+s2], $0x80, $0x38;
	[tilespmem:$0x17A00] =	vst v63  }
0x34: {  	_ =	swait.ge [sflag:s24], $0x80  }
0x35: {  	[sflag:s24] =	ssyncset.done $0x0  }
0x36: {  	[sflag:s24] =	ssyncadd.s32 $0xFFFFFF80  }
0x37: {  	[spmem:s1] =	stream.indirect.scatter.add.f32 [tilespmem:s20], [sflag:$0x4], $0x80, s2, s22, $0xb8;
	[tilespmem:$0x17A00] =	vst v63  }
0x38: {  	_ =	swait.ge [sflag:s25], $0x80  }
0x39: {  	[sflag:s25] =	ssyncset.done $0x0  }
0x3a: {  	[sflag:s25] =	ssyncadd.s32 $0xFFFFFF80  }
0x3b: {  	[spmem:s1] =	stream.indirect.scatter.add.f32 [tilespmem:s20], [sflag:$0x5], $0x80, s22, s22, $0xb8;
	[tilespmem:$0x17A00] =	vst v63  }
0x3c: {  	_ =	swait.ge [sflag:s26], $0x80  }
0x3d: {  	[sflag:s26] =	ssyncset.done $0x0  }
0x3e: {  	[sflag:s26] =	ssyncadd.s32 $0xFFFFFF80  }
0x3f: {  	[spmem:s1] =	stream.indirect.scatter.add.f32 [tilespmem:s20], [sflag:$0x6], $0x80, s23, s22, $0xb8;
	[tilespmem:$0x17A00] =	vst v63  }
0x40: {  	_ =	swait.ge [sflag:s28], $0x4000  }
0x41: {  	s31 =	sadd.s32 $0xFFFFB800, s16;
	[sflag:s28] =	ssyncset.done $0x0  }
0x42: {  	s11 =	sadd.s32 $0x4E00, s31;
	[sflag:s28] =	ssyncadd.s32 $0xFFFFC000  }
0x43: {  	[tilespmem:s2], [sflag:$0x1] =	stream.linear.gather [hbm4b:s11+s2], $0x80, $0x38;
	[tilespmem:$0x17A00] =	vst v63  }
0x44: {  	_ =	swait.ge [sflag:s29], $0x4000  }
0x45: {  	[sflag:s29] =	ssyncset.done $0x0  }
0x46: {  	s7 =	sadd.s32 $0x5000, s31;
	[sflag:s29] =	ssyncadd.s32 $0xFFFFC000  }
0x47: {  	[tilespmem:s22], [sflag:$0x2] =	stream.linear.gather [hbm4b:s7+s2], $0x80, $0x38;
	[tilespmem:$0x17A00] =	vst v63  }
0x48: {  	_ =	swait.ge [sflag:s30], $0x4000  }
0x49: {  	[sflag:s30] =	ssyncset.done $0x0  }
0x4a: {  	s7 =	sadd.s32 $0x5200, s31;
	[sflag:s30] =	ssyncadd.s32 $0xFFFFC000  }
0x4b: {  	[tilespmem:s23], [sflag:$0x3] =	stream.linear.gather [hbm4b:s7+s2], $0x80, $0x38;
	[tilespmem:$0x17A00] =	vst v63  }
0x4c: {  	_ =	swait.ge [sflag:s24], $0x80  }
0x4d: {  	[sflag:s24] =	ssyncset.done $0x0  }
0x4e: {  	[sflag:s24] =	ssyncadd.s32 $0xFFFFFF80  }
0x4f: {  	[spmem:s1] =	stream.indirect.scatter.add.f32 [tilespmem:s20], [sflag:$0x4], $0x80, s2, s22, $0xb8;
	[tilespmem:$0x17A00] =	vst v63  }
0x50: {  	_ =	swait.ge [sflag:s25], $0x80  }
0x51: {  	[sflag:s25] =	ssyncset.done $0x0  }
0x52: {  	[sflag:s25] =	ssyncadd.s32 $0xFFFFFF80  }
0x53: {  	[spmem:s1] =	stream.indirect.scatter.add.f32 [tilespmem:s20], [sflag:$0x5], $0x80, s22, s22, $0xb8;
	[tilespmem:$0x17A00] =	vst v63  }
0x54: {  	_ =	swait.ge [sflag:s26], $0x80  }
0x55: {  	[sflag:s26] =	ssyncset.done $0x0  }
0x56: {  	s31 =	simm.s32 $0xFFFFBE00;
	[sflag:s26] =	ssyncadd.s32 $0xFFFFFF80  }
.LBB2_2:
0x57: {  	[spmem:s1] =	stream.indirect.scatter.add.f32 [tilespmem:s20], [sflag:$0x6], $0x80, s23, s22, $0xb8;
	[tilespmem:$0x17A00] =	vst v63  }
0x58: {  	s11 =	smov.u32 s31  }
0x59: {  	p2 =	sne.s32 s31, $0xFFFFFA00;
	s31 =	sadd.s32 $0x600, s31;
	_ =	swait.ge [sflag:s28], $0x4000  }
0x5a: {  	s11 =	sadd.s32 s11, s16;
	[sflag:s28] =	ssyncset.done $0x0  }
0x5b: {  	s7 =	sadd.s32 $0x4E00, s11;
	[sflag:s28] =	ssyncadd.s32 $0xFFFFC000  }
0x5c: {  	[tilespmem:s2], [sflag:$0x1] =	stream.linear.gather [hbm4b:s7+s2], $0x80, $0x38;
	[tilespmem:$0x17A00] =	vst v63  }
0x5d: {  	_ =	swait.ge [sflag:s29], $0x4000  }
0x5e: {  	[sflag:s29] =	ssyncset.done $0x0  }
0x5f: {  	s7 =	sadd.s32 $0x5000, s11;
	[sflag:s29] =	ssyncadd.s32 $0xFFFFC000  }
0x60: {  	[tilespmem:s22], [sflag:$0x2] =	stream.linear.gather [hbm4b:s7+s2], $0x80, $0x38;
	[tilespmem:$0x17A00] =	vst v63  }
0x61: {  	_ =	swait.ge [sflag:s30], $0x4000  }
0x62: {  	[sflag:s30] =	ssyncset.done $0x0  }
0x63: {  	s7 =	sadd.s32 $0x5200, s11;
	[sflag:s30] =	ssyncadd.s32 $0xFFFFC000  }
0x64: {  	[tilespmem:s23], [sflag:$0x3] =	stream.linear.gather [hbm4b:s7+s2], $0x80, $0x38;
	[tilespmem:$0x17A00] =	vst v63  }
0x65: {  	_ =	swait.ge [sflag:s24], $0x80  }
0x66: {  	[sflag:s24] =	ssyncset.done $0x0  }
0x67: {  	[sflag:s24] =	ssyncadd.s32 $0xFFFFFF80  }
0x68: {  	[spmem:s1] =	stream.indirect.scatter.add.f32 [tilespmem:s20], [sflag:$0x4], $0x80, s2, s22, $0xb8;
	[tilespmem:$0x17A00] =	vst v63  }
0x69: {  	_ =	swait.ge [sflag:s25], $0x80  }
0x6a: {  	[sflag:s25] =	ssyncset.done $0x0  }
.Ltmp2:
0x6b: {  	[sflag:s25] =	ssyncadd.s32 $0xFFFFFF80;
	(pc) =	sbr.rel @p2 .LBB2_2-.Ltmp2, $4  }
0x6c: {  	[spmem:s1] =	stream.indirect.scatter.add.f32 [tilespmem:s20], [sflag:$0x5], $0x80, s22, s22, $0xb8;
	[tilespmem:$0x17A00] =	vst v63  }
0x6d: {  	_ =	swait.ge [sflag:s26], $0x80  }
0x6e: {  	[sflag:s26] =	ssyncset.done $0x0  }
0x6f: {  	[sflag:s26] =	ssyncadd.s32 $0xFFFFFF80  }
0x70: {  	[spmem:s1] =	stream.indirect.scatter.add.f32 [tilespmem:s20], [sflag:$0x6], $0x80, s23, s22, $0xb8;
	[tilespmem:$0x17A00] =	vst v63  }
0x71: {  	_ =	swait.ge [sflag:s28], $0x4000  }
0x72: {  	[sflag:s28] =	ssyncset.done $0x0  }
0x73: {  	[sflag:s28] =	ssyncadd.s32 $0xFFFFC000  }
0x74: {  	_ =	swait.ge [sflag:s29], $0x4000  }
.Ltmp3:
0x75: {  	[sflag:s29] =	ssyncset.done $0x0;
	(pc) =	sbr.rel @!p1 .LBB2_4-.Ltmp3, $4  }
0x76: {  	[sflag:s29] =	ssyncadd.s32 $0xFFFFC000  }
0x77: {  	_ =	swait.ge [sflag:s30], $0x4000  }
0x78: {  	[sflag:s30] =	ssyncset.done $0x0  }
0x79: {  	[sflag:s30] =	ssyncadd.s32 $0xFFFFC000  }
.Ltmp4:
0x7a: {  	(pc) =	sbr.rel @p0 .LBB2_7-.Ltmp4, $4  }
.Ltmp5:
0x7b: {  	(pc) =	sbr.rel @!p0 .LBB2_6-.Ltmp5, $4  }
0x7c: {  	_ = 	snop  }
0x7d: {  	[bflag:$0x0] =	sbarrier.arrive $0xFFFF  }
0x7e: {  	_ = 	snop  }
0x7f: {  	_ = 	snop  }
.LBB2_4:
0x80: {  	[tilespmem:s2], [sflag:$0x7] =	stream.linear.gather [hbm4b:s12+s2], $0x80, $0x38;
	[tilespmem:$0x17A00] =	vst v63  }
0x81: {  	_ =	swait.ge [sflag:s21], $0x80  }
0x82: {  	[sflag:s21] =	ssyncset.done $0x0  }
0x83: {  	[sflag:s21] =	ssyncadd.s32 $0xFFFFFF80  }
0x84: {  	[spmem:s1] =	stream.indirect.scatter.add.f32 [tilespmem:s20], [sflag:$0x7], $0x80, s2, s22, $0xb8;
	[tilespmem:$0x17A00] =	vst v63  }
0x85: {  	_ =	swait.ge [sflag:s21], $0x4000  }
0x86: {  	[sflag:s21] =	ssyncset.done $0x0  }
0x87: {  	[sflag:s21] =	ssyncadd.s32 $0xFFFFC000  }
0x88: {  	[bflag:$0x0] =	sbarrier.arrive $0xFFFF  }
.LBB2_6:
0x89: {  	s7 =	sshll.u32 s3, $0x6  }
.Ltmp6:
0x8a: {  	s11 =	sshrl.u32 s5, $0x3;
	s7 =	sor.u32 $0x1C07, s7;
	(pc) =	sbr.rel .LBB2_8-.Ltmp6, $4  }
0x8b: {  	[hbm:s13], [sflag:s7] =	dma.local [spmem:s11], $0x2780  }
0x8c: {  	_ =	swait.ge [sflag:s21], $0x2780  }
0x8d: {  	[sflag:s21] =	ssyncset.done $0x0  }
0x8e: {  	[sflag:s21] =	ssyncadd.s32 $0xFFFFD880  }
.LBB2_9:
0x8f: {  	_ =	sfence.sel $0x180000  }
0x90: {  	[bflag:$0x0] =	sbarrier.arrive $0xFFFF  }
0x91: {  	_ =	strace $0x90000047  }
0x92: {  	[bflag:$0x2] =	sbarrier.arrive $0xFFFF  }
0x93: {  	s0 =	rddreg [dreg:$0x2]  }
0x94: {  	s0 =	sadd.s32 @!p1 $0x100000, s0  }
0x95: {  	[sflag:s0] =	ssyncadd.tile.s32 @!p1 $0x1;
	_ =	shalt  }
.Lfunc_end2:
_tile_overlayer_lowered:
.L_overlay_start_2:
0x96: {  	(tag) =	ssettag $0x2  }
0x97: {  	s0 =	rddreg [dreg:$0x0];
	s2 =	stileid.u32  }
0x98: {  	s1 =	rddreg [dreg:$0x1];
	p0 =	sne.s32 s2, $0x0  }
0x99: {  	s3 =	rddreg [dreg:$0x2];
	[bflag:$0x3] =	sbarrier.arrive $0xFFFF;
	s2 =	simm.s32 @!p0 $0x1C07  }
0x9a: {  	[timem:s3], [sflag:s2] =	dma.local @!p0 [hbm:s0], s1  }
0x9b: {  	s0 =	simm.s32 @!p0 $0x7  }
0x9c: {  	_ =	swait.ge @!p0 [sflag:s0], s1  }
0x9d: {  	s1 =	ssub.s32 @!p0 $0x0, s1;
	[sflag:s0] =	ssyncset.done @!p0 $0x0  }
0x9e: {  	[sflag:s0] =	ssyncadd.s32 @!p0 s1  }
0x9f: {  	[bflag:$0x3] =	sbarrier.arrive $0xFFFF  }
0xa0: {  	_ =	shalt  }

</sc_bundles>
